<compile_context>
chip_gen: v7x
topology: tpu7x:2x2x1
jax: 0.10.2.dev20260603
libtpu: 0.0.44.dev20260713+nightly
codegen_flags: <defaults>
</compile_context>

<pallas_src>
import functools

import jax
import jax.numpy as jnp
from jax import lax
from jax.experimental import pallas as pl
from jax.experimental.pallas import tpu as pltpu
from jax.experimental.pallas import tpu_sc as plsc

_OFFSETS = [(-1, -1), (-1, 0), (-1, 1), (0, 1), (1, 1), (1, 0), (1, -1), (0, -1)]

_NC = 2
_NS = 16
_L = 16


def _code_body(x_ref, o_ref, *, H, W):
    r = x_ref[0, 0]
    g = x_ref[0, 1]
    b = x_ref[0, 2]
    gray = 0.2989 * r + 0.587 * g + 0.114 * b

    gp = jnp.concatenate([gray[:1], gray, gray[-1:]], axis=0)
    gp = jnp.concatenate([gp[:, :1], gp, gp[:, -1:]], axis=1)

    code = jnp.zeros((H, W), jnp.int32)
    for k, (dy, dx) in enumerate(_OFFSETS):
        neigh = jax.lax.slice(gp, (1 + dy, 1 + dx), (1 + dy + H, 1 + dx + W))
        code = code + (1 << k) * (neigh >= gray).astype(jnp.int32)
    q = H // 4
    packed = (code[0:q]
              | (code[q:2 * q] << 8)
              | (code[2 * q:3 * q] << 16)
              | (code[3 * q:4 * q] << 24))
    o_ref[0] = packed


def _make_sc_hist(n_img, H, W, rows, spi):
    n_chunks = H // rows
    cpp = n_chunks // spi
    mesh = plsc.VectorSubcoreMesh(core_axis_name="c", subcore_axis_name="s")

    @functools.partial(
        pl.kernel,
        mesh=mesh,
        compiler_params=pltpu.CompilerParams(needs_layout_passes=False),
        out_type=jax.ShapeDtypeStruct((n_img, spi, 256), jnp.float32),
        scratch_types=[
            pltpu.VMEM((rows, W), jnp.int32),
            pltpu.VMEM((rows, W), jnp.int32),
            pltpu.VMEM((_L * 256,), jnp.float32),
            pltpu.VMEM((_L * 256,), jnp.float32),
            pltpu.VMEM((_L * 256,), jnp.float32),
            pltpu.VMEM((_L * 256,), jnp.float32),
            pltpu.VMEM((256,), jnp.float32),
            pltpu.SemaphoreType.DMA,
            pltpu.SemaphoreType.DMA,
        ],
    )
    def sc_hist(codes_hbm, out_hbm, buf0, buf1, h0, h1, h2, h3, out_v,
                sem0, sem1):
        hists = [h0, h1, h2, h3]
        wid = lax.axis_index("s") * _NC + lax.axis_index("c")
        img = wid // spi
        part = wid % spi

        def zero_step(i, _):
            z = jnp.zeros((_L,), jnp.float32)
            for h in hists:
                h[pl.ds(i * _L, _L)] = z
            return 0
        lax.fori_loop(0, (_L * 256) // _L, zero_step, 0)

        lane = lax.broadcasted_iota(jnp.int32, (_L,), 0)
        ones = jnp.ones((_L,), jnp.float32)

        bufs = [buf0, buf1]
        sems = [sem0, sem1]

        def start(c, slot):
            return pltpu.async_copy(
                codes_hbm.at[img, pl.ds((part * cpp + c) * rows, rows), :],
                bufs[slot], sems[slot])

        gpr = W // _L

        def consume(slot):
            buf = bufs[slot]

            @plsc.parallel_loop(0, rows * gpr, 1, unroll=4)
            def _(g):
                i = g // gpr
                j = g % gpr
                w = buf[i, pl.ds(j * _L, _L)]
                for k in range(4):
                    c = (w >> (8 * k)) & 255
                    plsc.addupdate_scatter(hists[k], [c * _L + lane], ones)

        cp = start(0, 0)
        for c in range(cpp):
            slot = c % 2
            cp.wait()
            if c + 1 < cpp:
                nxt = start(c + 1, 1 - slot)
            consume(slot)
            if c + 1 < cpp:
                cp = nxt

        def merge_step(i, _):
            sl = pl.ds(i * _L, _L)
            h0[sl] = (h0[sl] + h1[sl]) + (h2[sl] + h3[sl])
            return 0
        lax.fori_loop(0, (_L * 256) // _L, merge_step, 0)

        def fold_step(t, _):
            base = (t * _L + lane) * _L
            acc = jnp.zeros((_L,), jnp.float32)
            for l in range(_L):
                acc = acc + plsc.load_gather(h0, [base + l])
            out_v[pl.ds(t * _L, _L)] = acc
            return 0
        lax.fori_loop(0, 256 // _L, fold_step, 0)

        pltpu.sync_copy(out_v, out_hbm.at[img, part])

    return sc_hist


def _reduce_body(h_ref, o_ref):
    s = jnp.sum(h_ref[0], axis=0, keepdims=True)
    norm = jnp.sqrt(jnp.sum(s * s))
    o_ref[0] = s / (norm + 1e-6)


def kernel(x):
    bs, _, H, W = x.shape
    hw = H // 4
    rows = 16 if hw % 16 == 0 else hw
    n_chunks = hw // rows

    n_halves = 1
    bsh = bs // n_halves
    spi = max(1, (_NC * _NS) // bsh)
    if n_chunks % spi != 0 or (_NC * _NS) % bsh != 0:
        spi = 1
    sc_hist = _make_sc_hist(bsh, hw, W, rows, spi)

    stencil = pl.pallas_call(
        functools.partial(_code_body, H=H, W=W),
        grid=(bsh,),
        in_specs=[pl.BlockSpec((1, 3, H, W), lambda i: (i, 0, 0, 0))],
        out_specs=pl.BlockSpec((1, hw, W), lambda i: (i, 0, 0)),
        out_shape=jax.ShapeDtypeStruct((bsh, hw, W), jnp.int32),
    )

    reduce_fn = pl.pallas_call(
        _reduce_body,
        grid=(bsh,),
        in_specs=[pl.BlockSpec((1, spi, 256), lambda i: (i, 0, 0))],
        out_specs=pl.BlockSpec((1, 1, 256), lambda i: (i, 0, 0)),
        out_shape=jax.ShapeDtypeStruct((bsh, 1, 256), jnp.float32),
    )

    outs = []
    for h in range(n_halves):
        xh = jax.lax.slice_in_dim(x, h * bsh, (h + 1) * bsh, axis=0)
        codes = stencil(xh)
        hist = sc_hist(codes)
        outs.append(reduce_fn(hist).reshape(bsh, 256))
    return jnp.concatenate(outs, axis=0) if n_halves > 1 else outs[0]

# --- scband reference (transcript-rebuilt; emitter-appended) ---
"""Pipeline reference for scband-lbpextractor-39058432589917 (READ-ONLY COPY).

The authoritative reference and input builder live on the scoring server;
editing this copy changes nothing except your own understanding.
"""

import jax, jax.numpy as jnp
import numpy as np

_OFFSETS = [(-1, -1), (-1, 0), (-1, 1), (0, 1), (1, 1), (1, 0), (1, -1), (0, -1)]


def setup_inputs(seed: int = 0) -> dict:
    key = jax.random.key(seed)
    x = jax.random.uniform(key, (32, 3, 512, 512), dtype=jnp.float32)
    return {"x": x}


def reference(x):
    bs, _, H, W = x.shape
    gray = 0.2989 * x[:, 0:1] + 0.587 * x[:, 1:2] + 0.114 * x[:, 2:3]
    pad = jnp.pad(gray, ((0, 0), (0, 0), (1, 1), (1, 1)), mode='edge')
    codes = []
    for (dy, dx) in _OFFSETS:
        neigh = pad[:, :, 1 + dy:1 + dy + H, 1 + dx:1 + dx + W]
        mask = (neigh >= gray).astype(jnp.float32)[:, 0]  # [B, H, W]
        codes.append(mask)
    codes = jnp.stack(codes, axis=1)  # [B, 8, H, W]
    weights = (2.0 ** jnp.arange(8, dtype=jnp.float32)).reshape(1, 8, 1, 1)
    lbp = (codes * weights).sum(axis=1).astype(jnp.int32)  # [B, H, W]
    flat = lbp.reshape(bs, -1)  # [B, H*W]
    batch_idx = jnp.arange(bs, dtype=jnp.int32)[:, None]
    # equivalent to stacking (lbp == b).sum over b in range(256): per-row bincount via scatter-add
    hist = jnp.zeros((bs, 256), dtype=jnp.float32).at[batch_idx, flat].add(1.0)
    hist = hist / (jnp.linalg.norm(hist, ord=2, axis=1, keepdims=True) + 1e-06)
    return hist

if __name__ == "__main__":
    import jax
    _d = setup_inputs()
    print(jax.jit(kernel)(*tuple(_d.values())))

</pallas_src>

<mosaic_0001>
#map = affine_map<(d0, d1) -> (0, 0, 0)>
module attributes {stable_mosaic.version = 14 : i64} {
  func.func @sc_hist(%arg0: i32, %arg1: i32, %arg2: memref<32x128x512xi32, #tpu.memory_space<hbm>>, %arg3: memref<32x1x256xf32, #tpu.memory_space<hbm>>, %arg4: memref<16x512xi32, #tpu.memory_space<vmem>>, %arg5: memref<16x512xi32, #tpu.memory_space<vmem>>, %arg6: memref<4096xf32, #tpu.memory_space<vmem>>, %arg7: memref<4096xf32, #tpu.memory_space<vmem>>, %arg8: memref<4096xf32, #tpu.memory_space<vmem>>, %arg9: memref<4096xf32, #tpu.memory_space<vmem>>, %arg10: memref<256xf32, #tpu.memory_space<vmem>>, %arg11: memref<!tpu.dma_semaphore, #tpu.memory_space<semaphore_mem>>, %arg12: memref<!tpu.dma_semaphore, #tpu.memory_space<semaphore_mem>>) attributes {dimension_semantics = [#tpu.dimension_semantics<core_parallel>, #tpu.dimension_semantics<subcore_parallel>], iteration_bounds = array<i64: 2, 16>, scalar_prefetch = 0 : i64, scratch_operands = 9 : i64, tpu.core_type = #tpu.core_type<sc_vector_subcore>, window_params = [{transform_indices = #map}, {transform_indices = #map}]} {
    %mul3A = arith.constant 2 : i32
    %mul3A_0 = arith.muli %arg1, %mul3A : i32
    %add3A = arith.addi %mul3A_0, %arg0 : i32
    %jit3A = arith.constant 1 : i32
    %div3A = arith.divsi %add3A, %jit3A : i32
    %sign3A = arith.constant 0 : i32
    %sign3A_1 = arith.cmpi sgt, %add3A, %sign3A : i32
    %sign3A_2 = arith.extui %sign3A_1 : i1 to i32
    %sign3A_3 = arith.constant 0 : i32
    %sign3A_4 = arith.cmpi slt, %add3A, %sign3A_3 : i32
    %sign3A_5 = arith.extui %sign3A_4 : i1 to i32
    %sign3A_6 = arith.subi %sign3A_2, %sign3A_5 : i32
    %sign3A_7 = arith.constant 0 : i32
    %sign3A_8 = arith.cmpi sgt, %jit3A, %sign3A_7 : i32
    %sign3A_9 = arith.extui %sign3A_8 : i1 to i32
    %sign3A_10 = arith.constant 0 : i32
    %sign3A_11 = arith.cmpi slt, %jit3A, %sign3A_10 : i32
    %sign3A_12 = arith.extui %sign3A_11 : i1 to i32
    %sign3A_13 = arith.subi %sign3A_9, %sign3A_12 : i32
    %ne3A = arith.cmpi ne, %sign3A_6, %sign3A_13 : i32
    %rem3A = arith.remsi %add3A, %jit3A : i32
    %ne3A_14 = arith.constant 0 : i32
    %ne3A_15 = arith.cmpi ne, %rem3A, %ne3A_14 : i32
    %and3A = arith.andi %ne3A, %ne3A_15 : i1
    %sub3A = arith.constant 1 : i32
    %sub3A_16 = arith.subi %div3A, %sub3A : i32
    %select_n3A = arith.select %and3A, %sub3A_16, %div3A : i32
    %jit3A_17 = arith.constant 1 : i32
    %eq3A = arith.constant 0 : i32
    %eq3A_18 = arith.cmpi eq, %jit3A_17, %eq3A : i32
    %jit3A_19 = arith.constant 1 : i32
    %select_n3A_20 = arith.select %eq3A_18, %jit3A_19, %jit3A_17 : i32
    %rem3A_21 = arith.remsi %add3A, %select_n3A_20 : i32
    %ne3A_22 = arith.constant 0 : i32
    %ne3A_23 = arith.cmpi ne, %rem3A_21, %ne3A_22 : i32
    %lt3A = arith.constant 0 : i32
    %lt3A_24 = arith.cmpi slt, %rem3A_21, %lt3A : i32
    %lt3A_25 = arith.constant 0 : i32
    %lt3A_26 = arith.cmpi slt, %select_n3A_20, %lt3A_25 : i32
    %ne3A_27 = arith.xori %lt3A_24, %lt3A_26 : i1
    %and3A_28 = arith.andi %ne3A_27, %ne3A_23 : i1
    %add3A_29 = arith.addi %rem3A_21, %select_n3A_20 : i32
    %select_n3A_30 = arith.select %and3A_28, %add3A_29, %rem3A_21 : i32
    %scan3A = arith.constant 0 : i32
    %scan3A_31 = arith.constant 0 : i32
    %scan3A_32 = arith.constant 256 : i32
    %scan3A_33 = arith.addi %scan3A_31, %scan3A_32 : i32
    %scan3A_34 = arith.constant 1 : i32
    %scan3A_35 = scf.for %scan3A_217 = %scan3A_31 to %scan3A_33 step %scan3A_34 iter_args(%scan3A_218 = %scan3A) -> (i32)  : i32 {
      %broadcast_in_dim3A_219 = arith.constant 0.000000e+00 : f32
      %broadcast_in_dim3A_220 = vector.broadcast %broadcast_in_dim3A_219 : f32 to vector<16xf32>
      %mul3A_221 = arith.constant 16 : i32
      %mul3A_222 = arith.muli %scan3A_217, %mul3A_221 : i32
      %swap3A = arith.index_cast %mul3A_222 : i32 to index
      %swap3A_223 = tpu.vector_load %arg6[%swap3A] {strides = array<i32>} : memref<4096xf32, #tpu.memory_space<vmem>>, vector<16xf32>,
      tpu.vector_store %arg6[%swap3A], %broadcast_in_dim3A_220 {strides = array<i32>} : memref<4096xf32, #tpu.memory_space<vmem>>, vector<16xf32>,
      %mul3A_224 = arith.constant 16 : i32
      %mul3A_225 = arith.muli %scan3A_217, %mul3A_224 : i32
      %swap3A_226 = arith.index_cast %mul3A_225 : i32 to index
      %swap3A_227 = tpu.vector_load %arg7[%swap3A_226] {strides = array<i32>} : memref<4096xf32, #tpu.memory_space<vmem>>, vector<16xf32>,
      tpu.vector_store %arg7[%swap3A_226], %broadcast_in_dim3A_220 {strides = array<i32>} : memref<4096xf32, #tpu.memory_space<vmem>>, vector<16xf32>,
      %mul3A_228 = arith.constant 16 : i32
      %mul3A_229 = arith.muli %scan3A_217, %mul3A_228 : i32
      %swap3A_230 = arith.index_cast %mul3A_229 : i32 to index
      %swap3A_231 = tpu.vector_load %arg8[%swap3A_230] {strides = array<i32>} : memref<4096xf32, #tpu.memory_space<vmem>>, vector<16xf32>,
      tpu.vector_store %arg8[%swap3A_230], %broadcast_in_dim3A_220 {strides = array<i32>} : memref<4096xf32, #tpu.memory_space<vmem>>, vector<16xf32>,
      %mul3A_232 = arith.constant 16 : i32
      %mul3A_233 = arith.muli %scan3A_217, %mul3A_232 : i32
      %swap3A_234 = arith.index_cast %mul3A_233 : i32 to index
      %swap3A_235 = tpu.vector_load %arg9[%swap3A_234] {strides = array<i32>} : memref<4096xf32, #tpu.memory_space<vmem>>, vector<16xf32>,
      tpu.vector_store %arg9[%swap3A_234], %broadcast_in_dim3A_220 {strides = array<i32>} : memref<4096xf32, #tpu.memory_space<vmem>>, vector<16xf32>,
      %scan3A_236 = arith.constant 0 : i32
      scf.yield %scan3A_236 : i32
    }
    %scan3A_36 = arith.constant 256 : i32
    %iota3A = tpu.iota {dimensions = array<i32: 0>} : vector<16xi32>
    %broadcast_in_dim3A = arith.constant 1.000000e+00 : f32
    %broadcast_in_dim3A_37 = vector.broadcast %broadcast_in_dim3A : f32 to vector<16xf32>
    %mul3A_38 = arith.constant 8 : i32
    %mul3A_39 = arith.muli %select_n3A_30, %mul3A_38 : i32
    %add3A_40 = arith.constant 0 : i32
    %add3A_41 = arith.addi %mul3A_39, %add3A_40 : i32
    %mul3A_42 = arith.constant 16 : i32
    %mul3A_43 = arith.muli %add3A_41, %mul3A_42 : i32
    %dma_start3A = arith.constant 0 : i32
    %dma_start3A_44 = tpu.memref_slice %arg2[%select_n3A, %mul3A_43, %dma_start3A] : memref<32x128x512xi32, #tpu.memory_space<hbm>> -> memref<1x16x512xi32, #tpu.memory_space<hbm>>
    %dma_start3A_45 = tpu.memref_squeeze %dma_start3A_44 : memref<1x16x512xi32, #tpu.memory_space<hbm>> -> memref<16x512xi32, #tpu.memory_space<hbm>>
    %dma_start3A_46 = arith.constant 0 : i32
    %dma_start3A_47 = tpu.memref_slice %arg2[%select_n3A, %mul3A_43, %dma_start3A_46] : memref<32x128x512xi32, #tpu.memory_space<hbm>> -> memref<1x16x512xi32, #tpu.memory_space<hbm>>
    %dma_start3A_48 = tpu.memref_squeeze %dma_start3A_47 : memref<1x16x512xi32, #tpu.memory_space<hbm>> -> memref<16x512xi32, #tpu.memory_space<hbm>>
    tpu.enqueue_dma source(%dma_start3A_48 : memref<16x512xi32, #tpu.memory_space<hbm>>) target(%arg4 : memref<16x512xi32, #tpu.memory_space<vmem>>) target_semaphore(%arg11 : memref<!tpu.dma_semaphore, #tpu.memory_space<semaphore_mem>>)
    %dma_wait3A = arith.constant 0 : i32
    %dma_wait3A_49 = tpu.memref_slice %arg2[%select_n3A, %mul3A_43, %dma_wait3A] : memref<32x128x512xi32, #tpu.memory_space<hbm>> -> memref<1x16x512xi32, #tpu.memory_space<hbm>>
    %dma_wait3A_50 = tpu.memref_squeeze %dma_wait3A_49 : memref<1x16x512xi32, #tpu.memory_space<hbm>> -> memref<16x512xi32, #tpu.memory_space<hbm>>
    %dma_wait3A_51 = arith.constant 0 : i32
    %dma_wait3A_52 = tpu.memref_slice %arg2[%select_n3A, %mul3A_43, %dma_wait3A_51] : memref<32x128x512xi32, #tpu.memory_space<hbm>> -> memref<1x16x512xi32, #tpu.memory_space<hbm>>
    %dma_wait3A_53 = tpu.memref_squeeze %dma_wait3A_52 : memref<1x16x512xi32, #tpu.memory_space<hbm>> -> memref<16x512xi32, #tpu.memory_space<hbm>>
    tpu.wait_dma2 semaphore(%arg11 : memref<!tpu.dma_semaphore, #tpu.memory_space<semaphore_mem>>) src(%dma_wait3A_53 : memref<16x512xi32, #tpu.memory_space<hbm>>) dst(%arg4 : memref<16x512xi32, #tpu.memory_space<vmem>>)
    %mul3A_54 = arith.constant 8 : i32
    %mul3A_55 = arith.muli %select_n3A_30, %mul3A_54 : i32
    %add3A_56 = arith.constant 1 : i32
    %add3A_57 = arith.addi %mul3A_55, %add3A_56 : i32
    %mul3A_58 = arith.constant 16 : i32
    %mul3A_59 = arith.muli %add3A_57, %mul3A_58 : i32
    %dma_start3A_60 = arith.constant 0 : i32
    %dma_start3A_61 = tpu.memref_slice %arg2[%select_n3A, %mul3A_59, %dma_start3A_60] : memref<32x128x512xi32, #tpu.memory_space<hbm>> -> memref<1x16x512xi32, #tpu.memory_space<hbm>>
    %dma_start3A_62 = tpu.memref_squeeze %dma_start3A_61 : memref<1x16x512xi32, #tpu.memory_space<hbm>> -> memref<16x512xi32, #tpu.memory_space<hbm>>
    %dma_start3A_63 = arith.constant 0 : i32
    %dma_start3A_64 = tpu.memref_slice %arg2[%select_n3A, %mul3A_59, %dma_start3A_63] : memref<32x128x512xi32, #tpu.memory_space<hbm>> -> memref<1x16x512xi32, #tpu.memory_space<hbm>>
    %dma_start3A_65 = tpu.memref_squeeze %dma_start3A_64 : memref<1x16x512xi32, #tpu.memory_space<hbm>> -> memref<16x512xi32, #tpu.memory_space<hbm>>
    tpu.enqueue_dma source(%dma_start3A_65 : memref<16x512xi32, #tpu.memory_space<hbm>>) target(%arg5 : memref<16x512xi32, #tpu.memory_space<vmem>>) target_semaphore(%arg12 : memref<!tpu.dma_semaphore, #tpu.memory_space<semaphore_mem>>)
    %parallel_loop3A = arith.constant 0 : i32
    %parallel_loop3A_66 = arith.constant 512 : i32
    %parallel_loop3A_67 = arith.constant 1 : i32
    scf.for %parallel_loop3A_217 = %parallel_loop3A to %parallel_loop3A_66 step %parallel_loop3A_67  : i32 {
      %parallel_loop3A_218 = arith.constant 32 : i32
      %parallel_loop3A_219 = arith.divsi %parallel_loop3A_217, %parallel_loop3A_218 : i32
      %parallel_loop3A_220 = arith.constant 0 : i32
      %parallel_loop3A_221 = arith.cmpi sgt, %parallel_loop3A_217, %parallel_loop3A_220 : i32
      %parallel_loop3A_222 = arith.extui %parallel_loop3A_221 : i1 to i32
      %parallel_loop3A_223 = arith.constant 0 : i32
      %parallel_loop3A_224 = arith.cmpi slt, %parallel_loop3A_217, %parallel_loop3A_223 : i32
      %parallel_loop3A_225 = arith.extui %parallel_loop3A_224 : i1 to i32
      %parallel_loop3A_226 = arith.subi %parallel_loop3A_222, %parallel_loop3A_225 : i32
      %parallel_loop3A_227 = arith.constant 0 : i32
      %parallel_loop3A_228 = arith.cmpi sgt, %parallel_loop3A_218, %parallel_loop3A_227 : i32
      %parallel_loop3A_229 = arith.extui %parallel_loop3A_228 : i1 to i32
      %parallel_loop3A_230 = arith.constant 0 : i32
      %parallel_loop3A_231 = arith.cmpi slt, %parallel_loop3A_218, %parallel_loop3A_230 : i32
      %parallel_loop3A_232 = arith.extui %parallel_loop3A_231 : i1 to i32
      %parallel_loop3A_233 = arith.subi %parallel_loop3A_229, %parallel_loop3A_232 : i32
      %parallel_loop3A_234 = arith.cmpi ne, %parallel_loop3A_226, %parallel_loop3A_233 : i32
      %parallel_loop3A_235 = arith.remsi %parallel_loop3A_217, %parallel_loop3A_218 : i32
      %parallel_loop3A_236 = arith.constant 0 : i32
      %parallel_loop3A_237 = arith.cmpi ne, %parallel_loop3A_235, %parallel_loop3A_236 : i32
      %parallel_loop3A_238 = arith.andi %parallel_loop3A_234, %parallel_loop3A_237 : i1
      %parallel_loop3A_239 = arith.constant 1 : i32
      %parallel_loop3A_240 = arith.subi %parallel_loop3A_219, %parallel_loop3A_239 : i32
      %parallel_loop3A_241 = arith.select %parallel_loop3A_238, %parallel_loop3A_240, %parallel_loop3A_219 : i32
      %parallel_loop3A_242 = arith.constant 32 : i32
      %parallel_loop3A_243 = arith.constant 0 : i32
      %parallel_loop3A_244 = arith.cmpi eq, %parallel_loop3A_242, %parallel_loop3A_243 : i32
      %parallel_loop3A_245 = arith.constant 1 : i32
      %parallel_loop3A_246 = arith.select %parallel_loop3A_244, %parallel_loop3A_245, %parallel_loop3A_242 : i32
      %parallel_loop3A_247 = arith.remsi %parallel_loop3A_217, %parallel_loop3A_246 : i32
      %parallel_loop3A_248 = arith.constant 0 : i32
      %parallel_loop3A_249 = arith.cmpi ne, %parallel_loop3A_247, %parallel_loop3A_248 : i32
      %parallel_loop3A_250 = arith.constant 0 : i32
      %parallel_loop3A_251 = arith.cmpi slt, %parallel_loop3A_247, %parallel_loop3A_250 : i32
      %parallel_loop3A_252 = arith.constant 0 : i32
      %parallel_loop3A_253 = arith.cmpi slt, %parallel_loop3A_246, %parallel_loop3A_252 : i32
      %parallel_loop3A_254 = arith.xori %parallel_loop3A_251, %parallel_loop3A_253 : i1
      %parallel_loop3A_255 = arith.andi %parallel_loop3A_254, %parallel_loop3A_249 : i1
      %parallel_loop3A_256 = arith.addi %parallel_loop3A_247, %parallel_loop3A_246 : i32
      %parallel_loop3A_257 = arith.select %parallel_loop3A_255, %parallel_loop3A_256, %parallel_loop3A_247 : i32
      %parallel_loop3A_258 = arith.constant 16 : i32
      %parallel_loop3A_259 = arith.muli %parallel_loop3A_257, %parallel_loop3A_258 : i32
      %parallel_loop3A_260 = arith.index_cast %parallel_loop3A_241 : i32 to index
      %parallel_loop3A_261 = arith.index_cast %parallel_loop3A_259 : i32 to index
      %parallel_loop3A_262 = tpu.vector_load %arg4[%parallel_loop3A_260, %parallel_loop3A_261] {strides = array<i32>} : memref<16x512xi32, #tpu.memory_space<vmem>>, vector<16xi32>,
      %parallel_loop3A_263 = arith.constant 0 : i32
      %parallel_loop3A_264 = vector.broadcast %parallel_loop3A_263 : i32 to vector<16xi32>
      %parallel_loop3A_265 = arith.shrsi %parallel_loop3A_262, %parallel_loop3A_264 : vector<16xi32>
      %parallel_loop3A_266 = arith.constant 255 : i32
      %parallel_loop3A_267 = vector.broadcast %parallel_loop3A_266 : i32 to vector<16xi32>
      %parallel_loop3A_268 = arith.andi %parallel_loop3A_265, %parallel_loop3A_267 : vector<16xi32>
      %parallel_loop3A_269 = arith.constant 16 : i32
      %parallel_loop3A_270 = vector.broadcast %parallel_loop3A_269 : i32 to vector<16xi32>
      %parallel_loop3A_271 = arith.muli %parallel_loop3A_268, %parallel_loop3A_270 : vector<16xi32>
      %parallel_loop3A_272 = arith.addi %parallel_loop3A_271, %iota3A : vector<16xi32>
      tpu.vector_store_idx %arg6[%parallel_loop3A_272], %broadcast_in_dim3A_37 {add = true} : memref<4096xf32, #tpu.memory_space<vmem>>[vector<16xi32>], vector<16xf32>,
      %parallel_loop3A_273 = arith.constant 8 : i32
      %parallel_loop3A_274 = vector.broadcast %parallel_loop3A_273 : i32 to vector<16xi32>
      %parallel_loop3A_275 = arith.shrsi %parallel_loop3A_262, %parallel_loop3A_274 : vector<16xi32>
      %parallel_loop3A_276 = arith.constant 255 : i32
      %parallel_loop3A_277 = vector.broadcast %parallel_loop3A_276 : i32 to vector<16xi32>
      %parallel_loop3A_278 = arith.andi %parallel_loop3A_275, %parallel_loop3A_277 : vector<16xi32>
      %parallel_loop3A_279 = arith.constant 16 : i32
      %parallel_loop3A_280 = vector.broadcast %parallel_loop3A_279 : i32 to vector<16xi32>
      %parallel_loop3A_281 = arith.muli %parallel_loop3A_278, %parallel_loop3A_280 : vector<16xi32>
      %parallel_loop3A_282 = arith.addi %parallel_loop3A_281, %iota3A : vector<16xi32>
      tpu.vector_store_idx %arg7[%parallel_loop3A_282], %broadcast_in_dim3A_37 {add = true} : memref<4096xf32, #tpu.memory_space<vmem>>[vector<16xi32>], vector<16xf32>,
      %parallel_loop3A_283 = arith.constant 16 : i32
      %parallel_loop3A_284 = vector.broadcast %parallel_loop3A_283 : i32 to vector<16xi32>
      %parallel_loop3A_285 = arith.shrsi %parallel_loop3A_262, %parallel_loop3A_284 : vector<16xi32>
      %parallel_loop3A_286 = arith.constant 255 : i32
      %parallel_loop3A_287 = vector.broadcast %parallel_loop3A_286 : i32 to vector<16xi32>
      %parallel_loop3A_288 = arith.andi %parallel_loop3A_285, %parallel_loop3A_287 : vector<16xi32>
      %parallel_loop3A_289 = arith.constant 16 : i32
      %parallel_loop3A_290 = vector.broadcast %parallel_loop3A_289 : i32 to vector<16xi32>
      %parallel_loop3A_291 = arith.muli %parallel_loop3A_288, %parallel_loop3A_290 : vector<16xi32>
      %parallel_loop3A_292 = arith.addi %parallel_loop3A_291, %iota3A : vector<16xi32>
      tpu.vector_store_idx %arg8[%parallel_loop3A_292], %broadcast_in_dim3A_37 {add = true} : memref<4096xf32, #tpu.memory_space<vmem>>[vector<16xi32>], vector<16xf32>,
      %parallel_loop3A_293 = arith.constant 24 : i32
      %parallel_loop3A_294 = vector.broadcast %parallel_loop3A_293 : i32 to vector<16xi32>
      %parallel_loop3A_295 = arith.shrsi %parallel_loop3A_262, %parallel_loop3A_294 : vector<16xi32>
      %parallel_loop3A_296 = arith.constant 255 : i32
      %parallel_loop3A_297 = vector.broadcast %parallel_loop3A_296 : i32 to vector<16xi32>
      %parallel_loop3A_298 = arith.andi %parallel_loop3A_295, %parallel_loop3A_297 : vector<16xi32>
      %parallel_loop3A_299 = arith.constant 16 : i32
      %parallel_loop3A_300 = vector.broadcast %parallel_loop3A_299 : i32 to vector<16xi32>
      %parallel_loop3A_301 = arith.muli %parallel_loop3A_298, %parallel_loop3A_300 : vector<16xi32>
      %parallel_loop3A_302 = arith.addi %parallel_loop3A_301, %iota3A : vector<16xi32>
      tpu.vector_store_idx %arg9[%parallel_loop3A_302], %broadcast_in_dim3A_37 {add = true} : memref<4096xf32, #tpu.memory_space<vmem>>[vector<16xi32>], vector<16xf32>,
    } {sc.loop_unroll_factor = 4 : i64, sc.parallel_access}
    %dma_wait3A_68 = arith.constant 0 : i32
    %dma_wait3A_69 = tpu.memref_slice %arg2[%select_n3A, %mul3A_59, %dma_wait3A_68] : memref<32x128x512xi32, #tpu.memory_space<hbm>> -> memref<1x16x512xi32, #tpu.memory_space<hbm>>
    %dma_wait3A_70 = tpu.memref_squeeze %dma_wait3A_69 : memref<1x16x512xi32, #tpu.memory_space<hbm>> -> memref<16x512xi32, #tpu.memory_space<hbm>>
    %dma_wait3A_71 = arith.constant 0 : i32
    %dma_wait3A_72 = tpu.memref_slice %arg2[%select_n3A, %mul3A_59, %dma_wait3A_71] : memref<32x128x512xi32, #tpu.memory_space<hbm>> -> memref<1x16x512xi32, #tpu.memory_space<hbm>>
    %dma_wait3A_73 = tpu.memref_squeeze %dma_wait3A_72 : memref<1x16x512xi32, #tpu.memory_space<hbm>> -> memref<16x512xi32, #tpu.memory_space<hbm>>
    tpu.wait_dma2 semaphore(%arg12 : memref<!tpu.dma_semaphore, #tpu.memory_space<semaphore_mem>>) src(%dma_wait3A_73 : memref<16x512xi32, #tpu.memory_space<hbm>>) dst(%arg5 : memref<16x512xi32, #tpu.memory_space<vmem>>)
    %mul3A_74 = arith.constant 8 : i32
    %mul3A_75 = arith.muli %select_n3A_30, %mul3A_74 : i32
    %add3A_76 = arith.constant 2 : i32
    %add3A_77 = arith.addi %mul3A_75, %add3A_76 : i32
    %mul3A_78 = arith.constant 16 : i32
    %mul3A_79 = arith.muli %add3A_77, %mul3A_78 : i32
    %dma_start3A_80 = arith.constant 0 : i32
    %dma_start3A_81 = tpu.memref_slice %arg2[%select_n3A, %mul3A_79, %dma_start3A_80] : memref<32x128x512xi32, #tpu.memory_space<hbm>> -> memref<1x16x512xi32, #tpu.memory_space<hbm>>
    %dma_start3A_82 = tpu.memref_squeeze %dma_start3A_81 : memref<1x16x512xi32, #tpu.memory_space<hbm>> -> memref<16x512xi32, #tpu.memory_space<hbm>>
    %dma_start3A_83 = arith.constant 0 : i32
    %dma_start3A_84 = tpu.memref_slice %arg2[%select_n3A, %mul3A_79, %dma_start3A_83] : memref<32x128x512xi32, #tpu.memory_space<hbm>> -> memref<1x16x512xi32, #tpu.memory_space<hbm>>
    %dma_start3A_85 = tpu.memref_squeeze %dma_start3A_84 : memref<1x16x512xi32, #tpu.memory_space<hbm>> -> memref<16x512xi32, #tpu.memory_space<hbm>>
    tpu.enqueue_dma source(%dma_start3A_85 : memref<16x512xi32, #tpu.memory_space<hbm>>) target(%arg4 : memref<16x512xi32, #tpu.memory_space<vmem>>) target_semaphore(%arg11 : memref<!tpu.dma_semaphore, #tpu.memory_space<semaphore_mem>>)
    %parallel_loop3A_86 = arith.constant 0 : i32
    %parallel_loop3A_87 = arith.constant 512 : i32
    %parallel_loop3A_88 = arith.constant 1 : i32
    scf.for %parallel_loop3A_217 = %parallel_loop3A_86 to %parallel_loop3A_87 step %parallel_loop3A_88  : i32 {
      %parallel_loop3A_218 = arith.constant 32 : i32
      %parallel_loop3A_219 = arith.divsi %parallel_loop3A_217, %parallel_loop3A_218 : i32
      %parallel_loop3A_220 = arith.constant 0 : i32
      %parallel_loop3A_221 = arith.cmpi sgt, %parallel_loop3A_217, %parallel_loop3A_220 : i32
      %parallel_loop3A_222 = arith.extui %parallel_loop3A_221 : i1 to i32
      %parallel_loop3A_223 = arith.constant 0 : i32
      %parallel_loop3A_224 = arith.cmpi slt, %parallel_loop3A_217, %parallel_loop3A_223 : i32
      %parallel_loop3A_225 = arith.extui %parallel_loop3A_224 : i1 to i32
      %parallel_loop3A_226 = arith.subi %parallel_loop3A_222, %parallel_loop3A_225 : i32
      %parallel_loop3A_227 = arith.constant 0 : i32
      %parallel_loop3A_228 = arith.cmpi sgt, %parallel_loop3A_218, %parallel_loop3A_227 : i32
      %parallel_loop3A_229 = arith.extui %parallel_loop3A_228 : i1 to i32
      %parallel_loop3A_230 = arith.constant 0 : i32
      %parallel_loop3A_231 = arith.cmpi slt, %parallel_loop3A_218, %parallel_loop3A_230 : i32
      %parallel_loop3A_232 = arith.extui %parallel_loop3A_231 : i1 to i32
      %parallel_loop3A_233 = arith.subi %parallel_loop3A_229, %parallel_loop3A_232 : i32
      %parallel_loop3A_234 = arith.cmpi ne, %parallel_loop3A_226, %parallel_loop3A_233 : i32
      %parallel_loop3A_235 = arith.remsi %parallel_loop3A_217, %parallel_loop3A_218 : i32
      %parallel_loop3A_236 = arith.constant 0 : i32
      %parallel_loop3A_237 = arith.cmpi ne, %parallel_loop3A_235, %parallel_loop3A_236 : i32
      %parallel_loop3A_238 = arith.andi %parallel_loop3A_234, %parallel_loop3A_237 : i1
      %parallel_loop3A_239 = arith.constant 1 : i32
      %parallel_loop3A_240 = arith.subi %parallel_loop3A_219, %parallel_loop3A_239 : i32
      %parallel_loop3A_241 = arith.select %parallel_loop3A_238, %parallel_loop3A_240, %parallel_loop3A_219 : i32
      %parallel_loop3A_242 = arith.constant 32 : i32
      %parallel_loop3A_243 = arith.constant 0 : i32
      %parallel_loop3A_244 = arith.cmpi eq, %parallel_loop3A_242, %parallel_loop3A_243 : i32
      %parallel_loop3A_245 = arith.constant 1 : i32
      %parallel_loop3A_246 = arith.select %parallel_loop3A_244, %parallel_loop3A_245, %parallel_loop3A_242 : i32
      %parallel_loop3A_247 = arith.remsi %parallel_loop3A_217, %parallel_loop3A_246 : i32
      %parallel_loop3A_248 = arith.constant 0 : i32
      %parallel_loop3A_249 = arith.cmpi ne, %parallel_loop3A_247, %parallel_loop3A_248 : i32
      %parallel_loop3A_250 = arith.constant 0 : i32
      %parallel_loop3A_251 = arith.cmpi slt, %parallel_loop3A_247, %parallel_loop3A_250 : i32
      %parallel_loop3A_252 = arith.constant 0 : i32
      %parallel_loop3A_253 = arith.cmpi slt, %parallel_loop3A_246, %parallel_loop3A_252 : i32
      %parallel_loop3A_254 = arith.xori %parallel_loop3A_251, %parallel_loop3A_253 : i1
      %parallel_loop3A_255 = arith.andi %parallel_loop3A_254, %parallel_loop3A_249 : i1
      %parallel_loop3A_256 = arith.addi %parallel_loop3A_247, %parallel_loop3A_246 : i32
      %parallel_loop3A_257 = arith.select %parallel_loop3A_255, %parallel_loop3A_256, %parallel_loop3A_247 : i32
      %parallel_loop3A_258 = arith.constant 16 : i32
      %parallel_loop3A_259 = arith.muli %parallel_loop3A_257, %parallel_loop3A_258 : i32
      %parallel_loop3A_260 = arith.index_cast %parallel_loop3A_241 : i32 to index
      %parallel_loop3A_261 = arith.index_cast %parallel_loop3A_259 : i32 to index
      %parallel_loop3A_262 = tpu.vector_load %arg5[%parallel_loop3A_260, %parallel_loop3A_261] {strides = array<i32>} : memref<16x512xi32, #tpu.memory_space<vmem>>, vector<16xi32>,
      %parallel_loop3A_263 = arith.constant 0 : i32
      %parallel_loop3A_264 = vector.broadcast %parallel_loop3A_263 : i32 to vector<16xi32>
      %parallel_loop3A_265 = arith.shrsi %parallel_loop3A_262, %parallel_loop3A_264 : vector<16xi32>
      %parallel_loop3A_266 = arith.constant 255 : i32
      %parallel_loop3A_267 = vector.broadcast %parallel_loop3A_266 : i32 to vector<16xi32>
      %parallel_loop3A_268 = arith.andi %parallel_loop3A_265, %parallel_loop3A_267 : vector<16xi32>
      %parallel_loop3A_269 = arith.constant 16 : i32
      %parallel_loop3A_270 = vector.broadcast %parallel_loop3A_269 : i32 to vector<16xi32>
      %parallel_loop3A_271 = arith.muli %parallel_loop3A_268, %parallel_loop3A_270 : vector<16xi32>
      %parallel_loop3A_272 = arith.addi %parallel_loop3A_271, %iota3A : vector<16xi32>
      tpu.vector_store_idx %arg6[%parallel_loop3A_272], %broadcast_in_dim3A_37 {add = true} : memref<4096xf32, #tpu.memory_space<vmem>>[vector<16xi32>], vector<16xf32>,
      %parallel_loop3A_273 = arith.constant 8 : i32
      %parallel_loop3A_274 = vector.broadcast %parallel_loop3A_273 : i32 to vector<16xi32>
      %parallel_loop3A_275 = arith.shrsi %parallel_loop3A_262, %parallel_loop3A_274 : vector<16xi32>
      %parallel_loop3A_276 = arith.constant 255 : i32
      %parallel_loop3A_277 = vector.broadcast %parallel_loop3A_276 : i32 to vector<16xi32>
      %parallel_loop3A_278 = arith.andi %parallel_loop3A_275, %parallel_loop3A_277 : vector<16xi32>
      %parallel_loop3A_279 = arith.constant 16 : i32
      %parallel_loop3A_280 = vector.broadcast %parallel_loop3A_279 : i32 to vector<16xi32>
      %parallel_loop3A_281 = arith.muli %parallel_loop3A_278, %parallel_loop3A_280 : vector<16xi32>
      %parallel_loop3A_282 = arith.addi %parallel_loop3A_281, %iota3A : vector<16xi32>
      tpu.vector_store_idx %arg7[%parallel_loop3A_282], %broadcast_in_dim3A_37 {add = true} : memref<4096xf32, #tpu.memory_space<vmem>>[vector<16xi32>], vector<16xf32>,
      %parallel_loop3A_283 = arith.constant 16 : i32
      %parallel_loop3A_284 = vector.broadcast %parallel_loop3A_283 : i32 to vector<16xi32>
      %parallel_loop3A_285 = arith.shrsi %parallel_loop3A_262, %parallel_loop3A_284 : vector<16xi32>
      %parallel_loop3A_286 = arith.constant 255 : i32
      %parallel_loop3A_287 = vector.broadcast %parallel_loop3A_286 : i32 to vector<16xi32>
      %parallel_loop3A_288 = arith.andi %parallel_loop3A_285, %parallel_loop3A_287 : vector<16xi32>
      %parallel_loop3A_289 = arith.constant 16 : i32
      %parallel_loop3A_290 = vector.broadcast %parallel_loop3A_289 : i32 to vector<16xi32>
      %parallel_loop3A_291 = arith.muli %parallel_loop3A_288, %parallel_loop3A_290 : vector<16xi32>
      %parallel_loop3A_292 = arith.addi %parallel_loop3A_291, %iota3A : vector<16xi32>
      tpu.vector_store_idx %arg8[%parallel_loop3A_292], %broadcast_in_dim3A_37 {add = true} : memref<4096xf32, #tpu.memory_space<vmem>>[vector<16xi32>], vector<16xf32>,
      %parallel_loop3A_293 = arith.constant 24 : i32
      %parallel_loop3A_294 = vector.broadcast %parallel_loop3A_293 : i32 to vector<16xi32>
      %parallel_loop3A_295 = arith.shrsi %parallel_loop3A_262, %parallel_loop3A_294 : vector<16xi32>
      %parallel_loop3A_296 = arith.constant 255 : i32
      %parallel_loop3A_297 = vector.broadcast %parallel_loop3A_296 : i32 to vector<16xi32>
      %parallel_loop3A_298 = arith.andi %parallel_loop3A_295, %parallel_loop3A_297 : vector<16xi32>
      %parallel_loop3A_299 = arith.constant 16 : i32
      %parallel_loop3A_300 = vector.broadcast %parallel_loop3A_299 : i32 to vector<16xi32>
      %parallel_loop3A_301 = arith.muli %parallel_loop3A_298, %parallel_loop3A_300 : vector<16xi32>
      %parallel_loop3A_302 = arith.addi %parallel_loop3A_301, %iota3A : vector<16xi32>
      tpu.vector_store_idx %arg9[%parallel_loop3A_302], %broadcast_in_dim3A_37 {add = true} : memref<4096xf32, #tpu.memory_space<vmem>>[vector<16xi32>], vector<16xf32>,
    } {sc.loop_unroll_factor = 4 : i64, sc.parallel_access}
    %dma_wait3A_89 = arith.constant 0 : i32
    %dma_wait3A_90 = tpu.memref_slice %arg2[%select_n3A, %mul3A_79, %dma_wait3A_89] : memref<32x128x512xi32, #tpu.memory_space<hbm>> -> memref<1x16x512xi32, #tpu.memory_space<hbm>>
    %dma_wait3A_91 = tpu.memref_squeeze %dma_wait3A_90 : memref<1x16x512xi32, #tpu.memory_space<hbm>> -> memref<16x512xi32, #tpu.memory_space<hbm>>
    %dma_wait3A_92 = arith.constant 0 : i32
    %dma_wait3A_93 = tpu.memref_slice %arg2[%select_n3A, %mul3A_79, %dma_wait3A_92] : memref<32x128x512xi32, #tpu.memory_space<hbm>> -> memref<1x16x512xi32, #tpu.memory_space<hbm>>
    %dma_wait3A_94 = tpu.memref_squeeze %dma_wait3A_93 : memref<1x16x512xi32, #tpu.memory_space<hbm>> -> memref<16x512xi32, #tpu.memory_space<hbm>>
    tpu.wait_dma2 semaphore(%arg11 : memref<!tpu.dma_semaphore, #tpu.memory_space<semaphore_mem>>) src(%dma_wait3A_94 : memref<16x512xi32, #tpu.memory_space<hbm>>) dst(%arg4 : memref<16x512xi32, #tpu.memory_space<vmem>>)
    %mul3A_95 = arith.constant 8 : i32
    %mul3A_96 = arith.muli %select_n3A_30, %mul3A_95 : i32
    %add3A_97 = arith.constant 3 : i32
    %add3A_98 = arith.addi %mul3A_96, %add3A_97 : i32
    %mul3A_99 = arith.constant 16 : i32
    %mul3A_100 = arith.muli %add3A_98, %mul3A_99 : i32
    %dma_start3A_101 = arith.constant 0 : i32
    %dma_start3A_102 = tpu.memref_slice %arg2[%select_n3A, %mul3A_100, %dma_start3A_101] : memref<32x128x512xi32, #tpu.memory_space<hbm>> -> memref<1x16x512xi32, #tpu.memory_space<hbm>>
    %dma_start3A_103 = tpu.memref_squeeze %dma_start3A_102 : memref<1x16x512xi32, #tpu.memory_space<hbm>> -> memref<16x512xi32, #tpu.memory_space<hbm>>
    %dma_start3A_104 = arith.constant 0 : i32
    %dma_start3A_105 = tpu.memref_slice %arg2[%select_n3A, %mul3A_100, %dma_start3A_104] : memref<32x128x512xi32, #tpu.memory_space<hbm>> -> memref<1x16x512xi32, #tpu.memory_space<hbm>>
    %dma_start3A_106 = tpu.memref_squeeze %dma_start3A_105 : memref<1x16x512xi32, #tpu.memory_space<hbm>> -> memref<16x512xi32, #tpu.memory_space<hbm>>
    tpu.enqueue_dma source(%dma_start3A_106 : memref<16x512xi32, #tpu.memory_space<hbm>>) target(%arg5 : memref<16x512xi32, #tpu.memory_space<vmem>>) target_semaphore(%arg12 : memref<!tpu.dma_semaphore, #tpu.memory_space<semaphore_mem>>)
    %parallel_loop3A_107 = arith.constant 0 : i32
    %parallel_loop3A_108 = arith.constant 512 : i32
    %parallel_loop3A_109 = arith.constant 1 : i32
    scf.for %parallel_loop3A_217 = %parallel_loop3A_107 to %parallel_loop3A_108 step %parallel_loop3A_109  : i32 {
      %parallel_loop3A_218 = arith.constant 32 : i32
      %parallel_loop3A_219 = arith.divsi %parallel_loop3A_217, %parallel_loop3A_218 : i32
      %parallel_loop3A_220 = arith.constant 0 : i32
      %parallel_loop3A_221 = arith.cmpi sgt, %parallel_loop3A_217, %parallel_loop3A_220 : i32
      %parallel_loop3A_222 = arith.extui %parallel_loop3A_221 : i1 to i32
      %parallel_loop3A_223 = arith.constant 0 : i32
      %parallel_loop3A_224 = arith.cmpi slt, %parallel_loop3A_217, %parallel_loop3A_223 : i32
      %parallel_loop3A_225 = arith.extui %parallel_loop3A_224 : i1 to i32
      %parallel_loop3A_226 = arith.subi %parallel_loop3A_222, %parallel_loop3A_225 : i32
      %parallel_loop3A_227 = arith.constant 0 : i32
      %parallel_loop3A_228 = arith.cmpi sgt, %parallel_loop3A_218, %parallel_loop3A_227 : i32
      %parallel_loop3A_229 = arith.extui %parallel_loop3A_228 : i1 to i32
      %parallel_loop3A_230 = arith.constant 0 : i32
      %parallel_loop3A_231 = arith.cmpi slt, %parallel_loop3A_218, %parallel_loop3A_230 : i32
      %parallel_loop3A_232 = arith.extui %parallel_loop3A_231 : i1 to i32
      %parallel_loop3A_233 = arith.subi %parallel_loop3A_229, %parallel_loop3A_232 : i32
      %parallel_loop3A_234 = arith.cmpi ne, %parallel_loop3A_226, %parallel_loop3A_233 : i32
      %parallel_loop3A_235 = arith.remsi %parallel_loop3A_217, %parallel_loop3A_218 : i32
      %parallel_loop3A_236 = arith.constant 0 : i32
      %parallel_loop3A_237 = arith.cmpi ne, %parallel_loop3A_235, %parallel_loop3A_236 : i32
      %parallel_loop3A_238 = arith.andi %parallel_loop3A_234, %parallel_loop3A_237 : i1
      %parallel_loop3A_239 = arith.constant 1 : i32
      %parallel_loop3A_240 = arith.subi %parallel_loop3A_219, %parallel_loop3A_239 : i32
      %parallel_loop3A_241 = arith.select %parallel_loop3A_238, %parallel_loop3A_240, %parallel_loop3A_219 : i32
      %parallel_loop3A_242 = arith.constant 32 : i32
      %parallel_loop3A_243 = arith.constant 0 : i32
      %parallel_loop3A_244 = arith.cmpi eq, %parallel_loop3A_242, %parallel_loop3A_243 : i32
      %parallel_loop3A_245 = arith.constant 1 : i32
      %parallel_loop3A_246 = arith.select %parallel_loop3A_244, %parallel_loop3A_245, %parallel_loop3A_242 : i32
      %parallel_loop3A_247 = arith.remsi %parallel_loop3A_217, %parallel_loop3A_246 : i32
      %parallel_loop3A_248 = arith.constant 0 : i32
      %parallel_loop3A_249 = arith.cmpi ne, %parallel_loop3A_247, %parallel_loop3A_248 : i32
      %parallel_loop3A_250 = arith.constant 0 : i32
      %parallel_loop3A_251 = arith.cmpi slt, %parallel_loop3A_247, %parallel_loop3A_250 : i32
      %parallel_loop3A_252 = arith.constant 0 : i32
      %parallel_loop3A_253 = arith.cmpi slt, %parallel_loop3A_246, %parallel_loop3A_252 : i32
      %parallel_loop3A_254 = arith.xori %parallel_loop3A_251, %parallel_loop3A_253 : i1
      %parallel_loop3A_255 = arith.andi %parallel_loop3A_254, %parallel_loop3A_249 : i1
      %parallel_loop3A_256 = arith.addi %parallel_loop3A_247, %parallel_loop3A_246 : i32
      %parallel_loop3A_257 = arith.select %parallel_loop3A_255, %parallel_loop3A_256, %parallel_loop3A_247 : i32
      %parallel_loop3A_258 = arith.constant 16 : i32
      %parallel_loop3A_259 = arith.muli %parallel_loop3A_257, %parallel_loop3A_258 : i32
      %parallel_loop3A_260 = arith.index_cast %parallel_loop3A_241 : i32 to index
      %parallel_loop3A_261 = arith.index_cast %parallel_loop3A_259 : i32 to index
      %parallel_loop3A_262 = tpu.vector_load %arg4[%parallel_loop3A_260, %parallel_loop3A_261] {strides = array<i32>} : memref<16x512xi32, #tpu.memory_space<vmem>>, vector<16xi32>,
      %parallel_loop3A_263 = arith.constant 0 : i32
      %parallel_loop3A_264 = vector.broadcast %parallel_loop3A_263 : i32 to vector<16xi32>
      %parallel_loop3A_265 = arith.shrsi %parallel_loop3A_262, %parallel_loop3A_264 : vector<16xi32>
      %parallel_loop3A_266 = arith.constant 255 : i32
      %parallel_loop3A_267 = vector.broadcast %parallel_loop3A_266 : i32 to vector<16xi32>
      %parallel_loop3A_268 = arith.andi %parallel_loop3A_265, %parallel_loop3A_267 : vector<16xi32>
      %parallel_loop3A_269 = arith.constant 16 : i32
      %parallel_loop3A_270 = vector.broadcast %parallel_loop3A_269 : i32 to vector<16xi32>
      %parallel_loop3A_271 = arith.muli %parallel_loop3A_268, %parallel_loop3A_270 : vector<16xi32>
      %parallel_loop3A_272 = arith.addi %parallel_loop3A_271, %iota3A : vector<16xi32>
      tpu.vector_store_idx %arg6[%parallel_loop3A_272], %broadcast_in_dim3A_37 {add = true} : memref<4096xf32, #tpu.memory_space<vmem>>[vector<16xi32>], vector<16xf32>,
      %parallel_loop3A_273 = arith.constant 8 : i32
      %parallel_loop3A_274 = vector.broadcast %parallel_loop3A_273 : i32 to vector<16xi32>
      %parallel_loop3A_275 = arith.shrsi %parallel_loop3A_262, %parallel_loop3A_274 : vector<16xi32>
      %parallel_loop3A_276 = arith.constant 255 : i32
      %parallel_loop3A_277 = vector.broadcast %parallel_loop3A_276 : i32 to vector<16xi32>
      %parallel_loop3A_278 = arith.andi %parallel_loop3A_275, %parallel_loop3A_277 : vector<16xi32>
      %parallel_loop3A_279 = arith.constant 16 : i32
      %parallel_loop3A_280 = vector.broadcast %parallel_loop3A_279 : i32 to vector<16xi32>
      %parallel_loop3A_281 = arith.muli %parallel_loop3A_278, %parallel_loop3A_280 : vector<16xi32>
      %parallel_loop3A_282 = arith.addi %parallel_loop3A_281, %iota3A : vector<16xi32>
      tpu.vector_store_idx %arg7[%parallel_loop3A_282], %broadcast_in_dim3A_37 {add = true} : memref<4096xf32, #tpu.memory_space<vmem>>[vector<16xi32>], vector<16xf32>,
      %parallel_loop3A_283 = arith.constant 16 : i32
      %parallel_loop3A_284 = vector.broadcast %parallel_loop3A_283 : i32 to vector<16xi32>
      %parallel_loop3A_285 = arith.shrsi %parallel_loop3A_262, %parallel_loop3A_284 : vector<16xi32>
      %parallel_loop3A_286 = arith.constant 255 : i32
      %parallel_loop3A_287 = vector.broadcast %parallel_loop3A_286 : i32 to vector<16xi32>
      %parallel_loop3A_288 = arith.andi %parallel_loop3A_285, %parallel_loop3A_287 : vector<16xi32>
      %parallel_loop3A_289 = arith.constant 16 : i32
      %parallel_loop3A_290 = vector.broadcast %parallel_loop3A_289 : i32 to vector<16xi32>
      %parallel_loop3A_291 = arith.muli %parallel_loop3A_288, %parallel_loop3A_290 : vector<16xi32>
      %parallel_loop3A_292 = arith.addi %parallel_loop3A_291, %iota3A : vector<16xi32>
      tpu.vector_store_idx %arg8[%parallel_loop3A_292], %broadcast_in_dim3A_37 {add = true} : memref<4096xf32, #tpu.memory_space<vmem>>[vector<16xi32>], vector<16xf32>,
      %parallel_loop3A_293 = arith.constant 24 : i32
      %parallel_loop3A_294 = vector.broadcast %parallel_loop3A_293 : i32 to vector<16xi32>
      %parallel_loop3A_295 = arith.shrsi %parallel_loop3A_262, %parallel_loop3A_294 : vector<16xi32>
      %parallel_loop3A_296 = arith.constant 255 : i32
      %parallel_loop3A_297 = vector.broadcast %parallel_loop3A_296 : i32 to vector<16xi32>
      %parallel_loop3A_298 = arith.andi %parallel_loop3A_295, %parallel_loop3A_297 : vector<16xi32>
      %parallel_loop3A_299 = arith.constant 16 : i32
      %parallel_loop3A_300 = vector.broadcast %parallel_loop3A_299 : i32 to vector<16xi32>
      %parallel_loop3A_301 = arith.muli %parallel_loop3A_298, %parallel_loop3A_300 : vector<16xi32>
      %parallel_loop3A_302 = arith.addi %parallel_loop3A_301, %iota3A : vector<16xi32>
      tpu.vector_store_idx %arg9[%parallel_loop3A_302], %broadcast_in_dim3A_37 {add = true} : memref<4096xf32, #tpu.memory_space<vmem>>[vector<16xi32>], vector<16xf32>,
    } {sc.loop_unroll_factor = 4 : i64, sc.parallel_access}
    %dma_wait3A_110 = arith.constant 0 : i32
    %dma_wait3A_111 = tpu.memref_slice %arg2[%select_n3A, %mul3A_100, %dma_wait3A_110] : memref<32x128x512xi32, #tpu.memory_space<hbm>> -> memref<1x16x512xi32, #tpu.memory_space<hbm>>
    %dma_wait3A_112 = tpu.memref_squeeze %dma_wait3A_111 : memref<1x16x512xi32, #tpu.memory_space<hbm>> -> memref<16x512xi32, #tpu.memory_space<hbm>>
    %dma_wait3A_113 = arith.constant 0 : i32
    %dma_wait3A_114 = tpu.memref_slice %arg2[%select_n3A, %mul3A_100, %dma_wait3A_113] : memref<32x128x512xi32, #tpu.memory_space<hbm>> -> memref<1x16x512xi32, #tpu.memory_space<hbm>>
    %dma_wait3A_115 = tpu.memref_squeeze %dma_wait3A_114 : memref<1x16x512xi32, #tpu.memory_space<hbm>> -> memref<16x512xi32, #tpu.memory_space<hbm>>
    tpu.wait_dma2 semaphore(%arg12 : memref<!tpu.dma_semaphore, #tpu.memory_space<semaphore_mem>>) src(%dma_wait3A_115 : memref<16x512xi32, #tpu.memory_space<hbm>>) dst(%arg5 : memref<16x512xi32, #tpu.memory_space<vmem>>)
    %mul3A_116 = arith.constant 8 : i32
    %mul3A_117 = arith.muli %select_n3A_30, %mul3A_116 : i32
    %add3A_118 = arith.constant 4 : i32
    %add3A_119 = arith.addi %mul3A_117, %add3A_118 : i32
    %mul3A_120 = arith.constant 16 : i32
    %mul3A_121 = arith.muli %add3A_119, %mul3A_120 : i32
    %dma_start3A_122 = arith.constant 0 : i32
    %dma_start3A_123 = tpu.memref_slice %arg2[%select_n3A, %mul3A_121, %dma_start3A_122] : memref<32x128x512xi32, #tpu.memory_space<hbm>> -> memref<1x16x512xi32, #tpu.memory_space<hbm>>
    %dma_start3A_124 = tpu.memref_squeeze %dma_start3A_123 : memref<1x16x512xi32, #tpu.memory_space<hbm>> -> memref<16x512xi32, #tpu.memory_space<hbm>>
    %dma_start3A_125 = arith.constant 0 : i32
    %dma_start3A_126 = tpu.memref_slice %arg2[%select_n3A, %mul3A_121, %dma_start3A_125] : memref<32x128x512xi32, #tpu.memory_space<hbm>> -> memref<1x16x512xi32, #tpu.memory_space<hbm>>
    %dma_start3A_127 = tpu.memref_squeeze %dma_start3A_126 : memref<1x16x512xi32, #tpu.memory_space<hbm>> -> memref<16x512xi32, #tpu.memory_space<hbm>>
    tpu.enqueue_dma source(%dma_start3A_127 : memref<16x512xi32, #tpu.memory_space<hbm>>) target(%arg4 : memref<16x512xi32, #tpu.memory_space<vmem>>) target_semaphore(%arg11 : memref<!tpu.dma_semaphore, #tpu.memory_space<semaphore_mem>>)
    %parallel_loop3A_128 = arith.constant 0 : i32
    %parallel_loop3A_129 = arith.constant 512 : i32
    %parallel_loop3A_130 = arith.constant 1 : i32
    scf.for %parallel_loop3A_217 = %parallel_loop3A_128 to %parallel_loop3A_129 step %parallel_loop3A_130  : i32 {
      %parallel_loop3A_218 = arith.constant 32 : i32
      %parallel_loop3A_219 = arith.divsi %parallel_loop3A_217, %parallel_loop3A_218 : i32
      %parallel_loop3A_220 = arith.constant 0 : i32
      %parallel_loop3A_221 = arith.cmpi sgt, %parallel_loop3A_217, %parallel_loop3A_220 : i32
      %parallel_loop3A_222 = arith.extui %parallel_loop3A_221 : i1 to i32
      %parallel_loop3A_223 = arith.constant 0 : i32
      %parallel_loop3A_224 = arith.cmpi slt, %parallel_loop3A_217, %parallel_loop3A_223 : i32
      %parallel_loop3A_225 = arith.extui %parallel_loop3A_224 : i1 to i32
      %parallel_loop3A_226 = arith.subi %parallel_loop3A_222, %parallel_loop3A_225 : i32
      %parallel_loop3A_227 = arith.constant 0 : i32
      %parallel_loop3A_228 = arith.cmpi sgt, %parallel_loop3A_218, %parallel_loop3A_227 : i32
      %parallel_loop3A_229 = arith.extui %parallel_loop3A_228 : i1 to i32
      %parallel_loop3A_230 = arith.constant 0 : i32
      %parallel_loop3A_231 = arith.cmpi slt, %parallel_loop3A_218, %parallel_loop3A_230 : i32
      %parallel_loop3A_232 = arith.extui %parallel_loop3A_231 : i1 to i32
      %parallel_loop3A_233 = arith.subi %parallel_loop3A_229, %parallel_loop3A_232 : i32
      %parallel_loop3A_234 = arith.cmpi ne, %parallel_loop3A_226, %parallel_loop3A_233 : i32
      %parallel_loop3A_235 = arith.remsi %parallel_loop3A_217, %parallel_loop3A_218 : i32
      %parallel_loop3A_236 = arith.constant 0 : i32
      %parallel_loop3A_237 = arith.cmpi ne, %parallel_loop3A_235, %parallel_loop3A_236 : i32
      %parallel_loop3A_238 = arith.andi %parallel_loop3A_234, %parallel_loop3A_237 : i1
      %parallel_loop3A_239 = arith.constant 1 : i32
      %parallel_loop3A_240 = arith.subi %parallel_loop3A_219, %parallel_loop3A_239 : i32
      %parallel_loop3A_241 = arith.select %parallel_loop3A_238, %parallel_loop3A_240, %parallel_loop3A_219 : i32
      %parallel_loop3A_242 = arith.constant 32 : i32
      %parallel_loop3A_243 = arith.constant 0 : i32
      %parallel_loop3A_244 = arith.cmpi eq, %parallel_loop3A_242, %parallel_loop3A_243 : i32
      %parallel_loop3A_245 = arith.constant 1 : i32
      %parallel_loop3A_246 = arith.select %parallel_loop3A_244, %parallel_loop3A_245, %parallel_loop3A_242 : i32
      %parallel_loop3A_247 = arith.remsi %parallel_loop3A_217, %parallel_loop3A_246 : i32
      %parallel_loop3A_248 = arith.constant 0 : i32
      %parallel_loop3A_249 = arith.cmpi ne, %parallel_loop3A_247, %parallel_loop3A_248 : i32
      %parallel_loop3A_250 = arith.constant 0 : i32
      %parallel_loop3A_251 = arith.cmpi slt, %parallel_loop3A_247, %parallel_loop3A_250 : i32
      %parallel_loop3A_252 = arith.constant 0 : i32
      %parallel_loop3A_253 = arith.cmpi slt, %parallel_loop3A_246, %parallel_loop3A_252 : i32
      %parallel_loop3A_254 = arith.xori %parallel_loop3A_251, %parallel_loop3A_253 : i1
      %parallel_loop3A_255 = arith.andi %parallel_loop3A_254, %parallel_loop3A_249 : i1
      %parallel_loop3A_256 = arith.addi %parallel_loop3A_247, %parallel_loop3A_246 : i32
      %parallel_loop3A_257 = arith.select %parallel_loop3A_255, %parallel_loop3A_256, %parallel_loop3A_247 : i32
      %parallel_loop3A_258 = arith.constant 16 : i32
      %parallel_loop3A_259 = arith.muli %parallel_loop3A_257, %parallel_loop3A_258 : i32
      %parallel_loop3A_260 = arith.index_cast %parallel_loop3A_241 : i32 to index
      %parallel_loop3A_261 = arith.index_cast %parallel_loop3A_259 : i32 to index
      %parallel_loop3A_262 = tpu.vector_load %arg5[%parallel_loop3A_260, %parallel_loop3A_261] {strides = array<i32>} : memref<16x512xi32, #tpu.memory_space<vmem>>, vector<16xi32>,
      %parallel_loop3A_263 = arith.constant 0 : i32
      %parallel_loop3A_264 = vector.broadcast %parallel_loop3A_263 : i32 to vector<16xi32>
      %parallel_loop3A_265 = arith.shrsi %parallel_loop3A_262, %parallel_loop3A_264 : vector<16xi32>
      %parallel_loop3A_266 = arith.constant 255 : i32
      %parallel_loop3A_267 = vector.broadcast %parallel_loop3A_266 : i32 to vector<16xi32>
      %parallel_loop3A_268 = arith.andi %parallel_loop3A_265, %parallel_loop3A_267 : vector<16xi32>
      %parallel_loop3A_269 = arith.constant 16 : i32
      %parallel_loop3A_270 = vector.broadcast %parallel_loop3A_269 : i32 to vector<16xi32>
      %parallel_loop3A_271 = arith.muli %parallel_loop3A_268, %parallel_loop3A_270 : vector<16xi32>
      %parallel_loop3A_272 = arith.addi %parallel_loop3A_271, %iota3A : vector<16xi32>
      tpu.vector_store_idx %arg6[%parallel_loop3A_272], %broadcast_in_dim3A_37 {add = true} : memref<4096xf32, #tpu.memory_space<vmem>>[vector<16xi32>], vector<16xf32>,
      %parallel_loop3A_273 = arith.constant 8 : i32
      %parallel_loop3A_274 = vector.broadcast %parallel_loop3A_273 : i32 to vector<16xi32>
      %parallel_loop3A_275 = arith.shrsi %parallel_loop3A_262, %parallel_loop3A_274 : vector<16xi32>
      %parallel_loop3A_276 = arith.constant 255 : i32
      %parallel_loop3A_277 = vector.broadcast %parallel_loop3A_276 : i32 to vector<16xi32>
      %parallel_loop3A_278 = arith.andi %parallel_loop3A_275, %parallel_loop3A_277 : vector<16xi32>
      %parallel_loop3A_279 = arith.constant 16 : i32
      %parallel_loop3A_280 = vector.broadcast %parallel_loop3A_279 : i32 to vector<16xi32>
      %parallel_loop3A_281 = arith.muli %parallel_loop3A_278, %parallel_loop3A_280 : vector<16xi32>
      %parallel_loop3A_282 = arith.addi %parallel_loop3A_281, %iota3A : vector<16xi32>
      tpu.vector_store_idx %arg7[%parallel_loop3A_282], %broadcast_in_dim3A_37 {add = true} : memref<4096xf32, #tpu.memory_space<vmem>>[vector<16xi32>], vector<16xf32>,
      %parallel_loop3A_283 = arith.constant 16 : i32
      %parallel_loop3A_284 = vector.broadcast %parallel_loop3A_283 : i32 to vector<16xi32>
      %parallel_loop3A_285 = arith.shrsi %parallel_loop3A_262, %parallel_loop3A_284 : vector<16xi32>
      %parallel_loop3A_286 = arith.constant 255 : i32
      %parallel_loop3A_287 = vector.broadcast %parallel_loop3A_286 : i32 to vector<16xi32>
      %parallel_loop3A_288 = arith.andi %parallel_loop3A_285, %parallel_loop3A_287 : vector<16xi32>
      %parallel_loop3A_289 = arith.constant 16 : i32
      %parallel_loop3A_290 = vector.broadcast %parallel_loop3A_289 : i32 to vector<16xi32>
      %parallel_loop3A_291 = arith.muli %parallel_loop3A_288, %parallel_loop3A_290 : vector<16xi32>
      %parallel_loop3A_292 = arith.addi %parallel_loop3A_291, %iota3A : vector<16xi32>
      tpu.vector_store_idx %arg8[%parallel_loop3A_292], %broadcast_in_dim3A_37 {add = true} : memref<4096xf32, #tpu.memory_space<vmem>>[vector<16xi32>], vector<16xf32>,
      %parallel_loop3A_293 = arith.constant 24 : i32
      %parallel_loop3A_294 = vector.broadcast %parallel_loop3A_293 : i32 to vector<16xi32>
      %parallel_loop3A_295 = arith.shrsi %parallel_loop3A_262, %parallel_loop3A_294 : vector<16xi32>
      %parallel_loop3A_296 = arith.constant 255 : i32
      %parallel_loop3A_297 = vector.broadcast %parallel_loop3A_296 : i32 to vector<16xi32>
      %parallel_loop3A_298 = arith.andi %parallel_loop3A_295, %parallel_loop3A_297 : vector<16xi32>
      %parallel_loop3A_299 = arith.constant 16 : i32
      %parallel_loop3A_300 = vector.broadcast %parallel_loop3A_299 : i32 to vector<16xi32>
      %parallel_loop3A_301 = arith.muli %parallel_loop3A_298, %parallel_loop3A_300 : vector<16xi32>
      %parallel_loop3A_302 = arith.addi %parallel_loop3A_301, %iota3A : vector<16xi32>
      tpu.vector_store_idx %arg9[%parallel_loop3A_302], %broadcast_in_dim3A_37 {add = true} : memref<4096xf32, #tpu.memory_space<vmem>>[vector<16xi32>], vector<16xf32>,
    } {sc.loop_unroll_factor = 4 : i64, sc.parallel_access}
    %dma_wait3A_131 = arith.constant 0 : i32
    %dma_wait3A_132 = tpu.memref_slice %arg2[%select_n3A, %mul3A_121, %dma_wait3A_131] : memref<32x128x512xi32, #tpu.memory_space<hbm>> -> memref<1x16x512xi32, #tpu.memory_space<hbm>>
    %dma_wait3A_133 = tpu.memref_squeeze %dma_wait3A_132 : memref<1x16x512xi32, #tpu.memory_space<hbm>> -> memref<16x512xi32, #tpu.memory_space<hbm>>
    %dma_wait3A_134 = arith.constant 0 : i32
    %dma_wait3A_135 = tpu.memref_slice %arg2[%select_n3A, %mul3A_121, %dma_wait3A_134] : memref<32x128x512xi32, #tpu.memory_space<hbm>> -> memref<1x16x512xi32, #tpu.memory_space<hbm>>
    %dma_wait3A_136 = tpu.memref_squeeze %dma_wait3A_135 : memref<1x16x512xi32, #tpu.memory_space<hbm>> -> memref<16x512xi32, #tpu.memory_space<hbm>>
    tpu.wait_dma2 semaphore(%arg11 : memref<!tpu.dma_semaphore, #tpu.memory_space<semaphore_mem>>) src(%dma_wait3A_136 : memref<16x512xi32, #tpu.memory_space<hbm>>) dst(%arg4 : memref<16x512xi32, #tpu.memory_space<vmem>>)
    %mul3A_137 = arith.constant 8 : i32
    %mul3A_138 = arith.muli %select_n3A_30, %mul3A_137 : i32
    %add3A_139 = arith.constant 5 : i32
    %add3A_140 = arith.addi %mul3A_138, %add3A_139 : i32
    %mul3A_141 = arith.constant 16 : i32
    %mul3A_142 = arith.muli %add3A_140, %mul3A_141 : i32
    %dma_start3A_143 = arith.constant 0 : i32
    %dma_start3A_144 = tpu.memref_slice %arg2[%select_n3A, %mul3A_142, %dma_start3A_143] : memref<32x128x512xi32, #tpu.memory_space<hbm>> -> memref<1x16x512xi32, #tpu.memory_space<hbm>>
    %dma_start3A_145 = tpu.memref_squeeze %dma_start3A_144 : memref<1x16x512xi32, #tpu.memory_space<hbm>> -> memref<16x512xi32, #tpu.memory_space<hbm>>
    %dma_start3A_146 = arith.constant 0 : i32
    %dma_start3A_147 = tpu.memref_slice %arg2[%select_n3A, %mul3A_142, %dma_start3A_146] : memref<32x128x512xi32, #tpu.memory_space<hbm>> -> memref<1x16x512xi32, #tpu.memory_space<hbm>>
    %dma_start3A_148 = tpu.memref_squeeze %dma_start3A_147 : memref<1x16x512xi32, #tpu.memory_space<hbm>> -> memref<16x512xi32, #tpu.memory_space<hbm>>
    tpu.enqueue_dma source(%dma_start3A_148 : memref<16x512xi32, #tpu.memory_space<hbm>>) target(%arg5 : memref<16x512xi32, #tpu.memory_space<vmem>>) target_semaphore(%arg12 : memref<!tpu.dma_semaphore, #tpu.memory_space<semaphore_mem>>)
    %parallel_loop3A_149 = arith.constant 0 : i32
    %parallel_loop3A_150 = arith.constant 512 : i32
    %parallel_loop3A_151 = arith.constant 1 : i32
    scf.for %parallel_loop3A_217 = %parallel_loop3A_149 to %parallel_loop3A_150 step %parallel_loop3A_151  : i32 {
      %parallel_loop3A_218 = arith.constant 32 : i32
      %parallel_loop3A_219 = arith.divsi %parallel_loop3A_217, %parallel_loop3A_218 : i32
      %parallel_loop3A_220 = arith.constant 0 : i32
      %parallel_loop3A_221 = arith.cmpi sgt, %parallel_loop3A_217, %parallel_loop3A_220 : i32
      %parallel_loop3A_222 = arith.extui %parallel_loop3A_221 : i1 to i32
      %parallel_loop3A_223 = arith.constant 0 : i32
      %parallel_loop3A_224 = arith.cmpi slt, %parallel_loop3A_217, %parallel_loop3A_223 : i32
      %parallel_loop3A_225 = arith.extui %parallel_loop3A_224 : i1 to i32
      %parallel_loop3A_226 = arith.subi %parallel_loop3A_222, %parallel_loop3A_225 : i32
      %parallel_loop3A_227 = arith.constant 0 : i32
      %parallel_loop3A_228 = arith.cmpi sgt, %parallel_loop3A_218, %parallel_loop3A_227 : i32
      %parallel_loop3A_229 = arith.extui %parallel_loop3A_228 : i1 to i32
      %parallel_loop3A_230 = arith.constant 0 : i32
      %parallel_loop3A_231 = arith.cmpi slt, %parallel_loop3A_218, %parallel_loop3A_230 : i32
      %parallel_loop3A_232 = arith.extui %parallel_loop3A_231 : i1 to i32
      %parallel_loop3A_233 = arith.subi %parallel_loop3A_229, %parallel_loop3A_232 : i32
      %parallel_loop3A_234 = arith.cmpi ne, %parallel_loop3A_226, %parallel_loop3A_233 : i32
      %parallel_loop3A_235 = arith.remsi %parallel_loop3A_217, %parallel_loop3A_218 : i32
      %parallel_loop3A_236 = arith.constant 0 : i32
      %parallel_loop3A_237 = arith.cmpi ne, %parallel_loop3A_235, %parallel_loop3A_236 : i32
      %parallel_loop3A_238 = arith.andi %parallel_loop3A_234, %parallel_loop3A_237 : i1
      %parallel_loop3A_239 = arith.constant 1 : i32
      %parallel_loop3A_240 = arith.subi %parallel_loop3A_219, %parallel_loop3A_239 : i32
      %parallel_loop3A_241 = arith.select %parallel_loop3A_238, %parallel_loop3A_240, %parallel_loop3A_219 : i32
      %parallel_loop3A_242 = arith.constant 32 : i32
      %parallel_loop3A_243 = arith.constant 0 : i32
      %parallel_loop3A_244 = arith.cmpi eq, %parallel_loop3A_242, %parallel_loop3A_243 : i32
      %parallel_loop3A_245 = arith.constant 1 : i32
      %parallel_loop3A_246 = arith.select %parallel_loop3A_244, %parallel_loop3A_245, %parallel_loop3A_242 : i32
      %parallel_loop3A_247 = arith.remsi %parallel_loop3A_217, %parallel_loop3A_246 : i32
      %parallel_loop3A_248 = arith.constant 0 : i32
      %parallel_loop3A_249 = arith.cmpi ne, %parallel_loop3A_247, %parallel_loop3A_248 : i32
      %parallel_loop3A_250 = arith.constant 0 : i32
      %parallel_loop3A_251 = arith.cmpi slt, %parallel_loop3A_247, %parallel_loop3A_250 : i32
      %parallel_loop3A_252 = arith.constant 0 : i32
      %parallel_loop3A_253 = arith.cmpi slt, %parallel_loop3A_246, %parallel_loop3A_252 : i32
      %parallel_loop3A_254 = arith.xori %parallel_loop3A_251, %parallel_loop3A_253 : i1
      %parallel_loop3A_255 = arith.andi %parallel_loop3A_254, %parallel_loop3A_249 : i1
      %parallel_loop3A_256 = arith.addi %parallel_loop3A_247, %parallel_loop3A_246 : i32
      %parallel_loop3A_257 = arith.select %parallel_loop3A_255, %parallel_loop3A_256, %parallel_loop3A_247 : i32
      %parallel_loop3A_258 = arith.constant 16 : i32
      %parallel_loop3A_259 = arith.muli %parallel_loop3A_257, %parallel_loop3A_258 : i32
      %parallel_loop3A_260 = arith.index_cast %parallel_loop3A_241 : i32 to index
      %parallel_loop3A_261 = arith.index_cast %parallel_loop3A_259 : i32 to index
      %parallel_loop3A_262 = tpu.vector_load %arg4[%parallel_loop3A_260, %parallel_loop3A_261] {strides = array<i32>} : memref<16x512xi32, #tpu.memory_space<vmem>>, vector<16xi32>,
      %parallel_loop3A_263 = arith.constant 0 : i32
      %parallel_loop3A_264 = vector.broadcast %parallel_loop3A_263 : i32 to vector<16xi32>
      %parallel_loop3A_265 = arith.shrsi %parallel_loop3A_262, %parallel_loop3A_264 : vector<16xi32>
      %parallel_loop3A_266 = arith.constant 255 : i32
      %parallel_loop3A_267 = vector.broadcast %parallel_loop3A_266 : i32 to vector<16xi32>
      %parallel_loop3A_268 = arith.andi %parallel_loop3A_265, %parallel_loop3A_267 : vector<16xi32>
      %parallel_loop3A_269 = arith.constant 16 : i32
      %parallel_loop3A_270 = vector.broadcast %parallel_loop3A_269 : i32 to vector<16xi32>
      %parallel_loop3A_271 = arith.muli %parallel_loop3A_268, %parallel_loop3A_270 : vector<16xi32>
      %parallel_loop3A_272 = arith.addi %parallel_loop3A_271, %iota3A : vector<16xi32>
      tpu.vector_store_idx %arg6[%parallel_loop3A_272], %broadcast_in_dim3A_37 {add = true} : memref<4096xf32, #tpu.memory_space<vmem>>[vector<16xi32>], vector<16xf32>,
      %parallel_loop3A_273 = arith.constant 8 : i32
      %parallel_loop3A_274 = vector.broadcast %parallel_loop3A_273 : i32 to vector<16xi32>
      %parallel_loop3A_275 = arith.shrsi %parallel_loop3A_262, %parallel_loop3A_274 : vector<16xi32>
      %parallel_loop3A_276 = arith.constant 255 : i32
      %parallel_loop3A_277 = vector.broadcast %parallel_loop3A_276 : i32 to vector<16xi32>
      %parallel_loop3A_278 = arith.andi %parallel_loop3A_275, %parallel_loop3A_277 : vector<16xi32>
      %parallel_loop3A_279 = arith.constant 16 : i32
      %parallel_loop3A_280 = vector.broadcast %parallel_loop3A_279 : i32 to vector<16xi32>
      %parallel_loop3A_281 = arith.muli %parallel_loop3A_278, %parallel_loop3A_280 : vector<16xi32>
      %parallel_loop3A_282 = arith.addi %parallel_loop3A_281, %iota3A : vector<16xi32>
      tpu.vector_store_idx %arg7[%parallel_loop3A_282], %broadcast_in_dim3A_37 {add = true} : memref<4096xf32, #tpu.memory_space<vmem>>[vector<16xi32>], vector<16xf32>,
      %parallel_loop3A_283 = arith.constant 16 : i32
      %parallel_loop3A_284 = vector.broadcast %parallel_loop3A_283 : i32 to vector<16xi32>
      %parallel_loop3A_285 = arith.shrsi %parallel_loop3A_262, %parallel_loop3A_284 : vector<16xi32>
      %parallel_loop3A_286 = arith.constant 255 : i32
      %parallel_loop3A_287 = vector.broadcast %parallel_loop3A_286 : i32 to vector<16xi32>
      %parallel_loop3A_288 = arith.andi %parallel_loop3A_285, %parallel_loop3A_287 : vector<16xi32>
      %parallel_loop3A_289 = arith.constant 16 : i32
      %parallel_loop3A_290 = vector.broadcast %parallel_loop3A_289 : i32 to vector<16xi32>
      %parallel_loop3A_291 = arith.muli %parallel_loop3A_288, %parallel_loop3A_290 : vector<16xi32>
      %parallel_loop3A_292 = arith.addi %parallel_loop3A_291, %iota3A : vector<16xi32>
      tpu.vector_store_idx %arg8[%parallel_loop3A_292], %broadcast_in_dim3A_37 {add = true} : memref<4096xf32, #tpu.memory_space<vmem>>[vector<16xi32>], vector<16xf32>,
      %parallel_loop3A_293 = arith.constant 24 : i32
      %parallel_loop3A_294 = vector.broadcast %parallel_loop3A_293 : i32 to vector<16xi32>
      %parallel_loop3A_295 = arith.shrsi %parallel_loop3A_262, %parallel_loop3A_294 : vector<16xi32>
      %parallel_loop3A_296 = arith.constant 255 : i32
      %parallel_loop3A_297 = vector.broadcast %parallel_loop3A_296 : i32 to vector<16xi32>
      %parallel_loop3A_298 = arith.andi %parallel_loop3A_295, %parallel_loop3A_297 : vector<16xi32>
      %parallel_loop3A_299 = arith.constant 16 : i32
      %parallel_loop3A_300 = vector.broadcast %parallel_loop3A_299 : i32 to vector<16xi32>
      %parallel_loop3A_301 = arith.muli %parallel_loop3A_298, %parallel_loop3A_300 : vector<16xi32>
      %parallel_loop3A_302 = arith.addi %parallel_loop3A_301, %iota3A : vector<16xi32>
      tpu.vector_store_idx %arg9[%parallel_loop3A_302], %broadcast_in_dim3A_37 {add = true} : memref<4096xf32, #tpu.memory_space<vmem>>[vector<16xi32>], vector<16xf32>,
    } {sc.loop_unroll_factor = 4 : i64, sc.parallel_access}
    %dma_wait3A_152 = arith.constant 0 : i32
    %dma_wait3A_153 = tpu.memref_slice %arg2[%select_n3A, %mul3A_142, %dma_wait3A_152] : memref<32x128x512xi32, #tpu.memory_space<hbm>> -> memref<1x16x512xi32, #tpu.memory_space<hbm>>
    %dma_wait3A_154 = tpu.memref_squeeze %dma_wait3A_153 : memref<1x16x512xi32, #tpu.memory_space<hbm>> -> memref<16x512xi32, #tpu.memory_space<hbm>>
    %dma_wait3A_155 = arith.constant 0 : i32
    %dma_wait3A_156 = tpu.memref_slice %arg2[%select_n3A, %mul3A_142, %dma_wait3A_155] : memref<32x128x512xi32, #tpu.memory_space<hbm>> -> memref<1x16x512xi32, #tpu.memory_space<hbm>>
    %dma_wait3A_157 = tpu.memref_squeeze %dma_wait3A_156 : memref<1x16x512xi32, #tpu.memory_space<hbm>> -> memref<16x512xi32, #tpu.memory_space<hbm>>
    tpu.wait_dma2 semaphore(%arg12 : memref<!tpu.dma_semaphore, #tpu.memory_space<semaphore_mem>>) src(%dma_wait3A_157 : memref<16x512xi32, #tpu.memory_space<hbm>>) dst(%arg5 : memref<16x512xi32, #tpu.memory_space<vmem>>)
    %mul3A_158 = arith.constant 8 : i32
    %mul3A_159 = arith.muli %select_n3A_30, %mul3A_158 : i32
    %add3A_160 = arith.constant 6 : i32
    %add3A_161 = arith.addi %mul3A_159, %add3A_160 : i32
    %mul3A_162 = arith.constant 16 : i32
    %mul3A_163 = arith.muli %add3A_161, %mul3A_162 : i32
    %dma_start3A_164 = arith.constant 0 : i32
    %dma_start3A_165 = tpu.memref_slice %arg2[%select_n3A, %mul3A_163, %dma_start3A_164] : memref<32x128x512xi32, #tpu.memory_space<hbm>> -> memref<1x16x512xi32, #tpu.memory_space<hbm>>
    %dma_start3A_166 = tpu.memref_squeeze %dma_start3A_165 : memref<1x16x512xi32, #tpu.memory_space<hbm>> -> memref<16x512xi32, #tpu.memory_space<hbm>>
    %dma_start3A_167 = arith.constant 0 : i32
    %dma_start3A_168 = tpu.memref_slice %arg2[%select_n3A, %mul3A_163, %dma_start3A_167] : memref<32x128x512xi32, #tpu.memory_space<hbm>> -> memref<1x16x512xi32, #tpu.memory_space<hbm>>
    %dma_start3A_169 = tpu.memref_squeeze %dma_start3A_168 : memref<1x16x512xi32, #tpu.memory_space<hbm>> -> memref<16x512xi32, #tpu.memory_space<hbm>>
    tpu.enqueue_dma source(%dma_start3A_169 : memref<16x512xi32, #tpu.memory_space<hbm>>) target(%arg4 : memref<16x512xi32, #tpu.memory_space<vmem>>) target_semaphore(%arg11 : memref<!tpu.dma_semaphore, #tpu.memory_space<semaphore_mem>>)
    %parallel_loop3A_170 = arith.constant 0 : i32
    %parallel_loop3A_171 = arith.constant 512 : i32
    %parallel_loop3A_172 = arith.constant 1 : i32
    scf.for %parallel_loop3A_217 = %parallel_loop3A_170 to %parallel_loop3A_171 step %parallel_loop3A_172  : i32 {
      %parallel_loop3A_218 = arith.constant 32 : i32
      %parallel_loop3A_219 = arith.divsi %parallel_loop3A_217, %parallel_loop3A_218 : i32
      %parallel_loop3A_220 = arith.constant 0 : i32
      %parallel_loop3A_221 = arith.cmpi sgt, %parallel_loop3A_217, %parallel_loop3A_220 : i32
      %parallel_loop3A_222 = arith.extui %parallel_loop3A_221 : i1 to i32
      %parallel_loop3A_223 = arith.constant 0 : i32
      %parallel_loop3A_224 = arith.cmpi slt, %parallel_loop3A_217, %parallel_loop3A_223 : i32
      %parallel_loop3A_225 = arith.extui %parallel_loop3A_224 : i1 to i32
      %parallel_loop3A_226 = arith.subi %parallel_loop3A_222, %parallel_loop3A_225 : i32
      %parallel_loop3A_227 = arith.constant 0 : i32
      %parallel_loop3A_228 = arith.cmpi sgt, %parallel_loop3A_218, %parallel_loop3A_227 : i32
      %parallel_loop3A_229 = arith.extui %parallel_loop3A_228 : i1 to i32
      %parallel_loop3A_230 = arith.constant 0 : i32
      %parallel_loop3A_231 = arith.cmpi slt, %parallel_loop3A_218, %parallel_loop3A_230 : i32
      %parallel_loop3A_232 = arith.extui %parallel_loop3A_231 : i1 to i32
      %parallel_loop3A_233 = arith.subi %parallel_loop3A_229, %parallel_loop3A_232 : i32
      %parallel_loop3A_234 = arith.cmpi ne, %parallel_loop3A_226, %parallel_loop3A_233 : i32
      %parallel_loop3A_235 = arith.remsi %parallel_loop3A_217, %parallel_loop3A_218 : i32
      %parallel_loop3A_236 = arith.constant 0 : i32
      %parallel_loop3A_237 = arith.cmpi ne, %parallel_loop3A_235, %parallel_loop3A_236 : i32
      %parallel_loop3A_238 = arith.andi %parallel_loop3A_234, %parallel_loop3A_237 : i1
      %parallel_loop3A_239 = arith.constant 1 : i32
      %parallel_loop3A_240 = arith.subi %parallel_loop3A_219, %parallel_loop3A_239 : i32
      %parallel_loop3A_241 = arith.select %parallel_loop3A_238, %parallel_loop3A_240, %parallel_loop3A_219 : i32
      %parallel_loop3A_242 = arith.constant 32 : i32
      %parallel_loop3A_243 = arith.constant 0 : i32
      %parallel_loop3A_244 = arith.cmpi eq, %parallel_loop3A_242, %parallel_loop3A_243 : i32
      %parallel_loop3A_245 = arith.constant 1 : i32
      %parallel_loop3A_246 = arith.select %parallel_loop3A_244, %parallel_loop3A_245, %parallel_loop3A_242 : i32
      %parallel_loop3A_247 = arith.remsi %parallel_loop3A_217, %parallel_loop3A_246 : i32
      %parallel_loop3A_248 = arith.constant 0 : i32
      %parallel_loop3A_249 = arith.cmpi ne, %parallel_loop3A_247, %parallel_loop3A_248 : i32
      %parallel_loop3A_250 = arith.constant 0 : i32
      %parallel_loop3A_251 = arith.cmpi slt, %parallel_loop3A_247, %parallel_loop3A_250 : i32
      %parallel_loop3A_252 = arith.constant 0 : i32
      %parallel_loop3A_253 = arith.cmpi slt, %parallel_loop3A_246, %parallel_loop3A_252 : i32
      %parallel_loop3A_254 = arith.xori %parallel_loop3A_251, %parallel_loop3A_253 : i1
      %parallel_loop3A_255 = arith.andi %parallel_loop3A_254, %parallel_loop3A_249 : i1
      %parallel_loop3A_256 = arith.addi %parallel_loop3A_247, %parallel_loop3A_246 : i32
      %parallel_loop3A_257 = arith.select %parallel_loop3A_255, %parallel_loop3A_256, %parallel_loop3A_247 : i32
      %parallel_loop3A_258 = arith.constant 16 : i32
      %parallel_loop3A_259 = arith.muli %parallel_loop3A_257, %parallel_loop3A_258 : i32
      %parallel_loop3A_260 = arith.index_cast %parallel_loop3A_241 : i32 to index
      %parallel_loop3A_261 = arith.index_cast %parallel_loop3A_259 : i32 to index
      %parallel_loop3A_262 = tpu.vector_load %arg5[%parallel_loop3A_260, %parallel_loop3A_261] {strides = array<i32>} : memref<16x512xi32, #tpu.memory_space<vmem>>, vector<16xi32>,
      %parallel_loop3A_263 = arith.constant 0 : i32
      %parallel_loop3A_264 = vector.broadcast %parallel_loop3A_263 : i32 to vector<16xi32>
      %parallel_loop3A_265 = arith.shrsi %parallel_loop3A_262, %parallel_loop3A_264 : vector<16xi32>
      %parallel_loop3A_266 = arith.constant 255 : i32
      %parallel_loop3A_267 = vector.broadcast %parallel_loop3A_266 : i32 to vector<16xi32>
      %parallel_loop3A_268 = arith.andi %parallel_loop3A_265, %parallel_loop3A_267 : vector<16xi32>
      %parallel_loop3A_269 = arith.constant 16 : i32
      %parallel_loop3A_270 = vector.broadcast %parallel_loop3A_269 : i32 to vector<16xi32>
      %parallel_loop3A_271 = arith.muli %parallel_loop3A_268, %parallel_loop3A_270 : vector<16xi32>
      %parallel_loop3A_272 = arith.addi %parallel_loop3A_271, %iota3A : vector<16xi32>
      tpu.vector_store_idx %arg6[%parallel_loop3A_272], %broadcast_in_dim3A_37 {add = true} : memref<4096xf32, #tpu.memory_space<vmem>>[vector<16xi32>], vector<16xf32>,
      %parallel_loop3A_273 = arith.constant 8 : i32
      %parallel_loop3A_274 = vector.broadcast %parallel_loop3A_273 : i32 to vector<16xi32>
      %parallel_loop3A_275 = arith.shrsi %parallel_loop3A_262, %parallel_loop3A_274 : vector<16xi32>
      %parallel_loop3A_276 = arith.constant 255 : i32
      %parallel_loop3A_277 = vector.broadcast %parallel_loop3A_276 : i32 to vector<16xi32>
      %parallel_loop3A_278 = arith.andi %parallel_loop3A_275, %parallel_loop3A_277 : vector<16xi32>
      %parallel_loop3A_279 = arith.constant 16 : i32
      %parallel_loop3A_280 = vector.broadcast %parallel_loop3A_279 : i32 to vector<16xi32>
      %parallel_loop3A_281 = arith.muli %parallel_loop3A_278, %parallel_loop3A_280 : vector<16xi32>
      %parallel_loop3A_282 = arith.addi %parallel_loop3A_281, %iota3A : vector<16xi32>
      tpu.vector_store_idx %arg7[%parallel_loop3A_282], %broadcast_in_dim3A_37 {add = true} : memref<4096xf32, #tpu.memory_space<vmem>>[vector<16xi32>], vector<16xf32>,
      %parallel_loop3A_283 = arith.constant 16 : i32
      %parallel_loop3A_284 = vector.broadcast %parallel_loop3A_283 : i32 to vector<16xi32>
      %parallel_loop3A_285 = arith.shrsi %parallel_loop3A_262, %parallel_loop3A_284 : vector<16xi32>
      %parallel_loop3A_286 = arith.constant 255 : i32
      %parallel_loop3A_287 = vector.broadcast %parallel_loop3A_286 : i32 to vector<16xi32>
      %parallel_loop3A_288 = arith.andi %parallel_loop3A_285, %parallel_loop3A_287 : vector<16xi32>
      %parallel_loop3A_289 = arith.constant 16 : i32
      %parallel_loop3A_290 = vector.broadcast %parallel_loop3A_289 : i32 to vector<16xi32>
      %parallel_loop3A_291 = arith.muli %parallel_loop3A_288, %parallel_loop3A_290 : vector<16xi32>
      %parallel_loop3A_292 = arith.addi %parallel_loop3A_291, %iota3A : vector<16xi32>
      tpu.vector_store_idx %arg8[%parallel_loop3A_292], %broadcast_in_dim3A_37 {add = true} : memref<4096xf32, #tpu.memory_space<vmem>>[vector<16xi32>], vector<16xf32>,
      %parallel_loop3A_293 = arith.constant 24 : i32
      %parallel_loop3A_294 = vector.broadcast %parallel_loop3A_293 : i32 to vector<16xi32>
      %parallel_loop3A_295 = arith.shrsi %parallel_loop3A_262, %parallel_loop3A_294 : vector<16xi32>
      %parallel_loop3A_296 = arith.constant 255 : i32
      %parallel_loop3A_297 = vector.broadcast %parallel_loop3A_296 : i32 to vector<16xi32>
      %parallel_loop3A_298 = arith.andi %parallel_loop3A_295, %parallel_loop3A_297 : vector<16xi32>
      %parallel_loop3A_299 = arith.constant 16 : i32
      %parallel_loop3A_300 = vector.broadcast %parallel_loop3A_299 : i32 to vector<16xi32>
      %parallel_loop3A_301 = arith.muli %parallel_loop3A_298, %parallel_loop3A_300 : vector<16xi32>
      %parallel_loop3A_302 = arith.addi %parallel_loop3A_301, %iota3A : vector<16xi32>
      tpu.vector_store_idx %arg9[%parallel_loop3A_302], %broadcast_in_dim3A_37 {add = true} : memref<4096xf32, #tpu.memory_space<vmem>>[vector<16xi32>], vector<16xf32>,
    } {sc.loop_unroll_factor = 4 : i64, sc.parallel_access}
    %dma_wait3A_173 = arith.constant 0 : i32
    %dma_wait3A_174 = tpu.memref_slice %arg2[%select_n3A, %mul3A_163, %dma_wait3A_173] : memref<32x128x512xi32, #tpu.memory_space<hbm>> -> memref<1x16x512xi32, #tpu.memory_space<hbm>>
    %dma_wait3A_175 = tpu.memref_squeeze %dma_wait3A_174 : memref<1x16x512xi32, #tpu.memory_space<hbm>> -> memref<16x512xi32, #tpu.memory_space<hbm>>
    %dma_wait3A_176 = arith.constant 0 : i32
    %dma_wait3A_177 = tpu.memref_slice %arg2[%select_n3A, %mul3A_163, %dma_wait3A_176] : memref<32x128x512xi32, #tpu.memory_space<hbm>> -> memref<1x16x512xi32, #tpu.memory_space<hbm>>
    %dma_wait3A_178 = tpu.memref_squeeze %dma_wait3A_177 : memref<1x16x512xi32, #tpu.memory_space<hbm>> -> memref<16x512xi32, #tpu.memory_space<hbm>>
    tpu.wait_dma2 semaphore(%arg11 : memref<!tpu.dma_semaphore, #tpu.memory_space<semaphore_mem>>) src(%dma_wait3A_178 : memref<16x512xi32, #tpu.memory_space<hbm>>) dst(%arg4 : memref<16x512xi32, #tpu.memory_space<vmem>>)
    %mul3A_179 = arith.constant 8 : i32
    %mul3A_180 = arith.muli %select_n3A_30, %mul3A_179 : i32
    %add3A_181 = arith.constant 7 : i32
    %add3A_182 = arith.addi %mul3A_180, %add3A_181 : i32
    %mul3A_183 = arith.constant 16 : i32
    %mul3A_184 = arith.muli %add3A_182, %mul3A_183 : i32
    %dma_start3A_185 = arith.constant 0 : i32
    %dma_start3A_186 = tpu.memref_slice %arg2[%select_n3A, %mul3A_184, %dma_start3A_185] : memref<32x128x512xi32, #tpu.memory_space<hbm>> -> memref<1x16x512xi32, #tpu.memory_space<hbm>>
    %dma_start3A_187 = tpu.memref_squeeze %dma_start3A_186 : memref<1x16x512xi32, #tpu.memory_space<hbm>> -> memref<16x512xi32, #tpu.memory_space<hbm>>
    %dma_start3A_188 = arith.constant 0 : i32
    %dma_start3A_189 = tpu.memref_slice %arg2[%select_n3A, %mul3A_184, %dma_start3A_188] : memref<32x128x512xi32, #tpu.memory_space<hbm>> -> memref<1x16x512xi32, #tpu.memory_space<hbm>>
    %dma_start3A_190 = tpu.memref_squeeze %dma_start3A_189 : memref<1x16x512xi32, #tpu.memory_space<hbm>> -> memref<16x512xi32, #tpu.memory_space<hbm>>
    tpu.enqueue_dma source(%dma_start3A_190 : memref<16x512xi32, #tpu.memory_space<hbm>>) target(%arg5 : memref<16x512xi32, #tpu.memory_space<vmem>>) target_semaphore(%arg12 : memref<!tpu.dma_semaphore, #tpu.memory_space<semaphore_mem>>)
    %parallel_loop3A_191 = arith.constant 0 : i32
    %parallel_loop3A_192 = arith.constant 512 : i32
    %parallel_loop3A_193 = arith.constant 1 : i32
    scf.for %parallel_loop3A_217 = %parallel_loop3A_191 to %parallel_loop3A_192 step %parallel_loop3A_193  : i32 {
      %parallel_loop3A_218 = arith.constant 32 : i32
      %parallel_loop3A_219 = arith.divsi %parallel_loop3A_217, %parallel_loop3A_218 : i32
      %parallel_loop3A_220 = arith.constant 0 : i32
      %parallel_loop3A_221 = arith.cmpi sgt, %parallel_loop3A_217, %parallel_loop3A_220 : i32
      %parallel_loop3A_222 = arith.extui %parallel_loop3A_221 : i1 to i32
      %parallel_loop3A_223 = arith.constant 0 : i32
      %parallel_loop3A_224 = arith.cmpi slt, %parallel_loop3A_217, %parallel_loop3A_223 : i32
      %parallel_loop3A_225 = arith.extui %parallel_loop3A_224 : i1 to i32
      %parallel_loop3A_226 = arith.subi %parallel_loop3A_222, %parallel_loop3A_225 : i32
      %parallel_loop3A_227 = arith.constant 0 : i32
      %parallel_loop3A_228 = arith.cmpi sgt, %parallel_loop3A_218, %parallel_loop3A_227 : i32
      %parallel_loop3A_229 = arith.extui %parallel_loop3A_228 : i1 to i32
      %parallel_loop3A_230 = arith.constant 0 : i32
      %parallel_loop3A_231 = arith.cmpi slt, %parallel_loop3A_218, %parallel_loop3A_230 : i32
      %parallel_loop3A_232 = arith.extui %parallel_loop3A_231 : i1 to i32
      %parallel_loop3A_233 = arith.subi %parallel_loop3A_229, %parallel_loop3A_232 : i32
      %parallel_loop3A_234 = arith.cmpi ne, %parallel_loop3A_226, %parallel_loop3A_233 : i32
      %parallel_loop3A_235 = arith.remsi %parallel_loop3A_217, %parallel_loop3A_218 : i32
      %parallel_loop3A_236 = arith.constant 0 : i32
      %parallel_loop3A_237 = arith.cmpi ne, %parallel_loop3A_235, %parallel_loop3A_236 : i32
      %parallel_loop3A_238 = arith.andi %parallel_loop3A_234, %parallel_loop3A_237 : i1
      %parallel_loop3A_239 = arith.constant 1 : i32
      %parallel_loop3A_240 = arith.subi %parallel_loop3A_219, %parallel_loop3A_239 : i32
      %parallel_loop3A_241 = arith.select %parallel_loop3A_238, %parallel_loop3A_240, %parallel_loop3A_219 : i32
      %parallel_loop3A_242 = arith.constant 32 : i32
      %parallel_loop3A_243 = arith.constant 0 : i32
      %parallel_loop3A_244 = arith.cmpi eq, %parallel_loop3A_242, %parallel_loop3A_243 : i32
      %parallel_loop3A_245 = arith.constant 1 : i32
      %parallel_loop3A_246 = arith.select %parallel_loop3A_244, %parallel_loop3A_245, %parallel_loop3A_242 : i32
      %parallel_loop3A_247 = arith.remsi %parallel_loop3A_217, %parallel_loop3A_246 : i32
      %parallel_loop3A_248 = arith.constant 0 : i32
      %parallel_loop3A_249 = arith.cmpi ne, %parallel_loop3A_247, %parallel_loop3A_248 : i32
      %parallel_loop3A_250 = arith.constant 0 : i32
      %parallel_loop3A_251 = arith.cmpi slt, %parallel_loop3A_247, %parallel_loop3A_250 : i32
      %parallel_loop3A_252 = arith.constant 0 : i32
      %parallel_loop3A_253 = arith.cmpi slt, %parallel_loop3A_246, %parallel_loop3A_252 : i32
      %parallel_loop3A_254 = arith.xori %parallel_loop3A_251, %parallel_loop3A_253 : i1
      %parallel_loop3A_255 = arith.andi %parallel_loop3A_254, %parallel_loop3A_249 : i1
      %parallel_loop3A_256 = arith.addi %parallel_loop3A_247, %parallel_loop3A_246 : i32
      %parallel_loop3A_257 = arith.select %parallel_loop3A_255, %parallel_loop3A_256, %parallel_loop3A_247 : i32
      %parallel_loop3A_258 = arith.constant 16 : i32
      %parallel_loop3A_259 = arith.muli %parallel_loop3A_257, %parallel_loop3A_258 : i32
      %parallel_loop3A_260 = arith.index_cast %parallel_loop3A_241 : i32 to index
      %parallel_loop3A_261 = arith.index_cast %parallel_loop3A_259 : i32 to index
      %parallel_loop3A_262 = tpu.vector_load %arg4[%parallel_loop3A_260, %parallel_loop3A_261] {strides = array<i32>} : memref<16x512xi32, #tpu.memory_space<vmem>>, vector<16xi32>,
      %parallel_loop3A_263 = arith.constant 0 : i32
      %parallel_loop3A_264 = vector.broadcast %parallel_loop3A_263 : i32 to vector<16xi32>
      %parallel_loop3A_265 = arith.shrsi %parallel_loop3A_262, %parallel_loop3A_264 : vector<16xi32>
      %parallel_loop3A_266 = arith.constant 255 : i32
      %parallel_loop3A_267 = vector.broadcast %parallel_loop3A_266 : i32 to vector<16xi32>
      %parallel_loop3A_268 = arith.andi %parallel_loop3A_265, %parallel_loop3A_267 : vector<16xi32>
      %parallel_loop3A_269 = arith.constant 16 : i32
      %parallel_loop3A_270 = vector.broadcast %parallel_loop3A_269 : i32 to vector<16xi32>
      %parallel_loop3A_271 = arith.muli %parallel_loop3A_268, %parallel_loop3A_270 : vector<16xi32>
      %parallel_loop3A_272 = arith.addi %parallel_loop3A_271, %iota3A : vector<16xi32>
      tpu.vector_store_idx %arg6[%parallel_loop3A_272], %broadcast_in_dim3A_37 {add = true} : memref<4096xf32, #tpu.memory_space<vmem>>[vector<16xi32>], vector<16xf32>,
      %parallel_loop3A_273 = arith.constant 8 : i32
      %parallel_loop3A_274 = vector.broadcast %parallel_loop3A_273 : i32 to vector<16xi32>
      %parallel_loop3A_275 = arith.shrsi %parallel_loop3A_262, %parallel_loop3A_274 : vector<16xi32>
      %parallel_loop3A_276 = arith.constant 255 : i32
      %parallel_loop3A_277 = vector.broadcast %parallel_loop3A_276 : i32 to vector<16xi32>
      %parallel_loop3A_278 = arith.andi %parallel_loop3A_275, %parallel_loop3A_277 : vector<16xi32>
      %parallel_loop3A_279 = arith.constant 16 : i32
      %parallel_loop3A_280 = vector.broadcast %parallel_loop3A_279 : i32 to vector<16xi32>
      %parallel_loop3A_281 = arith.muli %parallel_loop3A_278, %parallel_loop3A_280 : vector<16xi32>
      %parallel_loop3A_282 = arith.addi %parallel_loop3A_281, %iota3A : vector<16xi32>
      tpu.vector_store_idx %arg7[%parallel_loop3A_282], %broadcast_in_dim3A_37 {add = true} : memref<4096xf32, #tpu.memory_space<vmem>>[vector<16xi32>], vector<16xf32>,
      %parallel_loop3A_283 = arith.constant 16 : i32
      %parallel_loop3A_284 = vector.broadcast %parallel_loop3A_283 : i32 to vector<16xi32>
      %parallel_loop3A_285 = arith.shrsi %parallel_loop3A_262, %parallel_loop3A_284 : vector<16xi32>
      %parallel_loop3A_286 = arith.constant 255 : i32
      %parallel_loop3A_287 = vector.broadcast %parallel_loop3A_286 : i32 to vector<16xi32>
      %parallel_loop3A_288 = arith.andi %parallel_loop3A_285, %parallel_loop3A_287 : vector<16xi32>
      %parallel_loop3A_289 = arith.constant 16 : i32
      %parallel_loop3A_290 = vector.broadcast %parallel_loop3A_289 : i32 to vector<16xi32>
      %parallel_loop3A_291 = arith.muli %parallel_loop3A_288, %parallel_loop3A_290 : vector<16xi32>
      %parallel_loop3A_292 = arith.addi %parallel_loop3A_291, %iota3A : vector<16xi32>
      tpu.vector_store_idx %arg8[%parallel_loop3A_292], %broadcast_in_dim3A_37 {add = true} : memref<4096xf32, #tpu.memory_space<vmem>>[vector<16xi32>], vector<16xf32>,
      %parallel_loop3A_293 = arith.constant 24 : i32
      %parallel_loop3A_294 = vector.broadcast %parallel_loop3A_293 : i32 to vector<16xi32>
      %parallel_loop3A_295 = arith.shrsi %parallel_loop3A_262, %parallel_loop3A_294 : vector<16xi32>
      %parallel_loop3A_296 = arith.constant 255 : i32
      %parallel_loop3A_297 = vector.broadcast %parallel_loop3A_296 : i32 to vector<16xi32>
      %parallel_loop3A_298 = arith.andi %parallel_loop3A_295, %parallel_loop3A_297 : vector<16xi32>
      %parallel_loop3A_299 = arith.constant 16 : i32
      %parallel_loop3A_300 = vector.broadcast %parallel_loop3A_299 : i32 to vector<16xi32>
      %parallel_loop3A_301 = arith.muli %parallel_loop3A_298, %parallel_loop3A_300 : vector<16xi32>
      %parallel_loop3A_302 = arith.addi %parallel_loop3A_301, %iota3A : vector<16xi32>
      tpu.vector_store_idx %arg9[%parallel_loop3A_302], %broadcast_in_dim3A_37 {add = true} : memref<4096xf32, #tpu.memory_space<vmem>>[vector<16xi32>], vector<16xf32>,
    } {sc.loop_unroll_factor = 4 : i64, sc.parallel_access}
    %dma_wait3A_194 = arith.constant 0 : i32
    %dma_wait3A_195 = tpu.memref_slice %arg2[%select_n3A, %mul3A_184, %dma_wait3A_194] : memref<32x128x512xi32, #tpu.memory_space<hbm>> -> memref<1x16x512xi32, #tpu.memory_space<hbm>>
    %dma_wait3A_196 = tpu.memref_squeeze %dma_wait3A_195 : memref<1x16x512xi32, #tpu.memory_space<hbm>> -> memref<16x512xi32, #tpu.memory_space<hbm>>
    %dma_wait3A_197 = arith.constant 0 : i32
    %dma_wait3A_198 = tpu.memref_slice %arg2[%select_n3A, %mul3A_184, %dma_wait3A_197] : memref<32x128x512xi32, #tpu.memory_space<hbm>> -> memref<1x16x512xi32, #tpu.memory_space<hbm>>
    %dma_wait3A_199 = tpu.memref_squeeze %dma_wait3A_198 : memref<1x16x512xi32, #tpu.memory_space<hbm>> -> memref<16x512xi32, #tpu.memory_space<hbm>>
    tpu.wait_dma2 semaphore(%arg12 : memref<!tpu.dma_semaphore, #tpu.memory_space<semaphore_mem>>) src(%dma_wait3A_199 : memref<16x512xi32, #tpu.memory_space<hbm>>) dst(%arg5 : memref<16x512xi32, #tpu.memory_space<vmem>>)
    %parallel_loop3A_200 = arith.constant 0 : i32
    %parallel_loop3A_201 = arith.constant 512 : i32
    %parallel_loop3A_202 = arith.constant 1 : i32
    scf.for %parallel_loop3A_217 = %parallel_loop3A_200 to %parallel_loop3A_201 step %parallel_loop3A_202  : i32 {
      %parallel_loop3A_218 = arith.constant 32 : i32
      %parallel_loop3A_219 = arith.divsi %parallel_loop3A_217, %parallel_loop3A_218 : i32
      %parallel_loop3A_220 = arith.constant 0 : i32
      %parallel_loop3A_221 = arith.cmpi sgt, %parallel_loop3A_217, %parallel_loop3A_220 : i32
      %parallel_loop3A_222 = arith.extui %parallel_loop3A_221 : i1 to i32
      %parallel_loop3A_223 = arith.constant 0 : i32
      %parallel_loop3A_224 = arith.cmpi slt, %parallel_loop3A_217, %parallel_loop3A_223 : i32
      %parallel_loop3A_225 = arith.extui %parallel_loop3A_224 : i1 to i32
      %parallel_loop3A_226 = arith.subi %parallel_loop3A_222, %parallel_loop3A_225 : i32
      %parallel_loop3A_227 = arith.constant 0 : i32
      %parallel_loop3A_228 = arith.cmpi sgt, %parallel_loop3A_218, %parallel_loop3A_227 : i32
      %parallel_loop3A_229 = arith.extui %parallel_loop3A_228 : i1 to i32
      %parallel_loop3A_230 = arith.constant 0 : i32
      %parallel_loop3A_231 = arith.cmpi slt, %parallel_loop3A_218, %parallel_loop3A_230 : i32
      %parallel_loop3A_232 = arith.extui %parallel_loop3A_231 : i1 to i32
      %parallel_loop3A_233 = arith.subi %parallel_loop3A_229, %parallel_loop3A_232 : i32
      %parallel_loop3A_234 = arith.cmpi ne, %parallel_loop3A_226, %parallel_loop3A_233 : i32
      %parallel_loop3A_235 = arith.remsi %parallel_loop3A_217, %parallel_loop3A_218 : i32
      %parallel_loop3A_236 = arith.constant 0 : i32
      %parallel_loop3A_237 = arith.cmpi ne, %parallel_loop3A_235, %parallel_loop3A_236 : i32
      %parallel_loop3A_238 = arith.andi %parallel_loop3A_234, %parallel_loop3A_237 : i1
      %parallel_loop3A_239 = arith.constant 1 : i32
      %parallel_loop3A_240 = arith.subi %parallel_loop3A_219, %parallel_loop3A_239 : i32
      %parallel_loop3A_241 = arith.select %parallel_loop3A_238, %parallel_loop3A_240, %parallel_loop3A_219 : i32
      %parallel_loop3A_242 = arith.constant 32 : i32
      %parallel_loop3A_243 = arith.constant 0 : i32
      %parallel_loop3A_244 = arith.cmpi eq, %parallel_loop3A_242, %parallel_loop3A_243 : i32
      %parallel_loop3A_245 = arith.constant 1 : i32
      %parallel_loop3A_246 = arith.select %parallel_loop3A_244, %parallel_loop3A_245, %parallel_loop3A_242 : i32
      %parallel_loop3A_247 = arith.remsi %parallel_loop3A_217, %parallel_loop3A_246 : i32
      %parallel_loop3A_248 = arith.constant 0 : i32
      %parallel_loop3A_249 = arith.cmpi ne, %parallel_loop3A_247, %parallel_loop3A_248 : i32
      %parallel_loop3A_250 = arith.constant 0 : i32
      %parallel_loop3A_251 = arith.cmpi slt, %parallel_loop3A_247, %parallel_loop3A_250 : i32
      %parallel_loop3A_252 = arith.constant 0 : i32
      %parallel_loop3A_253 = arith.cmpi slt, %parallel_loop3A_246, %parallel_loop3A_252 : i32
      %parallel_loop3A_254 = arith.xori %parallel_loop3A_251, %parallel_loop3A_253 : i1
      %parallel_loop3A_255 = arith.andi %parallel_loop3A_254, %parallel_loop3A_249 : i1
      %parallel_loop3A_256 = arith.addi %parallel_loop3A_247, %parallel_loop3A_246 : i32
      %parallel_loop3A_257 = arith.select %parallel_loop3A_255, %parallel_loop3A_256, %parallel_loop3A_247 : i32
      %parallel_loop3A_258 = arith.constant 16 : i32
      %parallel_loop3A_259 = arith.muli %parallel_loop3A_257, %parallel_loop3A_258 : i32
      %parallel_loop3A_260 = arith.index_cast %parallel_loop3A_241 : i32 to index
      %parallel_loop3A_261 = arith.index_cast %parallel_loop3A_259 : i32 to index
      %parallel_loop3A_262 = tpu.vector_load %arg5[%parallel_loop3A_260, %parallel_loop3A_261] {strides = array<i32>} : memref<16x512xi32, #tpu.memory_space<vmem>>, vector<16xi32>,
      %parallel_loop3A_263 = arith.constant 0 : i32
      %parallel_loop3A_264 = vector.broadcast %parallel_loop3A_263 : i32 to vector<16xi32>
      %parallel_loop3A_265 = arith.shrsi %parallel_loop3A_262, %parallel_loop3A_264 : vector<16xi32>
      %parallel_loop3A_266 = arith.constant 255 : i32
      %parallel_loop3A_267 = vector.broadcast %parallel_loop3A_266 : i32 to vector<16xi32>
      %parallel_loop3A_268 = arith.andi %parallel_loop3A_265, %parallel_loop3A_267 : vector<16xi32>
      %parallel_loop3A_269 = arith.constant 16 : i32
      %parallel_loop3A_270 = vector.broadcast %parallel_loop3A_269 : i32 to vector<16xi32>
      %parallel_loop3A_271 = arith.muli %parallel_loop3A_268, %parallel_loop3A_270 : vector<16xi32>
      %parallel_loop3A_272 = arith.addi %parallel_loop3A_271, %iota3A : vector<16xi32>
      tpu.vector_store_idx %arg6[%parallel_loop3A_272], %broadcast_in_dim3A_37 {add = true} : memref<4096xf32, #tpu.memory_space<vmem>>[vector<16xi32>], vector<16xf32>,
      %parallel_loop3A_273 = arith.constant 8 : i32
      %parallel_loop3A_274 = vector.broadcast %parallel_loop3A_273 : i32 to vector<16xi32>
      %parallel_loop3A_275 = arith.shrsi %parallel_loop3A_262, %parallel_loop3A_274 : vector<16xi32>
      %parallel_loop3A_276 = arith.constant 255 : i32
      %parallel_loop3A_277 = vector.broadcast %parallel_loop3A_276 : i32 to vector<16xi32>
      %parallel_loop3A_278 = arith.andi %parallel_loop3A_275, %parallel_loop3A_277 : vector<16xi32>
      %parallel_loop3A_279 = arith.constant 16 : i32
      %parallel_loop3A_280 = vector.broadcast %parallel_loop3A_279 : i32 to vector<16xi32>
      %parallel_loop3A_281 = arith.muli %parallel_loop3A_278, %parallel_loop3A_280 : vector<16xi32>
      %parallel_loop3A_282 = arith.addi %parallel_loop3A_281, %iota3A : vector<16xi32>
      tpu.vector_store_idx %arg7[%parallel_loop3A_282], %broadcast_in_dim3A_37 {add = true} : memref<4096xf32, #tpu.memory_space<vmem>>[vector<16xi32>], vector<16xf32>,
      %parallel_loop3A_283 = arith.constant 16 : i32
      %parallel_loop3A_284 = vector.broadcast %parallel_loop3A_283 : i32 to vector<16xi32>
      %parallel_loop3A_285 = arith.shrsi %parallel_loop3A_262, %parallel_loop3A_284 : vector<16xi32>
      %parallel_loop3A_286 = arith.constant 255 : i32
      %parallel_loop3A_287 = vector.broadcast %parallel_loop3A_286 : i32 to vector<16xi32>
      %parallel_loop3A_288 = arith.andi %parallel_loop3A_285, %parallel_loop3A_287 : vector<16xi32>
      %parallel_loop3A_289 = arith.constant 16 : i32
      %parallel_loop3A_290 = vector.broadcast %parallel_loop3A_289 : i32 to vector<16xi32>
      %parallel_loop3A_291 = arith.muli %parallel_loop3A_288, %parallel_loop3A_290 : vector<16xi32>
      %parallel_loop3A_292 = arith.addi %parallel_loop3A_291, %iota3A : vector<16xi32>
      tpu.vector_store_idx %arg8[%parallel_loop3A_292], %broadcast_in_dim3A_37 {add = true} : memref<4096xf32, #tpu.memory_space<vmem>>[vector<16xi32>], vector<16xf32>,
      %parallel_loop3A_293 = arith.constant 24 : i32
      %parallel_loop3A_294 = vector.broadcast %parallel_loop3A_293 : i32 to vector<16xi32>
      %parallel_loop3A_295 = arith.shrsi %parallel_loop3A_262, %parallel_loop3A_294 : vector<16xi32>
      %parallel_loop3A_296 = arith.constant 255 : i32
      %parallel_loop3A_297 = vector.broadcast %parallel_loop3A_296 : i32 to vector<16xi32>
      %parallel_loop3A_298 = arith.andi %parallel_loop3A_295, %parallel_loop3A_297 : vector<16xi32>
      %parallel_loop3A_299 = arith.constant 16 : i32
      %parallel_loop3A_300 = vector.broadcast %parallel_loop3A_299 : i32 to vector<16xi32>
      %parallel_loop3A_301 = arith.muli %parallel_loop3A_298, %parallel_loop3A_300 : vector<16xi32>
      %parallel_loop3A_302 = arith.addi %parallel_loop3A_301, %iota3A : vector<16xi32>
      tpu.vector_store_idx %arg9[%parallel_loop3A_302], %broadcast_in_dim3A_37 {add = true} : memref<4096xf32, #tpu.memory_space<vmem>>[vector<16xi32>], vector<16xf32>,
    } {sc.loop_unroll_factor = 4 : i64, sc.parallel_access}
    %scan3A_203 = arith.constant 0 : i32
    %scan3A_204 = arith.constant 0 : i32
    %scan3A_205 = arith.constant 256 : i32
    %scan3A_206 = arith.addi %scan3A_204, %scan3A_205 : i32
    %scan3A_207 = arith.constant 1 : i32
    %scan3A_208 = scf.for %scan3A_217 = %scan3A_204 to %scan3A_206 step %scan3A_207 iter_args(%scan3A_218 = %scan3A_203) -> (i32)  : i32 {
      %mul3A_219 = arith.constant 16 : i32
      %mul3A_220 = arith.muli %scan3A_217, %mul3A_219 : i32
      %get3A = arith.index_cast %mul3A_220 : i32 to index
      %get3A_221 = tpu.vector_load %arg6[%get3A] {strides = array<i32>} : memref<4096xf32, #tpu.memory_space<vmem>>, vector<16xf32>,
      %get3A_222 = arith.index_cast %mul3A_220 : i32 to index
      %get3A_223 = tpu.vector_load %arg7[%get3A_222] {strides = array<i32>} : memref<4096xf32, #tpu.memory_space<vmem>>, vector<16xf32>,
      %add3A_224 = arith.addf %get3A_221, %get3A_223 : vector<16xf32>
      %get3A_225 = arith.index_cast %mul3A_220 : i32 to index
      %get3A_226 = tpu.vector_load %arg8[%get3A_225] {strides = array<i32>} : memref<4096xf32, #tpu.memory_space<vmem>>, vector<16xf32>,
      %get3A_227 = arith.index_cast %mul3A_220 : i32 to index
      %get3A_228 = tpu.vector_load %arg9[%get3A_227] {strides = array<i32>} : memref<4096xf32, #tpu.memory_space<vmem>>, vector<16xf32>,
      %add3A_229 = arith.addf %get3A_226, %get3A_228 : vector<16xf32>
      %add3A_230 = arith.addf %add3A_224, %add3A_229 : vector<16xf32>
      %swap3A = arith.index_cast %mul3A_220 : i32 to index
      %swap3A_231 = tpu.vector_load %arg6[%swap3A] {strides = array<i32>} : memref<4096xf32, #tpu.memory_space<vmem>>, vector<16xf32>,
      tpu.vector_store %arg6[%swap3A], %add3A_230 {strides = array<i32>} : memref<4096xf32, #tpu.memory_space<vmem>>, vector<16xf32>,
      %scan3A_232 = arith.constant 0 : i32
      scf.yield %scan3A_232 : i32
    }
    %scan3A_209 = arith.constant 256 : i32
    %scan3A_210 = arith.constant 0 : i32
    %scan3A_211 = arith.constant 0 : i32
    %scan3A_212 = arith.constant 16 : i32
    %scan3A_213 = arith.addi %scan3A_211, %scan3A_212 : i32
    %scan3A_214 = arith.constant 1 : i32
    %scan3A_215 = scf.for %scan3A_217 = %scan3A_211 to %scan3A_213 step %scan3A_214 iter_args(%scan3A_218 = %scan3A_210) -> (i32)  : i32 {
      %mul3A_219 = arith.constant 16 : i32
      %mul3A_220 = arith.muli %scan3A_217, %mul3A_219 : i32
      %add3A_221 = vector.broadcast %mul3A_220 : i32 to vector<16xi32>
      %add3A_222 = arith.addi %add3A_221, %iota3A : vector<16xi32>
      %mul3A_223 = arith.constant 16 : i32
      %mul3A_224 = vector.broadcast %mul3A_223 : i32 to vector<16xi32>
      %mul3A_225 = arith.muli %add3A_222, %mul3A_224 : vector<16xi32>
      %broadcast_in_dim3A_226 = arith.constant 0.000000e+00 : f32
      %broadcast_in_dim3A_227 = vector.broadcast %broadcast_in_dim3A_226 : f32 to vector<16xf32>
      %add3A_228 = arith.constant 0 : i32
      %add3A_229 = vector.broadcast %add3A_228 : i32 to vector<16xi32>
      %add3A_230 = arith.addi %mul3A_225, %add3A_229 : vector<16xi32>
      %gather3A = tpu.vector_load_idx %arg6[%add3A_230] : memref<4096xf32, #tpu.memory_space<vmem>>[vector<16xi32>], vector<16xf32>,
      %add3A_231 = arith.addf %broadcast_in_dim3A_227, %gather3A : vector<16xf32>
      %add3A_232 = arith.constant 1 : i32
      %add3A_233 = vector.broadcast %add3A_232 : i32 to vector<16xi32>
      %add3A_234 = arith.addi %mul3A_225, %add3A_233 : vector<16xi32>
      %gather3A_235 = tpu.vector_load_idx %arg6[%add3A_234] : memref<4096xf32, #tpu.memory_space<vmem>>[vector<16xi32>], vector<16xf32>,
      %add3A_236 = arith.addf %add3A_231, %gather3A_235 : vector<16xf32>
      %add3A_237 = arith.constant 2 : i32
      %add3A_238 = vector.broadcast %add3A_237 : i32 to vector<16xi32>
      %add3A_239 = arith.addi %mul3A_225, %add3A_238 : vector<16xi32>
      %gather3A_240 = tpu.vector_load_idx %arg6[%add3A_239] : memref<4096xf32, #tpu.memory_space<vmem>>[vector<16xi32>], vector<16xf32>,
      %add3A_241 = arith.addf %add3A_236, %gather3A_240 : vector<16xf32>
      %add3A_242 = arith.constant 3 : i32
      %add3A_243 = vector.broadcast %add3A_242 : i32 to vector<16xi32>
      %add3A_244 = arith.addi %mul3A_225, %add3A_243 : vector<16xi32>
      %gather3A_245 = tpu.vector_load_idx %arg6[%add3A_244] : memref<4096xf32, #tpu.memory_space<vmem>>[vector<16xi32>], vector<16xf32>,
      %add3A_246 = arith.addf %add3A_241, %gather3A_245 : vector<16xf32>
      %add3A_247 = arith.constant 4 : i32
      %add3A_248 = vector.broadcast %add3A_247 : i32 to vector<16xi32>
      %add3A_249 = arith.addi %mul3A_225, %add3A_248 : vector<16xi32>
      %gather3A_250 = tpu.vector_load_idx %arg6[%add3A_249] : memref<4096xf32, #tpu.memory_space<vmem>>[vector<16xi32>], vector<16xf32>,
      %add3A_251 = arith.addf %add3A_246, %gather3A_250 : vector<16xf32>
      %add3A_252 = arith.constant 5 : i32
      %add3A_253 = vector.broadcast %add3A_252 : i32 to vector<16xi32>
      %add3A_254 = arith.addi %mul3A_225, %add3A_253 : vector<16xi32>
      %gather3A_255 = tpu.vector_load_idx %arg6[%add3A_254] : memref<4096xf32, #tpu.memory_space<vmem>>[vector<16xi32>], vector<16xf32>,
      %add3A_256 = arith.addf %add3A_251, %gather3A_255 : vector<16xf32>
      %add3A_257 = arith.constant 6 : i32
      %add3A_258 = vector.broadcast %add3A_257 : i32 to vector<16xi32>
      %add3A_259 = arith.addi %mul3A_225, %add3A_258 : vector<16xi32>
      %gather3A_260 = tpu.vector_load_idx %arg6[%add3A_259] : memref<4096xf32, #tpu.memory_space<vmem>>[vector<16xi32>], vector<16xf32>,
      %add3A_261 = arith.addf %add3A_256, %gather3A_260 : vector<16xf32>
      %add3A_262 = arith.constant 7 : i32
      %add3A_263 = vector.broadcast %add3A_262 : i32 to vector<16xi32>
      %add3A_264 = arith.addi %mul3A_225, %add3A_263 : vector<16xi32>
      %gather3A_265 = tpu.vector_load_idx %arg6[%add3A_264] : memref<4096xf32, #tpu.memory_space<vmem>>[vector<16xi32>], vector<16xf32>,
      %add3A_266 = arith.addf %add3A_261, %gather3A_265 : vector<16xf32>
      %add3A_267 = arith.constant 8 : i32
      %add3A_268 = vector.broadcast %add3A_267 : i32 to vector<16xi32>
      %add3A_269 = arith.addi %mul3A_225, %add3A_268 : vector<16xi32>
      %gather3A_270 = tpu.vector_load_idx %arg6[%add3A_269] : memref<4096xf32, #tpu.memory_space<vmem>>[vector<16xi32>], vector<16xf32>,
      %add3A_271 = arith.addf %add3A_266, %gather3A_270 : vector<16xf32>
      %add3A_272 = arith.constant 9 : i32
      %add3A_273 = vector.broadcast %add3A_272 : i32 to vector<16xi32>
      %add3A_274 = arith.addi %mul3A_225, %add3A_273 : vector<16xi32>
      %gather3A_275 = tpu.vector_load_idx %arg6[%add3A_274] : memref<4096xf32, #tpu.memory_space<vmem>>[vector<16xi32>], vector<16xf32>,
      %add3A_276 = arith.addf %add3A_271, %gather3A_275 : vector<16xf32>
      %add3A_277 = arith.constant 10 : i32
      %add3A_278 = vector.broadcast %add3A_277 : i32 to vector<16xi32>
      %add3A_279 = arith.addi %mul3A_225, %add3A_278 : vector<16xi32>
      %gather3A_280 = tpu.vector_load_idx %arg6[%add3A_279] : memref<4096xf32, #tpu.memory_space<vmem>>[vector<16xi32>], vector<16xf32>,
      %add3A_281 = arith.addf %add3A_276, %gather3A_280 : vector<16xf32>
      %add3A_282 = arith.constant 11 : i32
      %add3A_283 = vector.broadcast %add3A_282 : i32 to vector<16xi32>
      %add3A_284 = arith.addi %mul3A_225, %add3A_283 : vector<16xi32>
      %gather3A_285 = tpu.vector_load_idx %arg6[%add3A_284] : memref<4096xf32, #tpu.memory_space<vmem>>[vector<16xi32>], vector<16xf32>,
      %add3A_286 = arith.addf %add3A_281, %gather3A_285 : vector<16xf32>
      %add3A_287 = arith.constant 12 : i32
      %add3A_288 = vector.broadcast %add3A_287 : i32 to vector<16xi32>
      %add3A_289 = arith.addi %mul3A_225, %add3A_288 : vector<16xi32>
      %gather3A_290 = tpu.vector_load_idx %arg6[%add3A_289] : memref<4096xf32, #tpu.memory_space<vmem>>[vector<16xi32>], vector<16xf32>,
      %add3A_291 = arith.addf %add3A_286, %gather3A_290 : vector<16xf32>
      %add3A_292 = arith.constant 13 : i32
      %add3A_293 = vector.broadcast %add3A_292 : i32 to vector<16xi32>
      %add3A_294 = arith.addi %mul3A_225, %add3A_293 : vector<16xi32>
      %gather3A_295 = tpu.vector_load_idx %arg6[%add3A_294] : memref<4096xf32, #tpu.memory_space<vmem>>[vector<16xi32>], vector<16xf32>,
      %add3A_296 = arith.addf %add3A_291, %gather3A_295 : vector<16xf32>
      %add3A_297 = arith.constant 14 : i32
      %add3A_298 = vector.broadcast %add3A_297 : i32 to vector<16xi32>
      %add3A_299 = arith.addi %mul3A_225, %add3A_298 : vector<16xi32>
      %gather3A_300 = tpu.vector_load_idx %arg6[%add3A_299] : memref<4096xf32, #tpu.memory_space<vmem>>[vector<16xi32>], vector<16xf32>,
      %add3A_301 = arith.addf %add3A_296, %gather3A_300 : vector<16xf32>
      %add3A_302 = arith.constant 15 : i32
      %add3A_303 = vector.broadcast %add3A_302 : i32 to vector<16xi32>
      %add3A_304 = arith.addi %mul3A_225, %add3A_303 : vector<16xi32>
      %gather3A_305 = tpu.vector_load_idx %arg6[%add3A_304] : memref<4096xf32, #tpu.memory_space<vmem>>[vector<16xi32>], vector<16xf32>,
      %add3A_306 = arith.addf %add3A_301, %gather3A_305 : vector<16xf32>
      %mul3A_307 = arith.constant 16 : i32
      %mul3A_308 = arith.muli %scan3A_217, %mul3A_307 : i32
      %swap3A = arith.index_cast %mul3A_308 : i32 to index
      %swap3A_309 = tpu.vector_load %arg10[%swap3A] {strides = array<i32>} : memref<256xf32, #tpu.memory_space<vmem>>, vector<16xf32>,
      tpu.vector_store %arg10[%swap3A], %add3A_306 {strides = array<i32>} : memref<256xf32, #tpu.memory_space<vmem>>, vector<16xf32>,
      %scan3A_310 = arith.constant 0 : i32
      scf.yield %scan3A_310 : i32
    }
    %scan3A_216 = arith.constant 16 : i32
    "tpu.region"() ({
      %run_scoped3A = tpu.sem_alloc : memref<!tpu.dma_semaphore, #tpu.memory_space<semaphore_mem>>
      %dma_start3A_217 = arith.constant 0 : i32
      %dma_start3A_218 = tpu.memref_slice %arg3[%select_n3A, %select_n3A_30, %dma_start3A_217] : memref<32x1x256xf32, #tpu.memory_space<hbm>> -> memref<1x1x256xf32, #tpu.memory_space<hbm>>
      %dma_start3A_219 = tpu.memref_squeeze %dma_start3A_218 : memref<1x1x256xf32, #tpu.memory_space<hbm>> -> memref<256xf32, #tpu.memory_space<hbm>>
      %dma_start3A_220 = arith.constant 0 : i32
      %dma_start3A_221 = tpu.memref_slice %arg3[%select_n3A, %select_n3A_30, %dma_start3A_220] : memref<32x1x256xf32, #tpu.memory_space<hbm>> -> memref<1x1x256xf32, #tpu.memory_space<hbm>>
      %dma_start3A_222 = tpu.memref_squeeze %dma_start3A_221 : memref<1x1x256xf32, #tpu.memory_space<hbm>> -> memref<256xf32, #tpu.memory_space<hbm>>
      tpu.enqueue_dma source(%arg10 : memref<256xf32, #tpu.memory_space<vmem>>) target(%dma_start3A_222 : memref<256xf32, #tpu.memory_space<hbm>>) target_semaphore(%run_scoped3A : memref<!tpu.dma_semaphore, #tpu.memory_space<semaphore_mem>>)
      %dma_wait3A_223 = arith.constant 0 : i32
      %dma_wait3A_224 = tpu.memref_slice %arg3[%select_n3A, %select_n3A_30, %dma_wait3A_223] : memref<32x1x256xf32, #tpu.memory_space<hbm>> -> memref<1x1x256xf32, #tpu.memory_space<hbm>>
      %dma_wait3A_225 = tpu.memref_squeeze %dma_wait3A_224 : memref<1x1x256xf32, #tpu.memory_space<hbm>> -> memref<256xf32, #tpu.memory_space<hbm>>
      %dma_wait3A_226 = arith.constant 0 : i32
      %dma_wait3A_227 = tpu.memref_slice %arg3[%select_n3A, %select_n3A_30, %dma_wait3A_226] : memref<32x1x256xf32, #tpu.memory_space<hbm>> -> memref<1x1x256xf32, #tpu.memory_space<hbm>>
      %dma_wait3A_228 = tpu.memref_squeeze %dma_wait3A_227 : memref<1x1x256xf32, #tpu.memory_space<hbm>> -> memref<256xf32, #tpu.memory_space<hbm>>
      tpu.wait_dma2 semaphore(%run_scoped3A : memref<!tpu.dma_semaphore, #tpu.memory_space<semaphore_mem>>) src(%arg10 : memref<256xf32, #tpu.memory_space<vmem>>) dst(%dma_wait3A_228 : memref<256xf32, #tpu.memory_space<hbm>>)
      tpu.yield
    }) : () -> ()
    return
  }
}

module attributes {stable_mosaic.version = 14 : i64} {
  func.func @_reduce_body(%arg0: i32, %arg1: memref<1x1x256xf32, #tpu.memory_space<vmem>>, %arg2: memref<1x1x256xf32, #tpu.memory_space<vmem>>) attributes {dimension_semantics = [#tpu.dimension_semantics<arbitrary>], iteration_bounds = array<i64: 32>, scalar_prefetch = 0 : i64, scratch_operands = 0 : i64, tpu.core_type = #tpu.core_type<tc>, window_params = [{transform_indices = @transform_0, window_bounds = array<i64: 1, 1, 256>}, {transform_indices = @transform_1, window_bounds = array<i64: 1, 1, 256>}]} {
    %get3A = arith.constant 0 : index
    %get3A_0 = arith.constant 0 : index
    %get3A_1 = arith.constant 0 : index
    %get3A_2 = vector.load %arg1[%get3A, %get3A_0, %get3A_1] : memref<1x1x256xf32, #tpu.memory_space<vmem>>, vector<1x1x256xf32>
    %get3A_3 = vector.shape_cast %get3A_2 : vector<1x1x256xf32> to vector<1x256xf32>
    %reduce_sum3A = arith.constant dense<0.000000e+00> : vector<256xf32>
    %reduce_sum3A_4 = vector.multi_reduction <add>, %get3A_3, %reduce_sum3A [0] : vector<1x256xf32> to vector<256xf32>
    %broadcast_in_dim3A = vector.shape_cast %reduce_sum3A_4 : vector<256xf32> to vector<1x256xf32>
    %mul3A = arith.mulf %broadcast_in_dim3A, %broadcast_in_dim3A : vector<1x256xf32>
    %reduce_sum3A_5 = vector.shape_cast %mul3A : vector<1x256xf32> to vector<1x1x256xf32>
    %reduce_sum3A_6 = arith.constant dense<0.000000e+00> : vector<1xf32>
    %reduce_sum3A_7 = vector.multi_reduction <add>, %reduce_sum3A_5, %reduce_sum3A_6 [1, 2] : vector<1x1x256xf32> to vector<1xf32>
    %reduce_sum3A_8 = vector.shape_cast %reduce_sum3A_7 : vector<1xf32> to vector<1x1x1xf32>
    %reduce_sum3A_9 = vector.extract %reduce_sum3A_8[0, 0, 0] : f32 from vector<1x1x1xf32>
    %sqrt3A = math.sqrt %reduce_sum3A_9 : f32
    %add3A = arith.constant 9.99999997E-7 : f32
    %add3A_10 = arith.addf %sqrt3A, %add3A : f32
    %div3A = vector.broadcast %add3A_10 : f32 to vector<1x256xf32>
    %div3A_11 = arith.divf %broadcast_in_dim3A, %div3A : vector<1x256xf32>
    %swap3A = arith.constant 0 : index
    %swap3A_12 = arith.constant 0 : index
    %swap3A_13 = arith.constant 0 : index
    %swap3A_14 = vector.load %arg2[%swap3A, %swap3A_12, %swap3A_13] : memref<1x1x256xf32, #tpu.memory_space<vmem>>, vector<1x1x256xf32>
    %swap3A_15 = vector.shape_cast %swap3A_14 : vector<1x1x256xf32> to vector<1x256xf32>
    %swap3A_16 = vector.shape_cast %div3A_11 : vector<1x256xf32> to vector<1x1x256xf32>
    tpu.vector_store %arg2[%swap3A, %swap3A_12, %swap3A_13], %swap3A_16 {strides = array<i32>} : memref<1x1x256xf32, #tpu.memory_space<vmem>>, vector<1x1x256xf32>,
    return
  }
  func.func @transform_0(%arg0: i32) -> (i32, i32, i32) {
    %c0_i32 = arith.constant 0 : i32
    %c0_i32_0 = arith.constant 0 : i32
    %c0_i32_1 = arith.constant 0 : i32
    return %arg0, %c0_i32, %c0_i32_0 : i32, i32, i32
  }
  func.func @transform_1(%arg0: i32) -> (i32, i32, i32) {
    %c0_i32 = arith.constant 0 : i32
    %c0_i32_0 = arith.constant 0 : i32
    %c0_i32_1 = arith.constant 0 : i32
    return %arg0, %c0_i32, %c0_i32_0 : i32, i32, i32
  }
}

module attributes {stable_mosaic.version = 14 : i64} {
  func.func @_code_body(%arg0: i32, %arg1: memref<1x3x512x512xf32, #tpu.memory_space<vmem>>, %arg2: memref<1x128x512xi32, #tpu.memory_space<vmem>>) attributes {dimension_semantics = [#tpu.dimension_semantics<arbitrary>], iteration_bounds = array<i64: 32>, scalar_prefetch = 0 : i64, scratch_operands = 0 : i64, tpu.core_type = #tpu.core_type<tc>, window_params = [{transform_indices = @transform_0, window_bounds = array<i64: 1, 3, 512, 512>}, {transform_indices = @transform_1, window_bounds = array<i64: 1, 128, 512>}]} {
    %get3A = arith.constant 0 : index
    %get3A_0 = arith.constant 0 : index
    %get3A_1 = arith.constant 0 : index
    %get3A_2 = arith.constant 0 : index
    %get3A_3 = vector.load %arg1[%get3A, %get3A_0, %get3A_1, %get3A_2] : memref<1x3x512x512xf32, #tpu.memory_space<vmem>>, vector<1x1x512x512xf32>
    %get3A_4 = vector.shape_cast %get3A_3 : vector<1x1x512x512xf32> to vector<512x512xf32>
    %get3A_5 = arith.constant 0 : index
    %get3A_6 = arith.constant 1 : index
    %get3A_7 = arith.constant 0 : index
    %get3A_8 = arith.constant 0 : index
    %get3A_9 = vector.load %arg1[%get3A_5, %get3A_6, %get3A_7, %get3A_8] : memref<1x3x512x512xf32, #tpu.memory_space<vmem>>, vector<1x1x512x512xf32>
    %get3A_10 = vector.shape_cast %get3A_9 : vector<1x1x512x512xf32> to vector<512x512xf32>
    %get3A_11 = arith.constant 0 : index
    %get3A_12 = arith.constant 2 : index
    %get3A_13 = arith.constant 0 : index
    %get3A_14 = arith.constant 0 : index
    %get3A_15 = vector.load %arg1[%get3A_11, %get3A_12, %get3A_13, %get3A_14] : memref<1x3x512x512xf32, #tpu.memory_space<vmem>>, vector<1x1x512x512xf32>
    %get3A_16 = vector.shape_cast %get3A_15 : vector<1x1x512x512xf32> to vector<512x512xf32>
    %mul3A = arith.constant 2.989000e-01 : f32
    %mul3A_17 = vector.broadcast %mul3A : f32 to vector<512x512xf32>
    %mul3A_18 = arith.mulf %mul3A_17, %get3A_4 : vector<512x512xf32>
    %mul3A_19 = arith.constant 5.870000e-01 : f32
    %mul3A_20 = vector.broadcast %mul3A_19 : f32 to vector<512x512xf32>
    %mul3A_21 = arith.mulf %mul3A_20, %get3A_10 : vector<512x512xf32>
    %add3A = arith.addf %mul3A_18, %mul3A_21 : vector<512x512xf32>
    %mul3A_22 = arith.constant 1.140000e-01 : f32
    %mul3A_23 = vector.broadcast %mul3A_22 : f32 to vector<512x512xf32>
    %mul3A_24 = arith.mulf %mul3A_23, %get3A_16 : vector<512x512xf32>
    %add3A_25 = arith.addf %add3A, %mul3A_24 : vector<512x512xf32>
    %slice3A = vector.extract_strided_slice %add3A_25 {offsets = [0, 0], sizes = [1, 512], strides = [1, 1]} : vector<512x512xf32> to vector<1x512xf32>
    %slice3A_26 = vector.extract_strided_slice %add3A_25 {offsets = [511, 0], sizes = [1, 512], strides = [1, 1]} : vector<512x512xf32> to vector<1x512xf32>
    %concatenate3A = tpu.concatenate %slice3A, %add3A_25, %slice3A_26 in 0 : vector<1x512xf32>, vector<512x512xf32>, vector<1x512xf32> -> vector<514x512xf32>
    %slice3A_27 = vector.extract_strided_slice %concatenate3A {offsets = [0, 0], sizes = [514, 1], strides = [1, 1]} : vector<514x512xf32> to vector<514x1xf32>
    %slice3A_28 = vector.extract_strided_slice %concatenate3A {offsets = [0, 511], sizes = [514, 1], strides = [1, 1]} : vector<514x512xf32> to vector<514x1xf32>
    %concatenate3A_29 = tpu.concatenate %slice3A_27, %concatenate3A, %slice3A_28 in 1 : vector<514x1xf32>, vector<514x512xf32>, vector<514x1xf32> -> vector<514x514xf32>
    %broadcast_in_dim3A = arith.constant 0 : i32
    %broadcast_in_dim3A_30 = vector.broadcast %broadcast_in_dim3A : i32 to vector<512x512xi32>
    %slice3A_31 = vector.extract_strided_slice %concatenate3A_29 {offsets = [0, 0], sizes = [512, 512], strides = [1, 1]} : vector<514x514xf32> to vector<512x512xf32>
    %ge3A = arith.cmpf oge, %slice3A_31, %add3A_25 : vector<512x512xf32>
    %convert_element_type3A = arith.extui %ge3A : vector<512x512xi1> to vector<512x512xi32>
    %mul3A_32 = arith.constant 1 : i32
    %mul3A_33 = vector.broadcast %mul3A_32 : i32 to vector<512x512xi32>
    %mul3A_34 = arith.muli %mul3A_33, %convert_element_type3A : vector<512x512xi32>
    %add3A_35 = arith.addi %broadcast_in_dim3A_30, %mul3A_34 : vector<512x512xi32>
    %slice3A_36 = vector.extract_strided_slice %concatenate3A_29 {offsets = [0, 1], sizes = [512, 512], strides = [1, 1]} : vector<514x514xf32> to vector<512x512xf32>
    %ge3A_37 = arith.cmpf oge, %slice3A_36, %add3A_25 : vector<512x512xf32>
    %convert_element_type3A_38 = arith.extui %ge3A_37 : vector<512x512xi1> to vector<512x512xi32>
    %mul3A_39 = arith.constant 2 : i32
    %mul3A_40 = vector.broadcast %mul3A_39 : i32 to vector<512x512xi32>
    %mul3A_41 = arith.muli %mul3A_40, %convert_element_type3A_38 : vector<512x512xi32>
    %add3A_42 = arith.addi %add3A_35, %mul3A_41 : vector<512x512xi32>
    %slice3A_43 = vector.extract_strided_slice %concatenate3A_29 {offsets = [0, 2], sizes = [512, 512], strides = [1, 1]} : vector<514x514xf32> to vector<512x512xf32>
    %ge3A_44 = arith.cmpf oge, %slice3A_43, %add3A_25 : vector<512x512xf32>
    %convert_element_type3A_45 = arith.extui %ge3A_44 : vector<512x512xi1> to vector<512x512xi32>
    %mul3A_46 = arith.constant 4 : i32
    %mul3A_47 = vector.broadcast %mul3A_46 : i32 to vector<512x512xi32>
    %mul3A_48 = arith.muli %mul3A_47, %convert_element_type3A_45 : vector<512x512xi32>
    %add3A_49 = arith.addi %add3A_42, %mul3A_48 : vector<512x512xi32>
    %slice3A_50 = vector.extract_strided_slice %concatenate3A_29 {offsets = [1, 2], sizes = [512, 512], strides = [1, 1]} : vector<514x514xf32> to vector<512x512xf32>
    %ge3A_51 = arith.cmpf oge, %slice3A_50, %add3A_25 : vector<512x512xf32>
    %convert_element_type3A_52 = arith.extui %ge3A_51 : vector<512x512xi1> to vector<512x512xi32>
    %mul3A_53 = arith.constant 8 : i32
    %mul3A_54 = vector.broadcast %mul3A_53 : i32 to vector<512x512xi32>
    %mul3A_55 = arith.muli %mul3A_54, %convert_element_type3A_52 : vector<512x512xi32>
    %add3A_56 = arith.addi %add3A_49, %mul3A_55 : vector<512x512xi32>
    %slice3A_57 = vector.extract_strided_slice %concatenate3A_29 {offsets = [2, 2], sizes = [512, 512], strides = [1, 1]} : vector<514x514xf32> to vector<512x512xf32>
    %ge3A_58 = arith.cmpf oge, %slice3A_57, %add3A_25 : vector<512x512xf32>
    %convert_element_type3A_59 = arith.extui %ge3A_58 : vector<512x512xi1> to vector<512x512xi32>
    %mul3A_60 = arith.constant 16 : i32
    %mul3A_61 = vector.broadcast %mul3A_60 : i32 to vector<512x512xi32>
    %mul3A_62 = arith.muli %mul3A_61, %convert_element_type3A_59 : vector<512x512xi32>
    %add3A_63 = arith.addi %add3A_56, %mul3A_62 : vector<512x512xi32>
    %slice3A_64 = vector.extract_strided_slice %concatenate3A_29 {offsets = [2, 1], sizes = [512, 512], strides = [1, 1]} : vector<514x514xf32> to vector<512x512xf32>
    %ge3A_65 = arith.cmpf oge, %slice3A_64, %add3A_25 : vector<512x512xf32>
    %convert_element_type3A_66 = arith.extui %ge3A_65 : vector<512x512xi1> to vector<512x512xi32>
    %mul3A_67 = arith.constant 32 : i32
    %mul3A_68 = vector.broadcast %mul3A_67 : i32 to vector<512x512xi32>
    %mul3A_69 = arith.muli %mul3A_68, %convert_element_type3A_66 : vector<512x512xi32>
    %add3A_70 = arith.addi %add3A_63, %mul3A_69 : vector<512x512xi32>
    %slice3A_71 = vector.extract_strided_slice %concatenate3A_29 {offsets = [2, 0], sizes = [512, 512], strides = [1, 1]} : vector<514x514xf32> to vector<512x512xf32>
    %ge3A_72 = arith.cmpf oge, %slice3A_71, %add3A_25 : vector<512x512xf32>
    %convert_element_type3A_73 = arith.extui %ge3A_72 : vector<512x512xi1> to vector<512x512xi32>
    %mul3A_74 = arith.constant 64 : i32
    %mul3A_75 = vector.broadcast %mul3A_74 : i32 to vector<512x512xi32>
    %mul3A_76 = arith.muli %mul3A_75, %convert_element_type3A_73 : vector<512x512xi32>
    %add3A_77 = arith.addi %add3A_70, %mul3A_76 : vector<512x512xi32>
    %slice3A_78 = vector.extract_strided_slice %concatenate3A_29 {offsets = [1, 0], sizes = [512, 512], strides = [1, 1]} : vector<514x514xf32> to vector<512x512xf32>
    %ge3A_79 = arith.cmpf oge, %slice3A_78, %add3A_25 : vector<512x512xf32>
    %convert_element_type3A_80 = arith.extui %ge3A_79 : vector<512x512xi1> to vector<512x512xi32>
    %mul3A_81 = arith.constant 128 : i32
    %mul3A_82 = vector.broadcast %mul3A_81 : i32 to vector<512x512xi32>
    %mul3A_83 = arith.muli %mul3A_82, %convert_element_type3A_80 : vector<512x512xi32>
    %add3A_84 = arith.addi %add3A_77, %mul3A_83 : vector<512x512xi32>
    %slice3A_85 = vector.extract_strided_slice %add3A_84 {offsets = [0, 0], sizes = [128, 512], strides = [1, 1]} : vector<512x512xi32> to vector<128x512xi32>
    %slice3A_86 = vector.extract_strided_slice %add3A_84 {offsets = [128, 0], sizes = [128, 512], strides = [1, 1]} : vector<512x512xi32> to vector<128x512xi32>
    %shift_left3A = arith.constant 8 : i32
    %shift_left3A_87 = vector.broadcast %shift_left3A : i32 to vector<128x512xi32>
    %shift_left3A_88 = arith.shli %slice3A_86, %shift_left3A_87 : vector<128x512xi32>
    %or3A = arith.ori %slice3A_85, %shift_left3A_88 : vector<128x512xi32>
    %slice3A_89 = vector.extract_strided_slice %add3A_84 {offsets = [256, 0], sizes = [128, 512], strides = [1, 1]} : vector<512x512xi32> to vector<128x512xi32>
    %shift_left3A_90 = arith.constant 16 : i32
    %shift_left3A_91 = vector.broadcast %shift_left3A_90 : i32 to vector<128x512xi32>
    %shift_left3A_92 = arith.shli %slice3A_89, %shift_left3A_91 : vector<128x512xi32>
    %or3A_93 = arith.ori %or3A, %shift_left3A_92 : vector<128x512xi32>
    %slice3A_94 = vector.extract_strided_slice %add3A_84 {offsets = [384, 0], sizes = [128, 512], strides = [1, 1]} : vector<512x512xi32> to vector<128x512xi32>
    %shift_left3A_95 = arith.constant 24 : i32
    %shift_left3A_96 = vector.broadcast %shift_left3A_95 : i32 to vector<128x512xi32>
    %shift_left3A_97 = arith.shli %slice3A_94, %shift_left3A_96 : vector<128x512xi32>
    %or3A_98 = arith.ori %or3A_93, %shift_left3A_97 : vector<128x512xi32>
    %swap3A = arith.constant 0 : index
    %swap3A_99 = arith.constant 0 : index
    %swap3A_100 = arith.constant 0 : index
    %swap3A_101 = vector.load %arg2[%swap3A, %swap3A_99, %swap3A_100] : memref<1x128x512xi32, #tpu.memory_space<vmem>>, vector<1x128x512xi32>
    %swap3A_102 = vector.shape_cast %swap3A_101 : vector<1x128x512xi32> to vector<128x512xi32>
    %swap3A_103 = vector.shape_cast %or3A_98 : vector<128x512xi32> to vector<1x128x512xi32>
    tpu.vector_store %arg2[%swap3A, %swap3A_99, %swap3A_100], %swap3A_103 {strides = array<i32>} : memref<1x128x512xi32, #tpu.memory_space<vmem>>, vector<1x128x512xi32>,
    return
  }
  func.func @transform_0(%arg0: i32) -> (i32, i32, i32, i32) {
    %c0_i32 = arith.constant 0 : i32
    %c0_i32_0 = arith.constant 0 : i32
    %c0_i32_1 = arith.constant 0 : i32
    %c0_i32_2 = arith.constant 0 : i32
    return %arg0, %c0_i32, %c0_i32_0, %c0_i32_1 : i32, i32, i32, i32
  }
  func.func @transform_1(%arg0: i32) -> (i32, i32, i32) {
    %c0_i32 = arith.constant 0 : i32
    %c0_i32_0 = arith.constant 0 : i32
    %c0_i32_1 = arith.constant 0 : i32
    return %arg0, %c0_i32, %c0_i32_0 : i32, i32, i32
  }
}

</mosaic_0001>

<sc_bundles>
// kernel: kernel.5.cloned.1.call-start
scs
__scs_entry_jumppad:
0x0: {  	(pc) =	sbr.rel $0x88, $3  }
0x1: {  	(tag) =	ssettag $0x0;
	lr =	simm.s32 $0x1  }
0x2: {  	[smem:$0x3FA0] =	sst lr;
	_ =	strace $0xD0000000  }
0x3: {  	_ = 	snop  }
0x4: {  	_ = 	snop  }
0x5: {  	_ = 	snop  }
0x6: {  	_ = 	snop  }
0x7: {  	_ = 	snop  }
__scs_overlays_trampoline_lowered:
0x8: {  	[smem:$0x3FAF] =	sst s0  }
0x9: {  	[smem:$0x3FB0] =	sst s1  }
0xa: {  	[smem:$0x3FB1] =	sst s2  }
0xb: {  	[smem:$0x3FB2] =	sst s3  }
0xc: {  	[smem:$0x3FB3] =	sst s4  }
0xd: {  	[smem:$0x3FB4] =	sst s5  }
0xe: {  	[smem:$0x3FB5] =	sst s6  }
0xf: {  	[smem:$0x3FB6] =	sst s7  }
0x10: {  	[smem:$0x3FB7] =	sst s8  }
0x11: {  	[smem:$0x3FB8] =	sst s9;
	s0 =	simm.s32 @!p0 $0x0  }
0x12: {  	s1 =	sld [smem:$0x3F9E];
	s0 =	simm.s32 @p0 $0x1  }
0x13: {  	[smem:$0x3FB9] =	sst s0;
	s0 =	simm.s32 @!p1 $0x0  }
0x14: {  	s2 =	sld [smem:$0x3F9D];
	s0 =	simm.s32 @p1 $0x1  }
0x15: {  	[smem:$0x3FBA] =	sst s0;
	s0 =	simm.s32 @!p2 $0x0  }
0x16: {  	s3 =	sld [smem:$0x3FDB];
	s0 =	simm.s32 @p2 $0x1  }
0x17: {  	s4 =	simm.s32 $0x1BF5;
	[smem:$0x3FBC] =	sst s0  }
0x18: {  	s0 =	sld [smem:$0x3F9F];
	_ =	swait.ge [sflag:s4], $0x0  }
0x19: {  	s7 =	sld [smem:$0x3FA0]  }
0x1a: {  	s8 =	sadd.s32 $0xFFFFE003, lr  }
0x1b: {  	s9 =	sadd.s32 $0xFFFFFEF7, lr;
	s5 =	simm.s32 $0xFFFFFFFF;
	p2 =	slt.u32 s8, $0xFFFFF086  }
0x1c: {  	p1 =	slt.u32 s9, $0xF7A;
	s5 =	simm.s32 @!p2 $0x0  }
0x1d: {  	s5 =	simm.s32 @p1 $0x1;
	p0 =	seq.s32 s7, s2  }
0x1e: {  	s7 =	smul.u32 @!p0 $0xF7A, s2;
	p2 =	seq.s32 @!p0 s5, $0x0  }
0x1f: {  	s9 =	smul.u32 $0xF7A, s1;
	s8 =	simm.s32 @!p0 $0x1BF5;
	p2 =	por !p2, p0  }
0x20: {  	[sflag:s8] =	ssyncset.s32 @!p0 $0xFFFFF086;
	s6 =	sadd.s32 @!p0 s3, s7;
	s7 =	simm.s32 @!p0 $0x108  }
0x21: {  	s3 =	sadd.s32 s3, s9;
	s6 =	sadd.s32 @!p0 $0x88, s6;
	s7 =	simm.s32 @p2 $0x1082  }
0x22: {  	[simem:s7], [sflag:s8] =	dma.local @!p0 [hbm:s6], $0xF7A  }
0x23: {  	s9 =	sor.u32 $0xD0000000, s2;
	s6 =	simm.s32 $0x108;
	_ =	swait.ge @!p0 [sflag:s8], $0x0  }
0x24: {  	s3 =	sadd.s32 $0x88, s3;
	s6 =	simm.s32 @!p1 $0x1082;
	[sflag:s4] =	ssyncset.s32 $0xFFFFF086  }
0x25: {  	[simem:s6], [sflag:s4] =	dma.local [hbm:s3], $0xF7A  }
0x26: {  	[smem:$0x3FA0] =	sst s1;
	(tag) =	ssettag s2;
	_ =	strace s9  }
0x27: {  	s1 =	sld [smem:$0x3FB0]  }
0x28: {  	s2 =	sld [smem:$0x3FB1]  }
0x29: {  	s4 =	sld [smem:$0x3FB3]  }
0x2a: {  	p0 =	seq.s32 s5, $0x0;
	s5 =	sld [smem:$0x3FB4]  }
0x2b: {  	s6 =	sld [smem:$0x3FB5]  }
0x2c: {  	s7 =	sld [smem:$0x3FB6]  }
0x2d: {  	s3 =	simm.s32 $0x108;
	s8 =	sld [smem:$0x3FB7]  }
0x2e: {  	s3 =	simm.s32 @!p0 $0x1082;
	s9 =	sld [smem:$0x3FB8]  }
0x2f: {  	lr =	sadd.s32 s0, s3;
	s0 =	sld [smem:$0x3FAF]  }
0x30: {  	s3 =	sld [smem:$0x3FB2]  }
0x31: {  	[smem:$0x3FBB] =	sst s10  }
0x32: {  	s10 =	sld [smem:$0x3FB9];
	_ =	sdelay $0x3  }
0x33: {  	p0 =	seq.s32 s10, $0x1;
	s10 =	sld [smem:$0x3FBB];
	_ =	sdelay $0x3  }
0x34: {  	[smem:$0x3FBB] =	sst s10  }
0x35: {  	s10 =	sld [smem:$0x3FBA];
	_ =	sdelay $0x3  }
0x36: {  	p1 =	seq.s32 s10, $0x1;
	s10 =	sld [smem:$0x3FBB];
	_ =	sdelay $0x3  }
0x37: {  	[smem:$0x3FBB] =	sst s10  }
0x38: {  	s10 =	sld [smem:$0x3FBC]  }
0x39: {  	_ = 	snop;
	(pc) =	sbr.ind lr, $3  }
0x3a: {  	_ = 	snop  }
0x3b: {  	_ = 	snop  }
0x3c: {  	p2 =	seq.s32 s10, $0x1;
	s10 =	sld [smem:$0x3FBB]  }
0x3d: {  	_ =	shalt  }
0x3e: {  	_ =	shalt  }
0x3f: {  	_ =	shalt  }
0x40: {  	_ =	shalt  }
0x41: {  	_ =	shalt  }
0x42: {  	_ =	shalt  }
0x43: {  	_ =	shalt  }
0x44: {  	_ =	shalt  }
0x45: {  	_ =	shalt  }
0x46: {  	_ =	shalt  }
0x47: {  	_ =	shalt  }
0x48: {  	_ =	shalt  }
0x49: {  	_ =	shalt  }
0x4a: {  	_ =	shalt  }
0x4b: {  	_ =	shalt  }
0x4c: {  	_ =	shalt  }
0x4d: {  	_ =	shalt  }
0x4e: {  	_ =	shalt  }
0x4f: {  	_ =	shalt  }
0x50: {  	_ =	shalt  }
0x51: {  	_ =	shalt  }
0x52: {  	_ =	shalt  }
0x53: {  	_ =	shalt  }
0x54: {  	_ =	shalt  }
0x55: {  	_ =	shalt  }
0x56: {  	_ =	shalt  }
0x57: {  	_ =	shalt  }
0x58: {  	_ =	shalt  }
0x59: {  	_ =	shalt  }
0x5a: {  	_ =	shalt  }
0x5b: {  	_ =	shalt  }
0x5c: {  	_ =	shalt  }
0x5d: {  	_ =	shalt  }
0x5e: {  	_ =	shalt  }
0x5f: {  	_ =	shalt  }
0x60: {  	_ =	shalt  }
0x61: {  	_ =	shalt  }
0x62: {  	_ =	shalt  }
0x63: {  	_ =	shalt  }
0x64: {  	_ =	shalt  }
0x65: {  	_ =	shalt  }
0x66: {  	_ =	shalt  }
0x67: {  	_ =	shalt  }
0x68: {  	_ =	shalt  }
0x69: {  	_ =	shalt  }
0x6a: {  	_ =	shalt  }
0x6b: {  	_ =	shalt  }
0x6c: {  	_ =	shalt  }
0x6d: {  	_ =	shalt  }
0x6e: {  	_ =	shalt  }
0x6f: {  	_ =	shalt  }
0x70: {  	_ =	shalt  }
0x71: {  	_ =	shalt  }
0x72: {  	_ =	shalt  }
0x73: {  	_ =	shalt  }
0x74: {  	_ =	shalt  }
0x75: {  	_ =	shalt  }
0x76: {  	_ =	shalt  }
0x77: {  	_ =	shalt  }
0x78: {  	_ =	shalt  }
0x79: {  	_ =	shalt  }
0x7a: {  	_ =	shalt  }
0x7b: {  	_ =	shalt  }
0x7c: {  	_ =	shalt  }
0x7d: {  	_ =	shalt  }
0x7e: {  	_ =	shalt  }
0x7f: {  	_ =	shalt  }
0x80: {  	_ =	shalt  }
0x81: {  	_ =	shalt  }
0x82: {  	_ =	shalt  }
0x83: {  	_ =	shalt  }
0x84: {  	_ =	shalt  }
0x85: {  	_ =	shalt  }
0x86: {  	_ =	shalt  }
0x87: {  	_ =	shalt  }
.Lfunc_end0:
.L_simem_size_0:
called_computation_lowered:
.L_overlay_start_0:
0x88: {  	s2 =	sld [smem:$0x3FD9]  }
0x89: {  	s3 =	sld [smem:$0x3FFE];
	_ =	sdelay $0x1  }
0x8a: {  	s1 =	srdreg.scid  }
0x8b: {  	s0 =	sand.u32 $0x1, s1  }
0x8c: {  	s17 =	sshll.u32 s0, $0xA;
	s2 =	sadd.s32 s3, s2  }
0x8d: {  	s2 =	sadd.s32 s2, s17  }
0x8e: {  	[smem:$0x3FC7] =	sst s2  }
0x8f: {  	_ = 	snop  }
0x90: {  	s2 =	sld [smem:$0x3FD0];
	(tm) =	ssettm $0x1  }
0x91: {  	s18 =	sld [smem:$0x3FFB];
	_ =	sdelay $0x3  }
0x92: {  	_ =	strace s18  }
0x93: {  	s3 =	sld [smem:$0x3FFC];
	_ =	sdelay $0x3  }
0x94: {  	_ =	strace s3  }
0x95: {  	s3 =	sld [smem:$0x3FFD];
	_ =	sdelay $0x3  }
0x96: {  	_ =	strace s3  }
0x97: {  	_ =	strace $0x8FFFFFFF  }
0x98: {  	s19 =	sld [smem:$0x3FDB];
	_ =	sdelay $0x1  }
0x99: {  	s4 =	simm.s32 $_scs_section_size  }
0x9a: {  	s5 =	simm.s32 $_size__tile_overlayer_lowered;
	s6 =	simm.s32 $_tile_overlayer_lowered  }
0x9b: {  	s22 =	simm.s32 $0x1BFF;
	s21 =	sshll.u32 s6, $0x1;
	s3 =	sadd.s32 s4, s19  }
0x9c: {  	s7 =	simm.s32 $0x0;
	s20 =	sshll.u32 s5, $0x1;
	s5 =	sadd.s32 s21, s3  }
0x9d: {  	[timem:s7], [sflag:s22] =	dma.local [hbm:s5], s20  }
0x9e: {  	_ =	swait.ge [sflag:s22], s20  }
0x9f: {  	s4 =	ssub.s32 $0x0, s20;
	[sflag:s22] =	ssyncset.done $0x0  }
0xa0: {  	[sflag:s22] =	ssyncadd.s32 s4;
	_ =	sdelay $0x1  }
0xa1: {  	s23 =	simm.s32 $0x1B8B  }
0xa2: {  	_ =	swait.ge [sflag:s23], $0x1  }
0xa3: {  	[sflag:s23] =	ssyncset.done $0x0  }
0xa4: {  	s25 =	simm.s32 $0x1B8E;
	s24 =	sld [smem:$0x3FFE];
	[sflag:s23] =	ssyncadd.s32 $0xFFFFFFFF  }
0xa5: {  	s26 =	simm.s32 $execute0_lowered;
	[smem:$0x3FD2] =	sst s25  }
0xa6: {  	s5 =	sshll.u32 s26, $0x1;
	_ =	strace $0x80000046;
	[dreg:$0x1] =	wrdreg $0xFFFFFFFF  }
0xa7: {  	s28 =	simm.s32 $_size_execute0_lowered;
	s3 =	sadd.s32 s3, s5;
	[dreg:$0x0] =	wrdreg $0x0  }
0xa8: {  	s5 =	sshll.u32 s28, $0x1;
	[dreg:$0x2] =	wrdreg s3  }
0xa9: {  	[dreg:$0x3] =	wrdreg s5  }
0xaa: {  	[dreg:$0x4] =	wrdreg $0xC0  }
0xab: {  	_ =	task [dreg:s7], $0x5FFFF  }
0xac: {  	[dreg:$0x1] =	wrdreg $0xFFFFFFFF  }
0xad: {  	[dreg:$0x0] =	wrdreg $0x60  }
0xae: {  	[dreg:$0x2] =	wrdreg s24  }
0xaf: {  	[dreg:$0x3] =	wrdreg s2  }
0xb0: {  	[dreg:$0x4] =	wrdreg $0x9  }
0xb1: {  	_ =	task.clear_ibuf [dreg:s7], $0x5FFFF;
	_ =	strace $0x90000046  }
0xb2: {  	s29 =	simm.s32 $0x9;
	_ =	strace $0x80000048  }
0xb3: {  	_ =	swait.ge [sflag:s29], $0x1  }
0xb4: {  	[sflag:s29] =	ssyncadd.s32 $0xFFFFFFFF  }
0xb5: {  	_ =	strace $0x90000048  }
0xb6: {  	_ =	sfence  }
0xb7: {  	s30 =	sld [smem:$0x0];
	_ =	sdelay $0x2  }
0xb8: {  	s31 =	sshll.u32 s1, $0xD;
	s1 =	sshrl.u32 s1, $0x2  }
0xb9: {  	s3 =	sand.u32 $0x4000, s31;
	s1 =	sadd.s32 s1, s30  }
0xba: {  	s0 =	sor.u32 s3, s0;
	s1 =	sshll.u32 s1, $0x11  }
0xbb: {  	s0 =	sor.u32 s1, s0  }
0xbc: {  	s0 =	sadd.s32 $0x8F2B, s0  }
0xbd: {  	[sflag:s0] =	ssyncadd.remote.s32 $0x1  }
0xbe: {  	_ =	sfence.sel $0xFFFF  }
0xbf: {  	[dreg:$0x0] =	wrdreg $0xFFFFFFFF;
	(pc) =	sbr.abs _section_cstart, $3  }
0xc0: {  	[dreg:$0x1] =	wrdreg $0xFFFFFFFF  }
0xc1: {  	_ =	task.clear_ibuf [dreg:s7], $0x2FFFF;
	_ =	strace $0x9FFFFFFF  }
0xc2: {  	(tm) =	ssettm $0x7FFFFFFF  }
0xc3: {  	_ =	shalt  }
tec
execute0_lowered:
.L_overlay_start_1:
0x0: {  	(tag) =	ssettag $0x1  }
0x1: {  	s3 =	rddreg [dreg:$0x0]  }
0x2: {  	s11 =	rddreg [dreg:$0x1]  }
0x3: {  	s2 =	srdreg.scid;
	s1 =	stileid.u32  }
0x4: {  	s0 =	rddreg [dreg:$0x2];
	s14 =	simm.s32 $0x2000;
	s15 =	simm.s32 $0x4000  }
0x5: {  	s16 =	simm.s32 $0x5000;
	s17 =	simm.s32 $0x6000;
	s18 =	simm.s32 $0x7000  }
0x6: {  	s19 =	simm.s32 $0x2;
	s20 =	simm.s32 $0x8000;
	s21 =	simm.s32 $0x3  }
0x7: {  	s22 =	simm.s32 $0x0;
	s4 =	sand.u32 $0x1, s2;
	s5 =	sshll.u32 s1, $0x1  }
0x8: {  	s2 =	simm.s32 $0x0;
	s12 =	sor.u32 s4, s5;
	s4 =	ssub.s32 $0x2, s4  }
0x9: {  	[smem:$0x7FF] =	sst s2;
	s5 =	sshll.u32 s12, $0xD;
	s6 =	sshrl.u32 s4, $0x1  }
0xa: {  	_ =	strace $0x80000047;
	s12 =	sshll.u32 s12, $0x5;
	s10 =	sadd.s32 s5, s3  }
0xb: {  	s13 =	ssub.s32 s4, s6;
	s11 =	sadd.s32 s11, s12;
	s3 =	sadd.s32 $0x800, s10  }
0xc: {  	s4 =	sadd.s32 $0xC00, s10;
	s5 =	sadd.s32 $0x1000, s10;
	s6 =	sadd.s32 $0x1400, s10  }
0xd: {  	v0 =	vlaneseq.u32;
	s7 =	sadd.s32 $0x1800, s10;
	s8 =	sadd.s32 $0x1C00, s10;
	s9 =	sadd.s32 $0x2000, s10  }
0xe: {  	v1 =	vimm.f32 $0.0e+00;
	v2 =	vimm.f32 $1.000000000e+00;
	v3 =	vmul.u32 $0x10, v0;
	s10 =	sadd.s32 $0x2400, s10;
	s12 =	smax.u32 s13, $0x1;
	s13 =	simm.s32 $0x1  }
.LBB2_1:
0xf: {  	s24 =	simm.s32 $0x40;
	s23 =	simm.s32 $0x0  }
.LBB2_2:
0x10: {  	p0 =	sne.s32 s24, $0x3FC0;
	[tilespmem:s23+$0x7000] =	vst v1;
	s25 =	smov.u32 s24;
	s24 =	sadd.s32 $0x40, s24  }
.Ltmp0:
0x11: {  	[tilespmem:s23+$0x6000] =	vst v1;
	(pc) =	sbr.rel @p0 .LBB2_2-.Ltmp0, $3  }
0x12: {  	[tilespmem:s23+$0x4000] =	vst v1  }
0x13: {  	[tilespmem:s23+$0x5000] =	vst v1;
	_ =	sdelay $0x1  }
0x14: {  	s23 =	sshra.s32 s25, $0x2  }
0x15: {  	[tilespmem:s23+$0x7000] =	vst v1  }
0x16: {  	[tilespmem:s23+$0x6000] =	vst v1  }
0x17: {  	[tilespmem:s23+$0x4000] =	vst v1  }
0x18: {  	[tilespmem:s23+$0x5000] =	vst v1;
	s28 =	simm.s32 $0x0;
	s24 =	simm.s32 $0x0  }
0x19: {  	[tilespmem:s28], [sflag:$0x1] =	stream.linear.gather [hbm4b:s3+s28], $0x2000, $0x38;
	[tilespmem:$0x8100] =	vst v63  }
0x1a: {  	s25 =	simm.s32 $0x0;
	s24 =	sand.u32 $0x1000, s24;
	s26 =	sand.u32 $0xC00, s28  }
0x1b: {  	s25 =	sand.u32 $0x380, s25;
	_ =	swait.ge [sflag:s13], $0x2000;
	s24 =	sor.u32 s26, s24  }
0x1c: {  	s23 =	sand.u32 $0x40, s28;
	[sflag:s13] =	ssyncset.done $0x0;
	s24 =	sor.u32 s25, s24  }
0x1d: {  	[sflag:s13] =	ssyncadd.s32 $0xFFFFE000;
	s23 =	sor.u32 s23, s24  }
0x1e: {  	[tilespmem:s14], [sflag:$0x2] =	stream.linear.gather [hbm4b:s4+s28], $0x2000, $0x38;
	[tilespmem:$0x8100] =	vst v63  }
0x1f: {  	v4 =	vld [tilespmem:s23+$0x30]  }
0x20: {  	v5 =	vld [tilespmem:s23+$0x0];
	_ =	sdelay $0x2  }
0x21: {  	v8 =	vld [tilespmem:s23+$0x10]  }
0x22: {  	v6 =	vshll.u32 v4, $0x4;
	v7 =	vshrl.u32 v4, $0x4;
	v9 =	vshrl.u32 v4, $0xC  }
0x23: {  	s29 =	simm.s32 $0x40;
	v10 =	vld [tilespmem:s23+$0x20];
	s23 =	simm.s32 $0x200;
	v4 =	vshrl.u32 v4, $0x14;
	v11 =	vshll.u32 v5, $0x4;
	v6 =	vor.u32 v0, v6  }
0x24: {  	s30 =	simm.s32 $0x10;
	s24 =	sand.u32 $0x1000, s29;
	s31 =	sand.u32 $0xC00, s23;
	v12 =	vshrl.u32 v5, $0x14;
	v7 =	vand.u32 $0xFF0, v7;
	v6 =	vand.u32 $0xFFF, v6  }
0x25: {  	s25 =	sand.u32 $0x380, s30;
	s26 =	sor.u32 s31, s24;
	s24 =	simm.s32 $0x40;
	v13 =	vshrl.u32 v5, $0x4;
	v9 =	vand.u32 $0xFF0, v9;
	v7 =	vor.u32 v0, v7  }
0x26: {  	s28 =	sand.u32 $0x40, s24;
	s25 =	sor.u32 s25, s26;
	v14 =	vshll.u32 v8, $0x4;
	v11 =	vor.u32 v0, v11;
	v9 =	vor.u32 v0, v9  }
0x27: {  	s25 =	sor.u32 s28, s25;
	v5 =	vshrl.u32 v5, $0xC;
	v4 =	vand.u32 $0xFF0, v4;
	v11 =	vand.u32 $0xFFF, v11  }
0x28: {  	v15 =	vshrl.u32 v8, $0x4;
	v17 =	vld [tilespmem:s25+$0x0];
	v5 =	vand.u32 $0xFF0, v5;
	v4 =	vor.u32 v0, v4  }
0x29: {  	v16 =	vshrl.u32 v8, $0xC;
	v12 =	vand.u32 $0xFF0, v12;
	v5 =	vor.u32 v0, v5;
	[tilespmem:v6+s15+$0x0] =	vst.idx.add.f32.msk $0xffff, v2  }
0x2a: {  	v12 =	vor.u32 v0, v12;
	[tilespmem:v7+s16+$0x0] =	vst.idx.add.f32.msk $0xffff, v2;
	v7 =	vshrl.u32 v8, $0x14;
	v8 =	vshll.u32 v10, $0x4  }
0x2b: {  	v6 =	vor.u32 v0, v14;
	[tilespmem:v9+s17+$0x0] =	vst.idx.add.f32.msk $0xffff, v2;
	v9 =	vor.u32 v0, v8;
	v8 =	vand.u32 $0xFF0, v13  }
0x2c: {  	v14 =	vand.u32 $0xFF0, v15;
	v15 =	vand.u32 $0xFF0, v16;
	[tilespmem:v11+s15+$0x0] =	vst.idx.add.f32.msk $0xffff, v2;
	v11 =	vor.u32 v0, v8  }
0x2d: {  	v19 =	vand.u32 $0xFFF, v6;
	v14 =	vor.u32 v0, v14;
	[tilespmem:v4+s18+$0x0] =	vst.idx.add.f32.msk $0xffff, v2;
	v4 =	vshrl.u32 v10, $0x4  }
0x2e: {  	v16 =	vld [tilespmem:s25+$0x10];
	v8 =	vshrl.u32 v10, $0xC;
	v13 =	vand.u32 $0xFF0, v4;
	v4 =	vshrl.u32 v10, $0x14  }
0x2f: {  	v7 =	vand.u32 $0xFF0, v7;
	v18 =	vand.u32 $0xFF0, v8;
	v10 =	vand.u32 $0xFF0, v4;
	v4 =	vld [tilespmem:s25+$0x20]  }
0x30: {  	v20 =	vor.u32 v0, v13;
	v21 =	vor.u32 v0, v18;
	v8 =	vor.u32 v0, v10;
	v10 =	vld [tilespmem:s25+$0x30]  }
0x31: {  	v6 =	vshll.u32 v17, $0x4;
	v13 =	vor.u32 v0, v7;
	[tilespmem:v11+s16+$0x0] =	vst.idx.add.f32.msk $0xffff, v2;
	v11 =	vor.u32 v0, v15  }
0x32: {  	v7 =	vshrl.u32 v17, $0x4;
	[tilespmem:v19+s15+$0x0] =	vst.idx.add.f32.msk $0xffff, v2;
	v15 =	vand.u32 $0xFFF, v9;
	v9 =	vshrl.u32 v17, $0x14  }
0x33: {  	v18 =	vshrl.u32 v16, $0x4;
	[tilespmem:v5+s17+$0x0] =	vst.idx.add.f32.msk $0xffff, v2;
	v5 =	vand.u32 $0xFF0, v9;
	v9 =	vshll.u32 v16, $0x4  }
0x34: {  	v22 =	vshrl.u32 v16, $0xC;
	[tilespmem:v12+s18+$0x0] =	vst.idx.add.f32.msk $0xffff, v2;
	v12 =	vor.u32 v0, v6;
	v6 =	vor.u32 v0, v9  }
0x35: {  	[tilespmem:v14+s16+$0x0] =	vst.idx.add.f32.msk $0xffff, v2;
	v9 =	vshll.u32 v10, $0x4;
	v19 =	vshrl.u32 v10, $0x4;
	v23 =	vshrl.u32 v10, $0xC  }
0x36: {  	v10 =	vshrl.u32 v10, $0x14;
	v14 =	vor.u32 v0, v9;
	v19 =	vand.u32 $0xFF0, v19;
	[tilespmem:v11+s17+$0x0] =	vst.idx.add.f32.msk $0xffff, v2  }
0x37: {  	v9 =	vand.u32 $0xFF0, v18;
	v24 =	vand.u32 $0xFF0, v10;
	v14 =	vand.u32 $0xFFF, v14;
	[tilespmem:v15+s15+$0x0] =	vst.idx.add.f32.msk $0xffff, v2  }
0x38: {  	v10 =	vand.u32 $0xFF0, v22;
	v11 =	vand.u32 $0xFF0, v23;
	[tilespmem:v13+s18+$0x0] =	vst.idx.add.f32.msk $0xffff, v2;
	v13 =	vor.u32 v0, v19  }
0x39: {  	v18 =	vshll.u32 v4, $0x4;
	v19 =	vshrl.u32 v16, $0x14;
	v16 =	vor.u32 v0, v11;
	[tilespmem:v20+s16+$0x0] =	vst.idx.add.f32.msk $0xffff, v2  }
0x3a: {  	s25 =	simm.s32 $0x4;
	v15 =	vshrl.u32 v17, $0xC;
	v17 =	vor.u32 v0, v24;
	v11 =	vand.u32 $0xFF0, v19;
	[tilespmem:v21+s17+$0x0] =	vst.idx.add.f32.msk $0xffff, v2  }
.LBB2_4:
0x3b: {  	s25 =	sadd.s32 $0x4, s25;
	v12 =	vand.u32 $0xFFF, v12;
	v18 =	vor.u32 v0, v18;
	v19 =	vshrl.u32 v4, $0x4;
	[tilespmem:v8+s18+$0x0] =	vst.idx.add.f32.msk $0xffff, v2  }
0x3c: {  	v8 =	vshrl.u32 v4, $0xC;
	v4 =	vshrl.u32 v4, $0x14;
	s23 =	sadd.s32 $0x200, s23;
	s26 =	sshll.u32 s25, $0x4;
	s28 =	sshll.u32 s25, $0x2;
	v19 =	vand.u32 $0xFF0, v19;
	[tilespmem:v14+s15+$0x0] =	vst.idx.add.f32.msk $0xffff, v2  }
0x3d: {  	s29 =	sand.u32 $0xC00, s23;
	p0 =	slt.u32 s25, $0x1FC;
	v14 =	vand.u32 $0xFF0, v8;
	v8 =	vand.u32 $0xFF0, v4;
	s26 =	sand.u32 $0x1000, s26;
	[tilespmem:v13+s16+$0x0] =	vst.idx.add.f32.msk $0xffff, v2  }
0x3e: {  	s24 =	sadd.s32 $0x40, s24;
	s28 =	sand.u32 $0x380, s28;
	s26 =	sor.u32 s29, s26;
	[tilespmem:v16+s17+$0x0] =	vst.idx.add.f32.msk $0xffff, v2  }
0x3f: {  	v4 =	vand.u32 $0xFF0, v7;
	s29 =	sand.u32 $0x40, s24;
	s26 =	sor.u32 s28, s26;
	[tilespmem:v17+s18+$0x0] =	vst.idx.add.f32.msk $0xffff, v2  }
0x40: {  	v7 =	vor.u32 v0, v4;
	v4 =	vand.u32 $0xFF0, v15;
	s26 =	sor.u32 s29, s26;
	[tilespmem:v12+s15+$0x0] =	vst.idx.add.f32.msk $0xffff, v2  }
0x41: {  	v12 =	vor.u32 v0, v4;
	v15 =	vld [tilespmem:s26+$0x0]  }
0x42: {  	v13 =	vor.u32 v0, v5;
	v16 =	vld [tilespmem:s26+$0x10]  }
0x43: {  	v8 =	vor.u32 v0, v8;
	v17 =	vand.u32 $0xFFF, v6;
	v4 =	vld [tilespmem:s26+$0x20]  }
0x44: {  	v9 =	vor.u32 v0, v9;
	v19 =	vor.u32 v0, v19;
	v21 =	vor.u32 v0, v14;
	v20 =	vld [tilespmem:s26+$0x30]  }
0x45: {  	v10 =	vor.u32 v0, v10;
	v11 =	vor.u32 v0, v11;
	v18 =	vand.u32 $0xFFF, v18;
	[tilespmem:v7+s16+$0x0] =	vst.idx.add.f32.msk $0xffff, v2  }
0x46: {  	v6 =	vshll.u32 v15, $0x4;
	v7 =	vshrl.u32 v15, $0x4;
	v5 =	vshrl.u32 v15, $0x14;
	[tilespmem:v12+s17+$0x0] =	vst.idx.add.f32.msk $0xffff, v2  }
0x47: {  	v5 =	vand.u32 $0xFF0, v5;
	v14 =	vshll.u32 v16, $0x4;
	v22 =	vshrl.u32 v16, $0x4;
	[tilespmem:v13+s18+$0x0] =	vst.idx.add.f32.msk $0xffff, v2  }
0x48: {  	v12 =	vor.u32 v0, v6;
	v13 =	vshrl.u32 v16, $0xC;
	v6 =	vor.u32 v0, v14;
	[tilespmem:v17+s15+$0x0] =	vst.idx.add.f32.msk $0xffff, v2  }
0x49: {  	v14 =	vshll.u32 v20, $0x4;
	v17 =	vshrl.u32 v20, $0x4;
	v23 =	vshrl.u32 v20, $0xC;
	[tilespmem:v9+s16+$0x0] =	vst.idx.add.f32.msk $0xffff, v2  }
.Ltmp1:
0x4a: {  	v20 =	vshrl.u32 v20, $0x14;
	v14 =	vor.u32 v0, v14;
	v17 =	vand.u32 $0xFF0, v17;
	[tilespmem:v10+s17+$0x0] =	vst.idx.add.f32.msk $0xffff, v2;
	(pc) =	sbr.rel @p0 .LBB2_4-.Ltmp1, $4  }
0x4b: {  	v9 =	vand.u32 $0xFF0, v22;
	v20 =	vand.u32 $0xFF0, v20;
	v14 =	vand.u32 $0xFFF, v14;
	[tilespmem:v11+s18+$0x0] =	vst.idx.add.f32.msk $0xffff, v2  }
0x4c: {  	v10 =	vand.u32 $0xFF0, v13;
	v13 =	vor.u32 v0, v17;
	v11 =	vand.u32 $0xFF0, v23;
	[tilespmem:v18+s15+$0x0] =	vst.idx.add.f32.msk $0xffff, v2  }
0x4d: {  	v17 =	vshrl.u32 v16, $0x14;
	v18 =	vshll.u32 v4, $0x4;
	v16 =	vor.u32 v0, v11;
	[tilespmem:v19+s16+$0x0] =	vst.idx.add.f32.msk $0xffff, v2  }
0x4e: {  	v15 =	vshrl.u32 v15, $0xC;
	v11 =	vand.u32 $0xFF0, v17;
	v17 =	vor.u32 v0, v20;
	[tilespmem:v21+s17+$0x0] =	vst.idx.add.f32.msk $0xffff, v2  }
0x4f: {  	_ =	sdelay $0x3  }
0x50: {  	v12 =	vand.u32 $0xFFF, v12;
	[tilespmem:v8+s18+$0x0] =	vst.idx.add.f32.msk $0xffff, v2;
	v7 =	vand.u32 $0xFF0, v7  }
0x51: {  	[tilespmem:v14+s15+$0x0] =	vst.idx.add.f32.msk $0xffff, v2;
	v7 =	vor.u32 v0, v7  }
0x52: {  	v8 =	vand.u32 $0xFF0, v15;
	v6 =	vand.u32 $0xFFF, v6;
	[tilespmem:v13+s16+$0x0] =	vst.idx.add.f32.msk $0xffff, v2  }
0x53: {  	v8 =	vor.u32 v0, v8;
	[tilespmem:v16+s17+$0x0] =	vst.idx.add.f32.msk $0xffff, v2  }
0x54: {  	v5 =	vor.u32 v0, v5;
	[tilespmem:v17+s18+$0x0] =	vst.idx.add.f32.msk $0xffff, v2  }
0x55: {  	v9 =	vor.u32 v0, v9;
	[tilespmem:v12+s15+$0x0] =	vst.idx.add.f32.msk $0xffff, v2  }
0x56: {  	[tilespmem:v7+s16+$0x0] =	vst.idx.add.f32.msk $0xffff, v2;
	v7 =	vor.u32 v0, v10  }
0x57: {  	v11 =	vor.u32 v0, v11;
	v12 =	vshrl.u32 v4, $0x4;
	[tilespmem:v6+s15+$0x0] =	vst.idx.add.f32.msk $0xffff, v2;
	v10 =	vor.u32 v0, v18  }
0x58: {  	[tilespmem:v8+s17+$0x0] =	vst.idx.add.f32.msk $0xffff, v2;
	v8 =	vand.u32 $0xFF0, v12;
	v12 =	vshrl.u32 v4, $0xC;
	v10 =	vand.u32 $0xFFF, v10  }
0x59: {  	v4 =	vshrl.u32 v4, $0x14;
	[tilespmem:v5+s18+$0x0] =	vst.idx.add.f32.msk $0xffff, v2;
	v5 =	vand.u32 $0xFF0, v12;
	v8 =	vor.u32 v0, v8  }
0x5a: {  	[tilespmem:v9+s16+$0x0] =	vst.idx.add.f32.msk $0xffff, v2;
	v4 =	vand.u32 $0xFF0, v4;
	v5 =	vor.u32 v0, v5  }
0x5b: {  	v4 =	vor.u32 v0, v4;
	[tilespmem:v7+s17+$0x0] =	vst.idx.add.f32.msk $0xffff, v2  }
0x5c: {  	[tilespmem:v11+s18+$0x0] =	vst.idx.add.f32.msk $0xffff, v2  }
0x5d: {  	[tilespmem:v10+s15+$0x0] =	vst.idx.add.f32.msk $0xffff, v2  }
0x5e: {  	[tilespmem:v8+s16+$0x0] =	vst.idx.add.f32.msk $0xffff, v2  }
0x5f: {  	[tilespmem:v5+s17+$0x0] =	vst.idx.add.f32.msk $0xffff, v2  }
0x60: {  	s23 =	simm.s32 $0x0;
	[tilespmem:v4+s18+$0x0] =	vst.idx.add.f32.msk $0xffff, v2  }
0x61: {  	s24 =	simm.s32 $0x0;
	s25 =	simm.s32 $0x0;
	_ =	swait.ge [sflag:s19], $0x2000  }
0x62: {  	s24 =	sand.u32 $0x1000, s24;
	s26 =	sand.u32 $0xC00, s23;
	[sflag:s19] =	ssyncset.done $0x0  }
0x63: {  	s25 =	sand.u32 $0x380, s25;
	s24 =	sor.u32 s26, s24;
	[sflag:s19] =	ssyncadd.s32 $0xFFFFE000  }
0x64: {  	[tilespmem:s23], [sflag:$0x1] =	stream.linear.gather [hbm4b:s5+s23], $0x2000, $0x38;
	[tilespmem:$0x8100] =	vst v63  }
0x65: {  	s24 =	sor.u32 s25, s24;
	s23 =	sand.u32 $0x40, s23  }
0x66: {  	s23 =	sor.u32 s23, s24  }
0x67: {  	v4 =	vld [tilespmem:s23+$0x2030]  }
0x68: {  	v5 =	vld [tilespmem:s23+$0x2000];
	_ =	sdelay $0x2  }
0x69: {  	v8 =	vld [tilespmem:s23+$0x2010]  }
0x6a: {  	v6 =	vshll.u32 v4, $0x4;
	v7 =	vshrl.u32 v4, $0x4;
	v9 =	vshrl.u32 v4, $0xC  }
0x6b: {  	s29 =	simm.s32 $0x40;
	v10 =	vld [tilespmem:s23+$0x2020];
	s23 =	simm.s32 $0x200;
	v4 =	vshrl.u32 v4, $0x14;
	v11 =	vshll.u32 v5, $0x4;
	v6 =	vor.u32 v0, v6  }
0x6c: {  	s30 =	simm.s32 $0x10;
	s24 =	sand.u32 $0x1000, s29;
	s31 =	sand.u32 $0xC00, s23;
	v12 =	vshrl.u32 v5, $0x14;
	v7 =	vand.u32 $0xFF0, v7;
	v6 =	vand.u32 $0xFFF, v6  }
0x6d: {  	s25 =	sand.u32 $0x380, s30;
	s26 =	sor.u32 s31, s24;
	s24 =	simm.s32 $0x40;
	v13 =	vshrl.u32 v5, $0x4;
	v9 =	vand.u32 $0xFF0, v9;
	v7 =	vor.u32 v0, v7  }
0x6e: {  	s28 =	sand.u32 $0x40, s24;
	s25 =	sor.u32 s25, s26;
	v14 =	vshll.u32 v8, $0x4;
	v11 =	vor.u32 v0, v11;
	v9 =	vor.u32 v0, v9  }
0x6f: {  	s25 =	sor.u32 s28, s25;
	v5 =	vshrl.u32 v5, $0xC;
	v4 =	vand.u32 $0xFF0, v4;
	v11 =	vand.u32 $0xFFF, v11  }
0x70: {  	v15 =	vshrl.u32 v8, $0x4;
	v17 =	vld [tilespmem:s25+$0x2000];
	v5 =	vand.u32 $0xFF0, v5;
	v4 =	vor.u32 v0, v4  }
0x71: {  	v16 =	vshrl.u32 v8, $0xC;
	v12 =	vand.u32 $0xFF0, v12;
	v5 =	vor.u32 v0, v5;
	[tilespmem:v6+s15+$0x0] =	vst.idx.add.f32.msk $0xffff, v2  }
0x72: {  	v12 =	vor.u32 v0, v12;
	[tilespmem:v7+s16+$0x0] =	vst.idx.add.f32.msk $0xffff, v2;
	v7 =	vshrl.u32 v8, $0x14;
	v8 =	vshll.u32 v10, $0x4  }
0x73: {  	v6 =	vor.u32 v0, v14;
	[tilespmem:v9+s17+$0x0] =	vst.idx.add.f32.msk $0xffff, v2;
	v9 =	vor.u32 v0, v8;
	v8 =	vand.u32 $0xFF0, v13  }
0x74: {  	v14 =	vand.u32 $0xFF0, v15;
	v15 =	vand.u32 $0xFF0, v16;
	[tilespmem:v11+s15+$0x0] =	vst.idx.add.f32.msk $0xffff, v2;
	v11 =	vor.u32 v0, v8  }
0x75: {  	v19 =	vand.u32 $0xFFF, v6;
	v14 =	vor.u32 v0, v14;
	[tilespmem:v4+s18+$0x0] =	vst.idx.add.f32.msk $0xffff, v2;
	v4 =	vshrl.u32 v10, $0x4  }
0x76: {  	v16 =	vld [tilespmem:s25+$0x2010];
	v8 =	vshrl.u32 v10, $0xC;
	v13 =	vand.u32 $0xFF0, v4;
	v4 =	vshrl.u32 v10, $0x14  }
0x77: {  	v7 =	vand.u32 $0xFF0, v7;
	v18 =	vand.u32 $0xFF0, v8;
	v10 =	vand.u32 $0xFF0, v4;
	v4 =	vld [tilespmem:s25+$0x2020]  }
0x78: {  	v20 =	vor.u32 v0, v13;
	v21 =	vor.u32 v0, v18;
	v8 =	vor.u32 v0, v10;
	v10 =	vld [tilespmem:s25+$0x2030]  }
0x79: {  	v6 =	vshll.u32 v17, $0x4;
	v13 =	vor.u32 v0, v7;
	[tilespmem:v11+s16+$0x0] =	vst.idx.add.f32.msk $0xffff, v2;
	v11 =	vor.u32 v0, v15  }
0x7a: {  	v7 =	vshrl.u32 v17, $0x4;
	[tilespmem:v19+s15+$0x0] =	vst.idx.add.f32.msk $0xffff, v2;
	v15 =	vand.u32 $0xFFF, v9;
	v9 =	vshrl.u32 v17, $0x14  }
0x7b: {  	v18 =	vshrl.u32 v16, $0x4;
	[tilespmem:v5+s17+$0x0] =	vst.idx.add.f32.msk $0xffff, v2;
	v5 =	vand.u32 $0xFF0, v9;
	v9 =	vshll.u32 v16, $0x4  }
0x7c: {  	v22 =	vshrl.u32 v16, $0xC;
	[tilespmem:v12+s18+$0x0] =	vst.idx.add.f32.msk $0xffff, v2;
	v12 =	vor.u32 v0, v6;
	v6 =	vor.u32 v0, v9  }
0x7d: {  	[tilespmem:v14+s16+$0x0] =	vst.idx.add.f32.msk $0xffff, v2;
	v9 =	vshll.u32 v10, $0x4;
	v19 =	vshrl.u32 v10, $0x4;
	v23 =	vshrl.u32 v10, $0xC  }
0x7e: {  	v10 =	vshrl.u32 v10, $0x14;
	v14 =	vor.u32 v0, v9;
	v19 =	vand.u32 $0xFF0, v19;
	[tilespmem:v11+s17+$0x0] =	vst.idx.add.f32.msk $0xffff, v2  }
0x7f: {  	v9 =	vand.u32 $0xFF0, v18;
	v24 =	vand.u32 $0xFF0, v10;
	v14 =	vand.u32 $0xFFF, v14;
	[tilespmem:v15+s15+$0x0] =	vst.idx.add.f32.msk $0xffff, v2  }
0x80: {  	v10 =	vand.u32 $0xFF0, v22;
	v11 =	vand.u32 $0xFF0, v23;
	[tilespmem:v13+s18+$0x0] =	vst.idx.add.f32.msk $0xffff, v2;
	v13 =	vor.u32 v0, v19  }
0x81: {  	v18 =	vshll.u32 v4, $0x4;
	v19 =	vshrl.u32 v16, $0x14;
	v16 =	vor.u32 v0, v11;
	[tilespmem:v20+s16+$0x0] =	vst.idx.add.f32.msk $0xffff, v2  }
0x82: {  	s25 =	simm.s32 $0x4;
	v15 =	vshrl.u32 v17, $0xC;
	v17 =	vor.u32 v0, v24;
	v11 =	vand.u32 $0xFF0, v19;
	[tilespmem:v21+s17+$0x0] =	vst.idx.add.f32.msk $0xffff, v2  }
.LBB2_6:
0x83: {  	s25 =	sadd.s32 $0x4, s25;
	v12 =	vand.u32 $0xFFF, v12;
	v18 =	vor.u32 v0, v18;
	v19 =	vshrl.u32 v4, $0x4;
	[tilespmem:v8+s18+$0x0] =	vst.idx.add.f32.msk $0xffff, v2  }
0x84: {  	v8 =	vshrl.u32 v4, $0xC;
	v4 =	vshrl.u32 v4, $0x14;
	s23 =	sadd.s32 $0x200, s23;
	s26 =	sshll.u32 s25, $0x4;
	s28 =	sshll.u32 s25, $0x2;
	v19 =	vand.u32 $0xFF0, v19;
	[tilespmem:v14+s15+$0x0] =	vst.idx.add.f32.msk $0xffff, v2  }
0x85: {  	s29 =	sand.u32 $0xC00, s23;
	p0 =	slt.u32 s25, $0x1FC;
	v14 =	vand.u32 $0xFF0, v8;
	v8 =	vand.u32 $0xFF0, v4;
	s26 =	sand.u32 $0x1000, s26;
	[tilespmem:v13+s16+$0x0] =	vst.idx.add.f32.msk $0xffff, v2  }
0x86: {  	s24 =	sadd.s32 $0x40, s24;
	s28 =	sand.u32 $0x380, s28;
	s26 =	sor.u32 s29, s26;
	[tilespmem:v16+s17+$0x0] =	vst.idx.add.f32.msk $0xffff, v2  }
0x87: {  	v4 =	vand.u32 $0xFF0, v7;
	s29 =	sand.u32 $0x40, s24;
	s26 =	sor.u32 s28, s26;
	[tilespmem:v17+s18+$0x0] =	vst.idx.add.f32.msk $0xffff, v2  }
0x88: {  	v7 =	vor.u32 v0, v4;
	v4 =	vand.u32 $0xFF0, v15;
	s26 =	sor.u32 s29, s26;
	[tilespmem:v12+s15+$0x0] =	vst.idx.add.f32.msk $0xffff, v2  }
0x89: {  	v12 =	vor.u32 v0, v4;
	v15 =	vld [tilespmem:s26+$0x2000]  }
0x8a: {  	v13 =	vor.u32 v0, v5;
	v16 =	vld [tilespmem:s26+$0x2010]  }
0x8b: {  	v8 =	vor.u32 v0, v8;
	v17 =	vand.u32 $0xFFF, v6;
	v4 =	vld [tilespmem:s26+$0x2020]  }
0x8c: {  	v9 =	vor.u32 v0, v9;
	v19 =	vor.u32 v0, v19;
	v21 =	vor.u32 v0, v14;
	v20 =	vld [tilespmem:s26+$0x2030]  }
0x8d: {  	v10 =	vor.u32 v0, v10;
	v11 =	vor.u32 v0, v11;
	v18 =	vand.u32 $0xFFF, v18;
	[tilespmem:v7+s16+$0x0] =	vst.idx.add.f32.msk $0xffff, v2  }
0x8e: {  	v6 =	vshll.u32 v15, $0x4;
	v7 =	vshrl.u32 v15, $0x4;
	v5 =	vshrl.u32 v15, $0x14;
	[tilespmem:v12+s17+$0x0] =	vst.idx.add.f32.msk $0xffff, v2  }
0x8f: {  	v5 =	vand.u32 $0xFF0, v5;
	v14 =	vshll.u32 v16, $0x4;
	v22 =	vshrl.u32 v16, $0x4;
	[tilespmem:v13+s18+$0x0] =	vst.idx.add.f32.msk $0xffff, v2  }
0x90: {  	v12 =	vor.u32 v0, v6;
	v13 =	vshrl.u32 v16, $0xC;
	v6 =	vor.u32 v0, v14;
	[tilespmem:v17+s15+$0x0] =	vst.idx.add.f32.msk $0xffff, v2  }
0x91: {  	v14 =	vshll.u32 v20, $0x4;
	v17 =	vshrl.u32 v20, $0x4;
	v23 =	vshrl.u32 v20, $0xC;
	[tilespmem:v9+s16+$0x0] =	vst.idx.add.f32.msk $0xffff, v2  }
.Ltmp2:
0x92: {  	v20 =	vshrl.u32 v20, $0x14;
	v14 =	vor.u32 v0, v14;
	v17 =	vand.u32 $0xFF0, v17;
	[tilespmem:v10+s17+$0x0] =	vst.idx.add.f32.msk $0xffff, v2;
	(pc) =	sbr.rel @p0 .LBB2_6-.Ltmp2, $4  }
0x93: {  	v9 =	vand.u32 $0xFF0, v22;
	v20 =	vand.u32 $0xFF0, v20;
	v14 =	vand.u32 $0xFFF, v14;
	[tilespmem:v11+s18+$0x0] =	vst.idx.add.f32.msk $0xffff, v2  }
0x94: {  	v10 =	vand.u32 $0xFF0, v13;
	v13 =	vor.u32 v0, v17;
	v11 =	vand.u32 $0xFF0, v23;
	[tilespmem:v18+s15+$0x0] =	vst.idx.add.f32.msk $0xffff, v2  }
0x95: {  	v17 =	vshrl.u32 v16, $0x14;
	v18 =	vshll.u32 v4, $0x4;
	v16 =	vor.u32 v0, v11;
	[tilespmem:v19+s16+$0x0] =	vst.idx.add.f32.msk $0xffff, v2  }
0x96: {  	v15 =	vshrl.u32 v15, $0xC;
	v11 =	vand.u32 $0xFF0, v17;
	v17 =	vor.u32 v0, v20;
	[tilespmem:v21+s17+$0x0] =	vst.idx.add.f32.msk $0xffff, v2  }
0x97: {  	_ =	sdelay $0x3  }
0x98: {  	v12 =	vand.u32 $0xFFF, v12;
	[tilespmem:v8+s18+$0x0] =	vst.idx.add.f32.msk $0xffff, v2;
	v7 =	vand.u32 $0xFF0, v7  }
0x99: {  	[tilespmem:v14+s15+$0x0] =	vst.idx.add.f32.msk $0xffff, v2;
	v7 =	vor.u32 v0, v7  }
0x9a: {  	v8 =	vand.u32 $0xFF0, v15;
	v6 =	vand.u32 $0xFFF, v6;
	[tilespmem:v13+s16+$0x0] =	vst.idx.add.f32.msk $0xffff, v2  }
0x9b: {  	v8 =	vor.u32 v0, v8;
	[tilespmem:v16+s17+$0x0] =	vst.idx.add.f32.msk $0xffff, v2  }
0x9c: {  	v5 =	vor.u32 v0, v5;
	[tilespmem:v17+s18+$0x0] =	vst.idx.add.f32.msk $0xffff, v2  }
0x9d: {  	v9 =	vor.u32 v0, v9;
	[tilespmem:v12+s15+$0x0] =	vst.idx.add.f32.msk $0xffff, v2  }
0x9e: {  	[tilespmem:v7+s16+$0x0] =	vst.idx.add.f32.msk $0xffff, v2;
	v7 =	vor.u32 v0, v10  }
0x9f: {  	v11 =	vor.u32 v0, v11;
	v12 =	vshrl.u32 v4, $0x4;
	[tilespmem:v6+s15+$0x0] =	vst.idx.add.f32.msk $0xffff, v2;
	v10 =	vor.u32 v0, v18  }
0xa0: {  	[tilespmem:v8+s17+$0x0] =	vst.idx.add.f32.msk $0xffff, v2;
	v8 =	vand.u32 $0xFF0, v12;
	v12 =	vshrl.u32 v4, $0xC;
	v10 =	vand.u32 $0xFFF, v10  }
0xa1: {  	v4 =	vshrl.u32 v4, $0x14;
	[tilespmem:v5+s18+$0x0] =	vst.idx.add.f32.msk $0xffff, v2;
	v5 =	vand.u32 $0xFF0, v12;
	v8 =	vor.u32 v0, v8  }
0xa2: {  	[tilespmem:v9+s16+$0x0] =	vst.idx.add.f32.msk $0xffff, v2;
	v4 =	vand.u32 $0xFF0, v4;
	v5 =	vor.u32 v0, v5  }
0xa3: {  	v4 =	vor.u32 v0, v4;
	[tilespmem:v7+s17+$0x0] =	vst.idx.add.f32.msk $0xffff, v2  }
0xa4: {  	[tilespmem:v11+s18+$0x0] =	vst.idx.add.f32.msk $0xffff, v2  }
0xa5: {  	[tilespmem:v10+s15+$0x0] =	vst.idx.add.f32.msk $0xffff, v2  }
0xa6: {  	[tilespmem:v8+s16+$0x0] =	vst.idx.add.f32.msk $0xffff, v2  }
0xa7: {  	[tilespmem:v5+s17+$0x0] =	vst.idx.add.f32.msk $0xffff, v2  }
0xa8: {  	s23 =	simm.s32 $0x0;
	[tilespmem:v4+s18+$0x0] =	vst.idx.add.f32.msk $0xffff, v2  }
0xa9: {  	s24 =	simm.s32 $0x0;
	s25 =	simm.s32 $0x0;
	_ =	swait.ge [sflag:s13], $0x2000  }
0xaa: {  	s24 =	sand.u32 $0x1000, s24;
	s26 =	sand.u32 $0xC00, s23;
	[sflag:s13] =	ssyncset.done $0x0  }
0xab: {  	s25 =	sand.u32 $0x380, s25;
	s24 =	sor.u32 s26, s24;
	[sflag:s13] =	ssyncadd.s32 $0xFFFFE000  }
0xac: {  	[tilespmem:s14], [sflag:$0x2] =	stream.linear.gather [hbm4b:s6+s23], $0x2000, $0x38;
	[tilespmem:$0x8100] =	vst v63  }
0xad: {  	s24 =	sor.u32 s25, s24;
	s23 =	sand.u32 $0x40, s23  }
0xae: {  	s23 =	sor.u32 s23, s24  }
0xaf: {  	v4 =	vld [tilespmem:s23+$0x30]  }
0xb0: {  	v5 =	vld [tilespmem:s23+$0x0];
	_ =	sdelay $0x2  }
0xb1: {  	v8 =	vld [tilespmem:s23+$0x10]  }
0xb2: {  	v6 =	vshll.u32 v4, $0x4;
	v7 =	vshrl.u32 v4, $0x4;
	v9 =	vshrl.u32 v4, $0xC  }
0xb3: {  	s29 =	simm.s32 $0x40;
	v10 =	vld [tilespmem:s23+$0x20];
	s23 =	simm.s32 $0x200;
	v4 =	vshrl.u32 v4, $0x14;
	v11 =	vshll.u32 v5, $0x4;
	v6 =	vor.u32 v0, v6  }
0xb4: {  	s30 =	simm.s32 $0x10;
	s24 =	sand.u32 $0x1000, s29;
	s31 =	sand.u32 $0xC00, s23;
	v12 =	vshrl.u32 v5, $0x14;
	v7 =	vand.u32 $0xFF0, v7;
	v6 =	vand.u32 $0xFFF, v6  }
0xb5: {  	s25 =	sand.u32 $0x380, s30;
	s26 =	sor.u32 s31, s24;
	s24 =	simm.s32 $0x40;
	v13 =	vshrl.u32 v5, $0x4;
	v9 =	vand.u32 $0xFF0, v9;
	v7 =	vor.u32 v0, v7  }
0xb6: {  	s28 =	sand.u32 $0x40, s24;
	s25 =	sor.u32 s25, s26;
	v14 =	vshll.u32 v8, $0x4;
	v11 =	vor.u32 v0, v11;
	v9 =	vor.u32 v0, v9  }
0xb7: {  	s25 =	sor.u32 s28, s25;
	v5 =	vshrl.u32 v5, $0xC;
	v4 =	vand.u32 $0xFF0, v4;
	v11 =	vand.u32 $0xFFF, v11  }
0xb8: {  	v15 =	vshrl.u32 v8, $0x4;
	v17 =	vld [tilespmem:s25+$0x0];
	v5 =	vand.u32 $0xFF0, v5;
	v4 =	vor.u32 v0, v4  }
0xb9: {  	v16 =	vshrl.u32 v8, $0xC;
	v12 =	vand.u32 $0xFF0, v12;
	v5 =	vor.u32 v0, v5;
	[tilespmem:v6+s15+$0x0] =	vst.idx.add.f32.msk $0xffff, v2  }
0xba: {  	v12 =	vor.u32 v0, v12;
	[tilespmem:v7+s16+$0x0] =	vst.idx.add.f32.msk $0xffff, v2;
	v7 =	vshrl.u32 v8, $0x14;
	v8 =	vshll.u32 v10, $0x4  }
0xbb: {  	v6 =	vor.u32 v0, v14;
	[tilespmem:v9+s17+$0x0] =	vst.idx.add.f32.msk $0xffff, v2;
	v9 =	vor.u32 v0, v8;
	v8 =	vand.u32 $0xFF0, v13  }
0xbc: {  	v14 =	vand.u32 $0xFF0, v15;
	v15 =	vand.u32 $0xFF0, v16;
	[tilespmem:v11+s15+$0x0] =	vst.idx.add.f32.msk $0xffff, v2;
	v11 =	vor.u32 v0, v8  }
0xbd: {  	v19 =	vand.u32 $0xFFF, v6;
	v14 =	vor.u32 v0, v14;
	[tilespmem:v4+s18+$0x0] =	vst.idx.add.f32.msk $0xffff, v2;
	v4 =	vshrl.u32 v10, $0x4  }
0xbe: {  	v16 =	vld [tilespmem:s25+$0x10];
	v8 =	vshrl.u32 v10, $0xC;
	v13 =	vand.u32 $0xFF0, v4;
	v4 =	vshrl.u32 v10, $0x14  }
0xbf: {  	v7 =	vand.u32 $0xFF0, v7;
	v18 =	vand.u32 $0xFF0, v8;
	v10 =	vand.u32 $0xFF0, v4;
	v4 =	vld [tilespmem:s25+$0x20]  }
0xc0: {  	v20 =	vor.u32 v0, v13;
	v21 =	vor.u32 v0, v18;
	v8 =	vor.u32 v0, v10;
	v10 =	vld [tilespmem:s25+$0x30]  }
0xc1: {  	v6 =	vshll.u32 v17, $0x4;
	v13 =	vor.u32 v0, v7;
	[tilespmem:v11+s16+$0x0] =	vst.idx.add.f32.msk $0xffff, v2;
	v11 =	vor.u32 v0, v15  }
0xc2: {  	v7 =	vshrl.u32 v17, $0x4;
	[tilespmem:v19+s15+$0x0] =	vst.idx.add.f32.msk $0xffff, v2;
	v15 =	vand.u32 $0xFFF, v9;
	v9 =	vshrl.u32 v17, $0x14  }
0xc3: {  	v18 =	vshrl.u32 v16, $0x4;
	[tilespmem:v5+s17+$0x0] =	vst.idx.add.f32.msk $0xffff, v2;
	v5 =	vand.u32 $0xFF0, v9;
	v9 =	vshll.u32 v16, $0x4  }
0xc4: {  	v22 =	vshrl.u32 v16, $0xC;
	[tilespmem:v12+s18+$0x0] =	vst.idx.add.f32.msk $0xffff, v2;
	v12 =	vor.u32 v0, v6;
	v6 =	vor.u32 v0, v9  }
0xc5: {  	[tilespmem:v14+s16+$0x0] =	vst.idx.add.f32.msk $0xffff, v2;
	v9 =	vshll.u32 v10, $0x4;
	v19 =	vshrl.u32 v10, $0x4;
	v23 =	vshrl.u32 v10, $0xC  }
0xc6: {  	v10 =	vshrl.u32 v10, $0x14;
	v14 =	vor.u32 v0, v9;
	v19 =	vand.u32 $0xFF0, v19;
	[tilespmem:v11+s17+$0x0] =	vst.idx.add.f32.msk $0xffff, v2  }
0xc7: {  	v9 =	vand.u32 $0xFF0, v18;
	v24 =	vand.u32 $0xFF0, v10;
	v14 =	vand.u32 $0xFFF, v14;
	[tilespmem:v15+s15+$0x0] =	vst.idx.add.f32.msk $0xffff, v2  }
0xc8: {  	v10 =	vand.u32 $0xFF0, v22;
	v11 =	vand.u32 $0xFF0, v23;
	[tilespmem:v13+s18+$0x0] =	vst.idx.add.f32.msk $0xffff, v2;
	v13 =	vor.u32 v0, v19  }
0xc9: {  	v18 =	vshll.u32 v4, $0x4;
	v19 =	vshrl.u32 v16, $0x14;
	v16 =	vor.u32 v0, v11;
	[tilespmem:v20+s16+$0x0] =	vst.idx.add.f32.msk $0xffff, v2  }
0xca: {  	s25 =	simm.s32 $0x4;
	v15 =	vshrl.u32 v17, $0xC;
	v17 =	vor.u32 v0, v24;
	v11 =	vand.u32 $0xFF0, v19;
	[tilespmem:v21+s17+$0x0] =	vst.idx.add.f32.msk $0xffff, v2  }
.LBB2_8:
0xcb: {  	s25 =	sadd.s32 $0x4, s25;
	v12 =	vand.u32 $0xFFF, v12;
	v18 =	vor.u32 v0, v18;
	v19 =	vshrl.u32 v4, $0x4;
	[tilespmem:v8+s18+$0x0] =	vst.idx.add.f32.msk $0xffff, v2  }
0xcc: {  	v8 =	vshrl.u32 v4, $0xC;
	v4 =	vshrl.u32 v4, $0x14;
	s23 =	sadd.s32 $0x200, s23;
	s26 =	sshll.u32 s25, $0x4;
	s28 =	sshll.u32 s25, $0x2;
	v19 =	vand.u32 $0xFF0, v19;
	[tilespmem:v14+s15+$0x0] =	vst.idx.add.f32.msk $0xffff, v2  }
0xcd: {  	s29 =	sand.u32 $0xC00, s23;
	p0 =	slt.u32 s25, $0x1FC;
	v14 =	vand.u32 $0xFF0, v8;
	v8 =	vand.u32 $0xFF0, v4;
	s26 =	sand.u32 $0x1000, s26;
	[tilespmem:v13+s16+$0x0] =	vst.idx.add.f32.msk $0xffff, v2  }
0xce: {  	s24 =	sadd.s32 $0x40, s24;
	s28 =	sand.u32 $0x380, s28;
	s26 =	sor.u32 s29, s26;
	[tilespmem:v16+s17+$0x0] =	vst.idx.add.f32.msk $0xffff, v2  }
0xcf: {  	v4 =	vand.u32 $0xFF0, v7;
	s29 =	sand.u32 $0x40, s24;
	s26 =	sor.u32 s28, s26;
	[tilespmem:v17+s18+$0x0] =	vst.idx.add.f32.msk $0xffff, v2  }
0xd0: {  	v7 =	vor.u32 v0, v4;
	v4 =	vand.u32 $0xFF0, v15;
	s26 =	sor.u32 s29, s26;
	[tilespmem:v12+s15+$0x0] =	vst.idx.add.f32.msk $0xffff, v2  }
0xd1: {  	v12 =	vor.u32 v0, v4;
	v15 =	vld [tilespmem:s26+$0x0]  }
0xd2: {  	v13 =	vor.u32 v0, v5;
	v16 =	vld [tilespmem:s26+$0x10]  }
0xd3: {  	v8 =	vor.u32 v0, v8;
	v17 =	vand.u32 $0xFFF, v6;
	v4 =	vld [tilespmem:s26+$0x20]  }
0xd4: {  	v9 =	vor.u32 v0, v9;
	v19 =	vor.u32 v0, v19;
	v21 =	vor.u32 v0, v14;
	v20 =	vld [tilespmem:s26+$0x30]  }
0xd5: {  	v10 =	vor.u32 v0, v10;
	v11 =	vor.u32 v0, v11;
	v18 =	vand.u32 $0xFFF, v18;
	[tilespmem:v7+s16+$0x0] =	vst.idx.add.f32.msk $0xffff, v2  }
0xd6: {  	v6 =	vshll.u32 v15, $0x4;
	v7 =	vshrl.u32 v15, $0x4;
	v5 =	vshrl.u32 v15, $0x14;
	[tilespmem:v12+s17+$0x0] =	vst.idx.add.f32.msk $0xffff, v2  }
0xd7: {  	v5 =	vand.u32 $0xFF0, v5;
	v14 =	vshll.u32 v16, $0x4;
	v22 =	vshrl.u32 v16, $0x4;
	[tilespmem:v13+s18+$0x0] =	vst.idx.add.f32.msk $0xffff, v2  }
0xd8: {  	v12 =	vor.u32 v0, v6;
	v13 =	vshrl.u32 v16, $0xC;
	v6 =	vor.u32 v0, v14;
	[tilespmem:v17+s15+$0x0] =	vst.idx.add.f32.msk $0xffff, v2  }
0xd9: {  	v14 =	vshll.u32 v20, $0x4;
	v17 =	vshrl.u32 v20, $0x4;
	v23 =	vshrl.u32 v20, $0xC;
	[tilespmem:v9+s16+$0x0] =	vst.idx.add.f32.msk $0xffff, v2  }
.Ltmp3:
0xda: {  	v20 =	vshrl.u32 v20, $0x14;
	v14 =	vor.u32 v0, v14;
	v17 =	vand.u32 $0xFF0, v17;
	[tilespmem:v10+s17+$0x0] =	vst.idx.add.f32.msk $0xffff, v2;
	(pc) =	sbr.rel @p0 .LBB2_8-.Ltmp3, $4  }
0xdb: {  	v9 =	vand.u32 $0xFF0, v22;
	v20 =	vand.u32 $0xFF0, v20;
	v14 =	vand.u32 $0xFFF, v14;
	[tilespmem:v11+s18+$0x0] =	vst.idx.add.f32.msk $0xffff, v2  }
0xdc: {  	v10 =	vand.u32 $0xFF0, v13;
	v13 =	vor.u32 v0, v17;
	v11 =	vand.u32 $0xFF0, v23;
	[tilespmem:v18+s15+$0x0] =	vst.idx.add.f32.msk $0xffff, v2  }
0xdd: {  	v17 =	vshrl.u32 v16, $0x14;
	v18 =	vshll.u32 v4, $0x4;
	v16 =	vor.u32 v0, v11;
	[tilespmem:v19+s16+$0x0] =	vst.idx.add.f32.msk $0xffff, v2  }
0xde: {  	v15 =	vshrl.u32 v15, $0xC;
	v11 =	vand.u32 $0xFF0, v17;
	v17 =	vor.u32 v0, v20;
	[tilespmem:v21+s17+$0x0] =	vst.idx.add.f32.msk $0xffff, v2  }
0xdf: {  	_ =	sdelay $0x3  }
0xe0: {  	v12 =	vand.u32 $0xFFF, v12;
	[tilespmem:v8+s18+$0x0] =	vst.idx.add.f32.msk $0xffff, v2;
	v7 =	vand.u32 $0xFF0, v7  }
0xe1: {  	[tilespmem:v14+s15+$0x0] =	vst.idx.add.f32.msk $0xffff, v2;
	v7 =	vor.u32 v0, v7  }
0xe2: {  	v8 =	vand.u32 $0xFF0, v15;
	v6 =	vand.u32 $0xFFF, v6;
	[tilespmem:v13+s16+$0x0] =	vst.idx.add.f32.msk $0xffff, v2  }
0xe3: {  	v8 =	vor.u32 v0, v8;
	[tilespmem:v16+s17+$0x0] =	vst.idx.add.f32.msk $0xffff, v2  }
0xe4: {  	v5 =	vor.u32 v0, v5;
	[tilespmem:v17+s18+$0x0] =	vst.idx.add.f32.msk $0xffff, v2  }
0xe5: {  	v9 =	vor.u32 v0, v9;
	[tilespmem:v12+s15+$0x0] =	vst.idx.add.f32.msk $0xffff, v2  }
0xe6: {  	[tilespmem:v7+s16+$0x0] =	vst.idx.add.f32.msk $0xffff, v2;
	v7 =	vor.u32 v0, v10  }
0xe7: {  	v11 =	vor.u32 v0, v11;
	v12 =	vshrl.u32 v4, $0x4;
	[tilespmem:v6+s15+$0x0] =	vst.idx.add.f32.msk $0xffff, v2;
	v10 =	vor.u32 v0, v18  }
0xe8: {  	[tilespmem:v8+s17+$0x0] =	vst.idx.add.f32.msk $0xffff, v2;
	v8 =	vand.u32 $0xFF0, v12;
	v12 =	vshrl.u32 v4, $0xC;
	v10 =	vand.u32 $0xFFF, v10  }
0xe9: {  	v4 =	vshrl.u32 v4, $0x14;
	[tilespmem:v5+s18+$0x0] =	vst.idx.add.f32.msk $0xffff, v2;
	v5 =	vand.u32 $0xFF0, v12;
	v8 =	vor.u32 v0, v8  }
0xea: {  	[tilespmem:v9+s16+$0x0] =	vst.idx.add.f32.msk $0xffff, v2;
	v4 =	vand.u32 $0xFF0, v4;
	v5 =	vor.u32 v0, v5  }
0xeb: {  	v4 =	vor.u32 v0, v4;
	[tilespmem:v7+s17+$0x0] =	vst.idx.add.f32.msk $0xffff, v2  }
0xec: {  	[tilespmem:v11+s18+$0x0] =	vst.idx.add.f32.msk $0xffff, v2  }
0xed: {  	[tilespmem:v10+s15+$0x0] =	vst.idx.add.f32.msk $0xffff, v2  }
0xee: {  	[tilespmem:v8+s16+$0x0] =	vst.idx.add.f32.msk $0xffff, v2  }
0xef: {  	[tilespmem:v5+s17+$0x0] =	vst.idx.add.f32.msk $0xffff, v2  }
0xf0: {  	s23 =	simm.s32 $0x0;
	[tilespmem:v4+s18+$0x0] =	vst.idx.add.f32.msk $0xffff, v2  }
0xf1: {  	s24 =	simm.s32 $0x0;
	s25 =	simm.s32 $0x0;
	_ =	swait.ge [sflag:s19], $0x2000  }
0xf2: {  	s24 =	sand.u32 $0x1000, s24;
	s26 =	sand.u32 $0xC00, s23;
	[sflag:s19] =	ssyncset.done $0x0  }
0xf3: {  	s25 =	sand.u32 $0x380, s25;
	s24 =	sor.u32 s26, s24;
	[sflag:s19] =	ssyncadd.s32 $0xFFFFE000  }
0xf4: {  	[tilespmem:s23], [sflag:$0x1] =	stream.linear.gather [hbm4b:s7+s23], $0x2000, $0x38;
	[tilespmem:$0x8100] =	vst v63  }
0xf5: {  	s24 =	sor.u32 s25, s24;
	s23 =	sand.u32 $0x40, s23  }
0xf6: {  	s23 =	sor.u32 s23, s24  }
0xf7: {  	v4 =	vld [tilespmem:s23+$0x2030]  }
0xf8: {  	v5 =	vld [tilespmem:s23+$0x2000];
	_ =	sdelay $0x2  }
0xf9: {  	v8 =	vld [tilespmem:s23+$0x2010]  }
0xfa: {  	v6 =	vshll.u32 v4, $0x4;
	v7 =	vshrl.u32 v4, $0x4;
	v9 =	vshrl.u32 v4, $0xC  }
0xfb: {  	s29 =	simm.s32 $0x40;
	v10 =	vld [tilespmem:s23+$0x2020];
	s23 =	simm.s32 $0x200;
	v4 =	vshrl.u32 v4, $0x14;
	v11 =	vshll.u32 v5, $0x4;
	v6 =	vor.u32 v0, v6  }
0xfc: {  	s30 =	simm.s32 $0x10;
	s24 =	sand.u32 $0x1000, s29;
	s31 =	sand.u32 $0xC00, s23;
	v12 =	vshrl.u32 v5, $0x14;
	v7 =	vand.u32 $0xFF0, v7;
	v6 =	vand.u32 $0xFFF, v6  }
0xfd: {  	s25 =	sand.u32 $0x380, s30;
	s26 =	sor.u32 s31, s24;
	s24 =	simm.s32 $0x40;
	v13 =	vshrl.u32 v5, $0x4;
	v9 =	vand.u32 $0xFF0, v9;
	v7 =	vor.u32 v0, v7  }
0xfe: {  	s28 =	sand.u32 $0x40, s24;
	s25 =	sor.u32 s25, s26;
	v14 =	vshll.u32 v8, $0x4;
	v11 =	vor.u32 v0, v11;
	v9 =	vor.u32 v0, v9  }
0xff: {  	s25 =	sor.u32 s28, s25;
	v5 =	vshrl.u32 v5, $0xC;
	v4 =	vand.u32 $0xFF0, v4;
	v11 =	vand.u32 $0xFFF, v11  }
0x100: {  	v15 =	vshrl.u32 v8, $0x4;
	v17 =	vld [tilespmem:s25+$0x2000];
	v5 =	vand.u32 $0xFF0, v5;
	v4 =	vor.u32 v0, v4  }
0x101: {  	v16 =	vshrl.u32 v8, $0xC;
	v12 =	vand.u32 $0xFF0, v12;
	v5 =	vor.u32 v0, v5;
	[tilespmem:v6+s15+$0x0] =	vst.idx.add.f32.msk $0xffff, v2  }
0x102: {  	v12 =	vor.u32 v0, v12;
	[tilespmem:v7+s16+$0x0] =	vst.idx.add.f32.msk $0xffff, v2;
	v7 =	vshrl.u32 v8, $0x14;
	v8 =	vshll.u32 v10, $0x4  }
0x103: {  	v6 =	vor.u32 v0, v14;
	[tilespmem:v9+s17+$0x0] =	vst.idx.add.f32.msk $0xffff, v2;
	v9 =	vor.u32 v0, v8;
	v8 =	vand.u32 $0xFF0, v13  }
0x104: {  	v14 =	vand.u32 $0xFF0, v15;
	v15 =	vand.u32 $0xFF0, v16;
	[tilespmem:v11+s15+$0x0] =	vst.idx.add.f32.msk $0xffff, v2;
	v11 =	vor.u32 v0, v8  }
0x105: {  	v19 =	vand.u32 $0xFFF, v6;
	v14 =	vor.u32 v0, v14;
	[tilespmem:v4+s18+$0x0] =	vst.idx.add.f32.msk $0xffff, v2;
	v4 =	vshrl.u32 v10, $0x4  }
0x106: {  	v16 =	vld [tilespmem:s25+$0x2010];
	v8 =	vshrl.u32 v10, $0xC;
	v13 =	vand.u32 $0xFF0, v4;
	v4 =	vshrl.u32 v10, $0x14  }
0x107: {  	v7 =	vand.u32 $0xFF0, v7;
	v18 =	vand.u32 $0xFF0, v8;
	v10 =	vand.u32 $0xFF0, v4;
	v4 =	vld [tilespmem:s25+$0x2020]  }
0x108: {  	v20 =	vor.u32 v0, v13;
	v21 =	vor.u32 v0, v18;
	v8 =	vor.u32 v0, v10;
	v10 =	vld [tilespmem:s25+$0x2030]  }
0x109: {  	v6 =	vshll.u32 v17, $0x4;
	v13 =	vor.u32 v0, v7;
	[tilespmem:v11+s16+$0x0] =	vst.idx.add.f32.msk $0xffff, v2;
	v11 =	vor.u32 v0, v15  }
0x10a: {  	v7 =	vshrl.u32 v17, $0x4;
	[tilespmem:v19+s15+$0x0] =	vst.idx.add.f32.msk $0xffff, v2;
	v15 =	vand.u32 $0xFFF, v9;
	v9 =	vshrl.u32 v17, $0x14  }
0x10b: {  	v18 =	vshrl.u32 v16, $0x4;
	[tilespmem:v5+s17+$0x0] =	vst.idx.add.f32.msk $0xffff, v2;
	v5 =	vand.u32 $0xFF0, v9;
	v9 =	vshll.u32 v16, $0x4  }
0x10c: {  	v22 =	vshrl.u32 v16, $0xC;
	[tilespmem:v12+s18+$0x0] =	vst.idx.add.f32.msk $0xffff, v2;
	v12 =	vor.u32 v0, v6;
	v6 =	vor.u32 v0, v9  }
0x10d: {  	[tilespmem:v14+s16+$0x0] =	vst.idx.add.f32.msk $0xffff, v2;
	v9 =	vshll.u32 v10, $0x4;
	v19 =	vshrl.u32 v10, $0x4;
	v23 =	vshrl.u32 v10, $0xC  }
0x10e: {  	v10 =	vshrl.u32 v10, $0x14;
	v14 =	vor.u32 v0, v9;
	v19 =	vand.u32 $0xFF0, v19;
	[tilespmem:v11+s17+$0x0] =	vst.idx.add.f32.msk $0xffff, v2  }
0x10f: {  	v9 =	vand.u32 $0xFF0, v18;
	v24 =	vand.u32 $0xFF0, v10;
	v14 =	vand.u32 $0xFFF, v14;
	[tilespmem:v15+s15+$0x0] =	vst.idx.add.f32.msk $0xffff, v2  }
0x110: {  	v10 =	vand.u32 $0xFF0, v22;
	v11 =	vand.u32 $0xFF0, v23;
	[tilespmem:v13+s18+$0x0] =	vst.idx.add.f32.msk $0xffff, v2;
	v13 =	vor.u32 v0, v19  }
0x111: {  	v18 =	vshll.u32 v4, $0x4;
	v19 =	vshrl.u32 v16, $0x14;
	v16 =	vor.u32 v0, v11;
	[tilespmem:v20+s16+$0x0] =	vst.idx.add.f32.msk $0xffff, v2  }
0x112: {  	s25 =	simm.s32 $0x4;
	v15 =	vshrl.u32 v17, $0xC;
	v17 =	vor.u32 v0, v24;
	v11 =	vand.u32 $0xFF0, v19;
	[tilespmem:v21+s17+$0x0] =	vst.idx.add.f32.msk $0xffff, v2  }
.LBB2_10:
0x113: {  	s25 =	sadd.s32 $0x4, s25;
	v12 =	vand.u32 $0xFFF, v12;
	v18 =	vor.u32 v0, v18;
	v19 =	vshrl.u32 v4, $0x4;
	[tilespmem:v8+s18+$0x0] =	vst.idx.add.f32.msk $0xffff, v2  }
0x114: {  	v8 =	vshrl.u32 v4, $0xC;
	v4 =	vshrl.u32 v4, $0x14;
	s23 =	sadd.s32 $0x200, s23;
	s26 =	sshll.u32 s25, $0x4;
	s28 =	sshll.u32 s25, $0x2;
	v19 =	vand.u32 $0xFF0, v19;
	[tilespmem:v14+s15+$0x0] =	vst.idx.add.f32.msk $0xffff, v2  }
0x115: {  	s29 =	sand.u32 $0xC00, s23;
	p0 =	slt.u32 s25, $0x1FC;
	v14 =	vand.u32 $0xFF0, v8;
	v8 =	vand.u32 $0xFF0, v4;
	s26 =	sand.u32 $0x1000, s26;
	[tilespmem:v13+s16+$0x0] =	vst.idx.add.f32.msk $0xffff, v2  }
0x116: {  	s24 =	sadd.s32 $0x40, s24;
	s28 =	sand.u32 $0x380, s28;
	s26 =	sor.u32 s29, s26;
	[tilespmem:v16+s17+$0x0] =	vst.idx.add.f32.msk $0xffff, v2  }
0x117: {  	v4 =	vand.u32 $0xFF0, v7;
	s29 =	sand.u32 $0x40, s24;
	s26 =	sor.u32 s28, s26;
	[tilespmem:v17+s18+$0x0] =	vst.idx.add.f32.msk $0xffff, v2  }
0x118: {  	v7 =	vor.u32 v0, v4;
	v4 =	vand.u32 $0xFF0, v15;
	s26 =	sor.u32 s29, s26;
	[tilespmem:v12+s15+$0x0] =	vst.idx.add.f32.msk $0xffff, v2  }
0x119: {  	v12 =	vor.u32 v0, v4;
	v15 =	vld [tilespmem:s26+$0x2000]  }
0x11a: {  	v13 =	vor.u32 v0, v5;
	v16 =	vld [tilespmem:s26+$0x2010]  }
0x11b: {  	v8 =	vor.u32 v0, v8;
	v17 =	vand.u32 $0xFFF, v6;
	v4 =	vld [tilespmem:s26+$0x2020]  }
0x11c: {  	v9 =	vor.u32 v0, v9;
	v19 =	vor.u32 v0, v19;
	v21 =	vor.u32 v0, v14;
	v20 =	vld [tilespmem:s26+$0x2030]  }
0x11d: {  	v10 =	vor.u32 v0, v10;
	v11 =	vor.u32 v0, v11;
	v18 =	vand.u32 $0xFFF, v18;
	[tilespmem:v7+s16+$0x0] =	vst.idx.add.f32.msk $0xffff, v2  }
0x11e: {  	v6 =	vshll.u32 v15, $0x4;
	v7 =	vshrl.u32 v15, $0x4;
	v5 =	vshrl.u32 v15, $0x14;
	[tilespmem:v12+s17+$0x0] =	vst.idx.add.f32.msk $0xffff, v2  }
0x11f: {  	v5 =	vand.u32 $0xFF0, v5;
	v14 =	vshll.u32 v16, $0x4;
	v22 =	vshrl.u32 v16, $0x4;
	[tilespmem:v13+s18+$0x0] =	vst.idx.add.f32.msk $0xffff, v2  }
0x120: {  	v12 =	vor.u32 v0, v6;
	v13 =	vshrl.u32 v16, $0xC;
	v6 =	vor.u32 v0, v14;
	[tilespmem:v17+s15+$0x0] =	vst.idx.add.f32.msk $0xffff, v2  }
0x121: {  	v14 =	vshll.u32 v20, $0x4;
	v17 =	vshrl.u32 v20, $0x4;
	v23 =	vshrl.u32 v20, $0xC;
	[tilespmem:v9+s16+$0x0] =	vst.idx.add.f32.msk $0xffff, v2  }
.Ltmp4:
0x122: {  	v20 =	vshrl.u32 v20, $0x14;
	v14 =	vor.u32 v0, v14;
	v17 =	vand.u32 $0xFF0, v17;
	[tilespmem:v10+s17+$0x0] =	vst.idx.add.f32.msk $0xffff, v2;
	(pc) =	sbr.rel @p0 .LBB2_10-.Ltmp4, $4  }
0x123: {  	v9 =	vand.u32 $0xFF0, v22;
	v20 =	vand.u32 $0xFF0, v20;
	v14 =	vand.u32 $0xFFF, v14;
	[tilespmem:v11+s18+$0x0] =	vst.idx.add.f32.msk $0xffff, v2  }
0x124: {  	v10 =	vand.u32 $0xFF0, v13;
	v13 =	vor.u32 v0, v17;
	v11 =	vand.u32 $0xFF0, v23;
	[tilespmem:v18+s15+$0x0] =	vst.idx.add.f32.msk $0xffff, v2  }
0x125: {  	v17 =	vshrl.u32 v16, $0x14;
	v18 =	vshll.u32 v4, $0x4;
	v16 =	vor.u32 v0, v11;
	[tilespmem:v19+s16+$0x0] =	vst.idx.add.f32.msk $0xffff, v2  }
0x126: {  	v15 =	vshrl.u32 v15, $0xC;
	v11 =	vand.u32 $0xFF0, v17;
	v17 =	vor.u32 v0, v20;
	[tilespmem:v21+s17+$0x0] =	vst.idx.add.f32.msk $0xffff, v2  }
0x127: {  	_ =	sdelay $0x3  }
0x128: {  	v12 =	vand.u32 $0xFFF, v12;
	[tilespmem:v8+s18+$0x0] =	vst.idx.add.f32.msk $0xffff, v2;
	v7 =	vand.u32 $0xFF0, v7  }
0x129: {  	[tilespmem:v14+s15+$0x0] =	vst.idx.add.f32.msk $0xffff, v2;
	v7 =	vor.u32 v0, v7  }
0x12a: {  	v8 =	vand.u32 $0xFF0, v15;
	v6 =	vand.u32 $0xFFF, v6;
	[tilespmem:v13+s16+$0x0] =	vst.idx.add.f32.msk $0xffff, v2  }
0x12b: {  	v8 =	vor.u32 v0, v8;
	[tilespmem:v16+s17+$0x0] =	vst.idx.add.f32.msk $0xffff, v2  }
0x12c: {  	v5 =	vor.u32 v0, v5;
	[tilespmem:v17+s18+$0x0] =	vst.idx.add.f32.msk $0xffff, v2  }
0x12d: {  	v9 =	vor.u32 v0, v9;
	[tilespmem:v12+s15+$0x0] =	vst.idx.add.f32.msk $0xffff, v2  }
0x12e: {  	[tilespmem:v7+s16+$0x0] =	vst.idx.add.f32.msk $0xffff, v2;
	v7 =	vor.u32 v0, v10  }
0x12f: {  	v11 =	vor.u32 v0, v11;
	v12 =	vshrl.u32 v4, $0x4;
	[tilespmem:v6+s15+$0x0] =	vst.idx.add.f32.msk $0xffff, v2;
	v10 =	vor.u32 v0, v18  }
0x130: {  	[tilespmem:v8+s17+$0x0] =	vst.idx.add.f32.msk $0xffff, v2;
	v8 =	vand.u32 $0xFF0, v12;
	v12 =	vshrl.u32 v4, $0xC;
	v10 =	vand.u32 $0xFFF, v10  }
0x131: {  	v4 =	vshrl.u32 v4, $0x14;
	[tilespmem:v5+s18+$0x0] =	vst.idx.add.f32.msk $0xffff, v2;
	v5 =	vand.u32 $0xFF0, v12;
	v8 =	vor.u32 v0, v8  }
0x132: {  	[tilespmem:v9+s16+$0x0] =	vst.idx.add.f32.msk $0xffff, v2;
	v4 =	vand.u32 $0xFF0, v4;
	v5 =	vor.u32 v0, v5  }
0x133: {  	v4 =	vor.u32 v0, v4;
	[tilespmem:v7+s17+$0x0] =	vst.idx.add.f32.msk $0xffff, v2  }
0x134: {  	[tilespmem:v11+s18+$0x0] =	vst.idx.add.f32.msk $0xffff, v2  }
0x135: {  	[tilespmem:v10+s15+$0x0] =	vst.idx.add.f32.msk $0xffff, v2  }
0x136: {  	[tilespmem:v8+s16+$0x0] =	vst.idx.add.f32.msk $0xffff, v2  }
0x137: {  	[tilespmem:v5+s17+$0x0] =	vst.idx.add.f32.msk $0xffff, v2  }
0x138: {  	s23 =	simm.s32 $0x0;
	[tilespmem:v4+s18+$0x0] =	vst.idx.add.f32.msk $0xffff, v2  }
0x139: {  	s24 =	simm.s32 $0x0;
	s25 =	simm.s32 $0x0;
	_ =	swait.ge [sflag:s13], $0x2000  }
0x13a: {  	s24 =	sand.u32 $0x1000, s24;
	s26 =	sand.u32 $0xC00, s23;
	[sflag:s13] =	ssyncset.done $0x0  }
0x13b: {  	s25 =	sand.u32 $0x380, s25;
	s24 =	sor.u32 s26, s24;
	[sflag:s13] =	ssyncadd.s32 $0xFFFFE000  }
0x13c: {  	[tilespmem:s14], [sflag:$0x2] =	stream.linear.gather [hbm4b:s8+s23], $0x2000, $0x38;
	[tilespmem:$0x8100] =	vst v63  }
0x13d: {  	s24 =	sor.u32 s25, s24;
	s23 =	sand.u32 $0x40, s23  }
0x13e: {  	s23 =	sor.u32 s23, s24  }
0x13f: {  	v4 =	vld [tilespmem:s23+$0x30]  }
0x140: {  	v5 =	vld [tilespmem:s23+$0x0];
	_ =	sdelay $0x2  }
0x141: {  	v8 =	vld [tilespmem:s23+$0x10]  }
0x142: {  	v6 =	vshll.u32 v4, $0x4;
	v7 =	vshrl.u32 v4, $0x4;
	v9 =	vshrl.u32 v4, $0xC  }
0x143: {  	s29 =	simm.s32 $0x40;
	v10 =	vld [tilespmem:s23+$0x20];
	s23 =	simm.s32 $0x200;
	v4 =	vshrl.u32 v4, $0x14;
	v11 =	vshll.u32 v5, $0x4;
	v6 =	vor.u32 v0, v6  }
0x144: {  	s30 =	simm.s32 $0x10;
	s24 =	sand.u32 $0x1000, s29;
	s31 =	sand.u32 $0xC00, s23;
	v12 =	vshrl.u32 v5, $0x14;
	v7 =	vand.u32 $0xFF0, v7;
	v6 =	vand.u32 $0xFFF, v6  }
0x145: {  	s25 =	sand.u32 $0x380, s30;
	s26 =	sor.u32 s31, s24;
	s24 =	simm.s32 $0x40;
	v13 =	vshrl.u32 v5, $0x4;
	v9 =	vand.u32 $0xFF0, v9;
	v7 =	vor.u32 v0, v7  }
0x146: {  	s28 =	sand.u32 $0x40, s24;
	s25 =	sor.u32 s25, s26;
	v14 =	vshll.u32 v8, $0x4;
	v11 =	vor.u32 v0, v11;
	v9 =	vor.u32 v0, v9  }
0x147: {  	s25 =	sor.u32 s28, s25;
	v5 =	vshrl.u32 v5, $0xC;
	v4 =	vand.u32 $0xFF0, v4;
	v11 =	vand.u32 $0xFFF, v11  }
0x148: {  	v15 =	vshrl.u32 v8, $0x4;
	v17 =	vld [tilespmem:s25+$0x0];
	v5 =	vand.u32 $0xFF0, v5;
	v4 =	vor.u32 v0, v4  }
0x149: {  	v16 =	vshrl.u32 v8, $0xC;
	v12 =	vand.u32 $0xFF0, v12;
	v5 =	vor.u32 v0, v5;
	[tilespmem:v6+s15+$0x0] =	vst.idx.add.f32.msk $0xffff, v2  }
0x14a: {  	v12 =	vor.u32 v0, v12;
	[tilespmem:v7+s16+$0x0] =	vst.idx.add.f32.msk $0xffff, v2;
	v7 =	vshrl.u32 v8, $0x14;
	v8 =	vshll.u32 v10, $0x4  }
0x14b: {  	v6 =	vor.u32 v0, v14;
	[tilespmem:v9+s17+$0x0] =	vst.idx.add.f32.msk $0xffff, v2;
	v9 =	vor.u32 v0, v8;
	v8 =	vand.u32 $0xFF0, v13  }
0x14c: {  	v14 =	vand.u32 $0xFF0, v15;
	v15 =	vand.u32 $0xFF0, v16;
	[tilespmem:v11+s15+$0x0] =	vst.idx.add.f32.msk $0xffff, v2;
	v11 =	vor.u32 v0, v8  }
0x14d: {  	v19 =	vand.u32 $0xFFF, v6;
	v14 =	vor.u32 v0, v14;
	[tilespmem:v4+s18+$0x0] =	vst.idx.add.f32.msk $0xffff, v2;
	v4 =	vshrl.u32 v10, $0x4  }
0x14e: {  	v16 =	vld [tilespmem:s25+$0x10];
	v8 =	vshrl.u32 v10, $0xC;
	v13 =	vand.u32 $0xFF0, v4;
	v4 =	vshrl.u32 v10, $0x14  }
0x14f: {  	v7 =	vand.u32 $0xFF0, v7;
	v18 =	vand.u32 $0xFF0, v8;
	v10 =	vand.u32 $0xFF0, v4;
	v4 =	vld [tilespmem:s25+$0x20]  }
0x150: {  	v20 =	vor.u32 v0, v13;
	v21 =	vor.u32 v0, v18;
	v8 =	vor.u32 v0, v10;
	v10 =	vld [tilespmem:s25+$0x30]  }
0x151: {  	v6 =	vshll.u32 v17, $0x4;
	v13 =	vor.u32 v0, v7;
	[tilespmem:v11+s16+$0x0] =	vst.idx.add.f32.msk $0xffff, v2;
	v11 =	vor.u32 v0, v15  }
0x152: {  	v7 =	vshrl.u32 v17, $0x4;
	[tilespmem:v19+s15+$0x0] =	vst.idx.add.f32.msk $0xffff, v2;
	v15 =	vand.u32 $0xFFF, v9;
	v9 =	vshrl.u32 v17, $0x14  }
0x153: {  	v18 =	vshrl.u32 v16, $0x4;
	[tilespmem:v5+s17+$0x0] =	vst.idx.add.f32.msk $0xffff, v2;
	v5 =	vand.u32 $0xFF0, v9;
	v9 =	vshll.u32 v16, $0x4  }
0x154: {  	v22 =	vshrl.u32 v16, $0xC;
	[tilespmem:v12+s18+$0x0] =	vst.idx.add.f32.msk $0xffff, v2;
	v12 =	vor.u32 v0, v6;
	v6 =	vor.u32 v0, v9  }
0x155: {  	[tilespmem:v14+s16+$0x0] =	vst.idx.add.f32.msk $0xffff, v2;
	v9 =	vshll.u32 v10, $0x4;
	v19 =	vshrl.u32 v10, $0x4;
	v23 =	vshrl.u32 v10, $0xC  }
0x156: {  	v10 =	vshrl.u32 v10, $0x14;
	v14 =	vor.u32 v0, v9;
	v19 =	vand.u32 $0xFF0, v19;
	[tilespmem:v11+s17+$0x0] =	vst.idx.add.f32.msk $0xffff, v2  }
0x157: {  	v9 =	vand.u32 $0xFF0, v18;
	v24 =	vand.u32 $0xFF0, v10;
	v14 =	vand.u32 $0xFFF, v14;
	[tilespmem:v15+s15+$0x0] =	vst.idx.add.f32.msk $0xffff, v2  }
0x158: {  	v10 =	vand.u32 $0xFF0, v22;
	v11 =	vand.u32 $0xFF0, v23;
	[tilespmem:v13+s18+$0x0] =	vst.idx.add.f32.msk $0xffff, v2;
	v13 =	vor.u32 v0, v19  }
0x159: {  	v18 =	vshll.u32 v4, $0x4;
	v19 =	vshrl.u32 v16, $0x14;
	v16 =	vor.u32 v0, v11;
	[tilespmem:v20+s16+$0x0] =	vst.idx.add.f32.msk $0xffff, v2  }
0x15a: {  	s25 =	simm.s32 $0x4;
	v15 =	vshrl.u32 v17, $0xC;
	v17 =	vor.u32 v0, v24;
	v11 =	vand.u32 $0xFF0, v19;
	[tilespmem:v21+s17+$0x0] =	vst.idx.add.f32.msk $0xffff, v2  }
.LBB2_12:
0x15b: {  	s25 =	sadd.s32 $0x4, s25;
	v12 =	vand.u32 $0xFFF, v12;
	v18 =	vor.u32 v0, v18;
	v19 =	vshrl.u32 v4, $0x4;
	[tilespmem:v8+s18+$0x0] =	vst.idx.add.f32.msk $0xffff, v2  }
0x15c: {  	v8 =	vshrl.u32 v4, $0xC;
	v4 =	vshrl.u32 v4, $0x14;
	s23 =	sadd.s32 $0x200, s23;
	s26 =	sshll.u32 s25, $0x4;
	s28 =	sshll.u32 s25, $0x2;
	v19 =	vand.u32 $0xFF0, v19;
	[tilespmem:v14+s15+$0x0] =	vst.idx.add.f32.msk $0xffff, v2  }
0x15d: {  	s29 =	sand.u32 $0xC00, s23;
	p0 =	slt.u32 s25, $0x1FC;
	v14 =	vand.u32 $0xFF0, v8;
	v8 =	vand.u32 $0xFF0, v4;
	s26 =	sand.u32 $0x1000, s26;
	[tilespmem:v13+s16+$0x0] =	vst.idx.add.f32.msk $0xffff, v2  }
0x15e: {  	s24 =	sadd.s32 $0x40, s24;
	s28 =	sand.u32 $0x380, s28;
	s26 =	sor.u32 s29, s26;
	[tilespmem:v16+s17+$0x0] =	vst.idx.add.f32.msk $0xffff, v2  }
0x15f: {  	v4 =	vand.u32 $0xFF0, v7;
	s29 =	sand.u32 $0x40, s24;
	s26 =	sor.u32 s28, s26;
	[tilespmem:v17+s18+$0x0] =	vst.idx.add.f32.msk $0xffff, v2  }
0x160: {  	v7 =	vor.u32 v0, v4;
	v4 =	vand.u32 $0xFF0, v15;
	s26 =	sor.u32 s29, s26;
	[tilespmem:v12+s15+$0x0] =	vst.idx.add.f32.msk $0xffff, v2  }
0x161: {  	v12 =	vor.u32 v0, v4;
	v15 =	vld [tilespmem:s26+$0x0]  }
0x162: {  	v13 =	vor.u32 v0, v5;
	v16 =	vld [tilespmem:s26+$0x10]  }
0x163: {  	v8 =	vor.u32 v0, v8;
	v17 =	vand.u32 $0xFFF, v6;
	v4 =	vld [tilespmem:s26+$0x20]  }
0x164: {  	v9 =	vor.u32 v0, v9;
	v19 =	vor.u32 v0, v19;
	v21 =	vor.u32 v0, v14;
	v20 =	vld [tilespmem:s26+$0x30]  }
0x165: {  	v10 =	vor.u32 v0, v10;
	v11 =	vor.u32 v0, v11;
	v18 =	vand.u32 $0xFFF, v18;
	[tilespmem:v7+s16+$0x0] =	vst.idx.add.f32.msk $0xffff, v2  }
0x166: {  	v6 =	vshll.u32 v15, $0x4;
	v7 =	vshrl.u32 v15, $0x4;
	v5 =	vshrl.u32 v15, $0x14;
	[tilespmem:v12+s17+$0x0] =	vst.idx.add.f32.msk $0xffff, v2  }
0x167: {  	v5 =	vand.u32 $0xFF0, v5;
	v14 =	vshll.u32 v16, $0x4;
	v22 =	vshrl.u32 v16, $0x4;
	[tilespmem:v13+s18+$0x0] =	vst.idx.add.f32.msk $0xffff, v2  }
0x168: {  	v12 =	vor.u32 v0, v6;
	v13 =	vshrl.u32 v16, $0xC;
	v6 =	vor.u32 v0, v14;
	[tilespmem:v17+s15+$0x0] =	vst.idx.add.f32.msk $0xffff, v2  }
0x169: {  	v14 =	vshll.u32 v20, $0x4;
	v17 =	vshrl.u32 v20, $0x4;
	v23 =	vshrl.u32 v20, $0xC;
	[tilespmem:v9+s16+$0x0] =	vst.idx.add.f32.msk $0xffff, v2  }
.Ltmp5:
0x16a: {  	v20 =	vshrl.u32 v20, $0x14;
	v14 =	vor.u32 v0, v14;
	v17 =	vand.u32 $0xFF0, v17;
	[tilespmem:v10+s17+$0x0] =	vst.idx.add.f32.msk $0xffff, v2;
	(pc) =	sbr.rel @p0 .LBB2_12-.Ltmp5, $4  }
0x16b: {  	v9 =	vand.u32 $0xFF0, v22;
	v20 =	vand.u32 $0xFF0, v20;
	v14 =	vand.u32 $0xFFF, v14;
	[tilespmem:v11+s18+$0x0] =	vst.idx.add.f32.msk $0xffff, v2  }
0x16c: {  	v10 =	vand.u32 $0xFF0, v13;
	v13 =	vor.u32 v0, v17;
	v11 =	vand.u32 $0xFF0, v23;
	[tilespmem:v18+s15+$0x0] =	vst.idx.add.f32.msk $0xffff, v2  }
0x16d: {  	v17 =	vshrl.u32 v16, $0x14;
	v18 =	vshll.u32 v4, $0x4;
	v16 =	vor.u32 v0, v11;
	[tilespmem:v19+s16+$0x0] =	vst.idx.add.f32.msk $0xffff, v2  }
0x16e: {  	v15 =	vshrl.u32 v15, $0xC;
	v11 =	vand.u32 $0xFF0, v17;
	v17 =	vor.u32 v0, v20;
	[tilespmem:v21+s17+$0x0] =	vst.idx.add.f32.msk $0xffff, v2  }
0x16f: {  	_ =	sdelay $0x3  }
0x170: {  	v12 =	vand.u32 $0xFFF, v12;
	[tilespmem:v8+s18+$0x0] =	vst.idx.add.f32.msk $0xffff, v2;
	v7 =	vand.u32 $0xFF0, v7  }
0x171: {  	[tilespmem:v14+s15+$0x0] =	vst.idx.add.f32.msk $0xffff, v2;
	v7 =	vor.u32 v0, v7  }
0x172: {  	v8 =	vand.u32 $0xFF0, v15;
	v6 =	vand.u32 $0xFFF, v6;
	[tilespmem:v13+s16+$0x0] =	vst.idx.add.f32.msk $0xffff, v2  }
0x173: {  	v8 =	vor.u32 v0, v8;
	[tilespmem:v16+s17+$0x0] =	vst.idx.add.f32.msk $0xffff, v2  }
0x174: {  	v5 =	vor.u32 v0, v5;
	[tilespmem:v17+s18+$0x0] =	vst.idx.add.f32.msk $0xffff, v2  }
0x175: {  	v9 =	vor.u32 v0, v9;
	[tilespmem:v12+s15+$0x0] =	vst.idx.add.f32.msk $0xffff, v2  }
0x176: {  	[tilespmem:v7+s16+$0x0] =	vst.idx.add.f32.msk $0xffff, v2;
	v7 =	vor.u32 v0, v10  }
0x177: {  	v11 =	vor.u32 v0, v11;
	v12 =	vshrl.u32 v4, $0x4;
	[tilespmem:v6+s15+$0x0] =	vst.idx.add.f32.msk $0xffff, v2;
	v10 =	vor.u32 v0, v18  }
0x178: {  	[tilespmem:v8+s17+$0x0] =	vst.idx.add.f32.msk $0xffff, v2;
	v8 =	vand.u32 $0xFF0, v12;
	v12 =	vshrl.u32 v4, $0xC;
	v10 =	vand.u32 $0xFFF, v10  }
0x179: {  	v4 =	vshrl.u32 v4, $0x14;
	[tilespmem:v5+s18+$0x0] =	vst.idx.add.f32.msk $0xffff, v2;
	v5 =	vand.u32 $0xFF0, v12;
	v8 =	vor.u32 v0, v8  }
0x17a: {  	[tilespmem:v9+s16+$0x0] =	vst.idx.add.f32.msk $0xffff, v2;
	v4 =	vand.u32 $0xFF0, v4;
	v5 =	vor.u32 v0, v5  }
0x17b: {  	v4 =	vor.u32 v0, v4;
	[tilespmem:v7+s17+$0x0] =	vst.idx.add.f32.msk $0xffff, v2  }
0x17c: {  	[tilespmem:v11+s18+$0x0] =	vst.idx.add.f32.msk $0xffff, v2  }
0x17d: {  	[tilespmem:v10+s15+$0x0] =	vst.idx.add.f32.msk $0xffff, v2  }
0x17e: {  	[tilespmem:v8+s16+$0x0] =	vst.idx.add.f32.msk $0xffff, v2  }
0x17f: {  	[tilespmem:v5+s17+$0x0] =	vst.idx.add.f32.msk $0xffff, v2  }
0x180: {  	s23 =	simm.s32 $0x0;
	[tilespmem:v4+s18+$0x0] =	vst.idx.add.f32.msk $0xffff, v2  }
0x181: {  	s24 =	simm.s32 $0x0;
	s25 =	simm.s32 $0x0;
	_ =	swait.ge [sflag:s19], $0x2000  }
0x182: {  	s24 =	sand.u32 $0x1000, s24;
	s26 =	sand.u32 $0xC00, s23;
	[sflag:s19] =	ssyncset.done $0x0  }
0x183: {  	s25 =	sand.u32 $0x380, s25;
	s24 =	sor.u32 s26, s24;
	[sflag:s19] =	ssyncadd.s32 $0xFFFFE000  }
0x184: {  	[tilespmem:s23], [sflag:$0x1] =	stream.linear.gather [hbm4b:s9+s23], $0x2000, $0x38;
	[tilespmem:$0x8100] =	vst v63  }
0x185: {  	s24 =	sor.u32 s25, s24;
	s23 =	sand.u32 $0x40, s23  }
0x186: {  	s23 =	sor.u32 s23, s24  }
0x187: {  	v4 =	vld [tilespmem:s23+$0x2030]  }
0x188: {  	v5 =	vld [tilespmem:s23+$0x2000];
	_ =	sdelay $0x2  }
0x189: {  	v8 =	vld [tilespmem:s23+$0x2010]  }
0x18a: {  	v6 =	vshll.u32 v4, $0x4;
	v7 =	vshrl.u32 v4, $0x4;
	v9 =	vshrl.u32 v4, $0xC  }
0x18b: {  	s29 =	simm.s32 $0x40;
	v10 =	vld [tilespmem:s23+$0x2020];
	s23 =	simm.s32 $0x200;
	v4 =	vshrl.u32 v4, $0x14;
	v11 =	vshll.u32 v5, $0x4;
	v6 =	vor.u32 v0, v6  }
0x18c: {  	s30 =	simm.s32 $0x10;
	s24 =	sand.u32 $0x1000, s29;
	s31 =	sand.u32 $0xC00, s23;
	v12 =	vshrl.u32 v5, $0x14;
	v7 =	vand.u32 $0xFF0, v7;
	v6 =	vand.u32 $0xFFF, v6  }
0x18d: {  	s25 =	sand.u32 $0x380, s30;
	s26 =	sor.u32 s31, s24;
	s24 =	simm.s32 $0x40;
	v13 =	vshrl.u32 v5, $0x4;
	v9 =	vand.u32 $0xFF0, v9;
	v7 =	vor.u32 v0, v7  }
0x18e: {  	s28 =	sand.u32 $0x40, s24;
	s25 =	sor.u32 s25, s26;
	v14 =	vshll.u32 v8, $0x4;
	v11 =	vor.u32 v0, v11;
	v9 =	vor.u32 v0, v9  }
0x18f: {  	s25 =	sor.u32 s28, s25;
	v5 =	vshrl.u32 v5, $0xC;
	v4 =	vand.u32 $0xFF0, v4;
	v11 =	vand.u32 $0xFFF, v11  }
0x190: {  	v15 =	vshrl.u32 v8, $0x4;
	v17 =	vld [tilespmem:s25+$0x2000];
	v5 =	vand.u32 $0xFF0, v5;
	v4 =	vor.u32 v0, v4  }
0x191: {  	v16 =	vshrl.u32 v8, $0xC;
	v12 =	vand.u32 $0xFF0, v12;
	v5 =	vor.u32 v0, v5;
	[tilespmem:v6+s15+$0x0] =	vst.idx.add.f32.msk $0xffff, v2  }
0x192: {  	v12 =	vor.u32 v0, v12;
	[tilespmem:v7+s16+$0x0] =	vst.idx.add.f32.msk $0xffff, v2;
	v7 =	vshrl.u32 v8, $0x14;
	v8 =	vshll.u32 v10, $0x4  }
0x193: {  	v6 =	vor.u32 v0, v14;
	[tilespmem:v9+s17+$0x0] =	vst.idx.add.f32.msk $0xffff, v2;
	v9 =	vor.u32 v0, v8;
	v8 =	vand.u32 $0xFF0, v13  }
0x194: {  	v14 =	vand.u32 $0xFF0, v15;
	v15 =	vand.u32 $0xFF0, v16;
	[tilespmem:v11+s15+$0x0] =	vst.idx.add.f32.msk $0xffff, v2;
	v11 =	vor.u32 v0, v8  }
0x195: {  	v19 =	vand.u32 $0xFFF, v6;
	v14 =	vor.u32 v0, v14;
	[tilespmem:v4+s18+$0x0] =	vst.idx.add.f32.msk $0xffff, v2;
	v4 =	vshrl.u32 v10, $0x4  }
0x196: {  	v16 =	vld [tilespmem:s25+$0x2010];
	v8 =	vshrl.u32 v10, $0xC;
	v13 =	vand.u32 $0xFF0, v4;
	v4 =	vshrl.u32 v10, $0x14  }
0x197: {  	v7 =	vand.u32 $0xFF0, v7;
	v18 =	vand.u32 $0xFF0, v8;
	v10 =	vand.u32 $0xFF0, v4;
	v4 =	vld [tilespmem:s25+$0x2020]  }
0x198: {  	v20 =	vor.u32 v0, v13;
	v21 =	vor.u32 v0, v18;
	v8 =	vor.u32 v0, v10;
	v10 =	vld [tilespmem:s25+$0x2030]  }
0x199: {  	v6 =	vshll.u32 v17, $0x4;
	v13 =	vor.u32 v0, v7;
	[tilespmem:v11+s16+$0x0] =	vst.idx.add.f32.msk $0xffff, v2;
	v11 =	vor.u32 v0, v15  }
0x19a: {  	v7 =	vshrl.u32 v17, $0x4;
	[tilespmem:v19+s15+$0x0] =	vst.idx.add.f32.msk $0xffff, v2;
	v15 =	vand.u32 $0xFFF, v9;
	v9 =	vshrl.u32 v17, $0x14  }
0x19b: {  	v18 =	vshrl.u32 v16, $0x4;
	[tilespmem:v5+s17+$0x0] =	vst.idx.add.f32.msk $0xffff, v2;
	v5 =	vand.u32 $0xFF0, v9;
	v9 =	vshll.u32 v16, $0x4  }
0x19c: {  	v22 =	vshrl.u32 v16, $0xC;
	[tilespmem:v12+s18+$0x0] =	vst.idx.add.f32.msk $0xffff, v2;
	v12 =	vor.u32 v0, v6;
	v6 =	vor.u32 v0, v9  }
0x19d: {  	[tilespmem:v14+s16+$0x0] =	vst.idx.add.f32.msk $0xffff, v2;
	v9 =	vshll.u32 v10, $0x4;
	v19 =	vshrl.u32 v10, $0x4;
	v23 =	vshrl.u32 v10, $0xC  }
0x19e: {  	v10 =	vshrl.u32 v10, $0x14;
	v14 =	vor.u32 v0, v9;
	v19 =	vand.u32 $0xFF0, v19;
	[tilespmem:v11+s17+$0x0] =	vst.idx.add.f32.msk $0xffff, v2  }
0x19f: {  	v9 =	vand.u32 $0xFF0, v18;
	v24 =	vand.u32 $0xFF0, v10;
	v14 =	vand.u32 $0xFFF, v14;
	[tilespmem:v15+s15+$0x0] =	vst.idx.add.f32.msk $0xffff, v2  }
0x1a0: {  	v10 =	vand.u32 $0xFF0, v22;
	v11 =	vand.u32 $0xFF0, v23;
	[tilespmem:v13+s18+$0x0] =	vst.idx.add.f32.msk $0xffff, v2;
	v13 =	vor.u32 v0, v19  }
0x1a1: {  	v18 =	vshll.u32 v4, $0x4;
	v19 =	vshrl.u32 v16, $0x14;
	v16 =	vor.u32 v0, v11;
	[tilespmem:v20+s16+$0x0] =	vst.idx.add.f32.msk $0xffff, v2  }
0x1a2: {  	s25 =	simm.s32 $0x4;
	v15 =	vshrl.u32 v17, $0xC;
	v17 =	vor.u32 v0, v24;
	v11 =	vand.u32 $0xFF0, v19;
	[tilespmem:v21+s17+$0x0] =	vst.idx.add.f32.msk $0xffff, v2  }
.LBB2_14:
0x1a3: {  	s25 =	sadd.s32 $0x4, s25;
	v12 =	vand.u32 $0xFFF, v12;
	v18 =	vor.u32 v0, v18;
	v19 =	vshrl.u32 v4, $0x4;
	[tilespmem:v8+s18+$0x0] =	vst.idx.add.f32.msk $0xffff, v2  }
0x1a4: {  	v8 =	vshrl.u32 v4, $0xC;
	v4 =	vshrl.u32 v4, $0x14;
	s23 =	sadd.s32 $0x200, s23;
	s26 =	sshll.u32 s25, $0x4;
	s28 =	sshll.u32 s25, $0x2;
	v19 =	vand.u32 $0xFF0, v19;
	[tilespmem:v14+s15+$0x0] =	vst.idx.add.f32.msk $0xffff, v2  }
0x1a5: {  	s29 =	sand.u32 $0xC00, s23;
	p0 =	slt.u32 s25, $0x1FC;
	v14 =	vand.u32 $0xFF0, v8;
	v8 =	vand.u32 $0xFF0, v4;
	s26 =	sand.u32 $0x1000, s26;
	[tilespmem:v13+s16+$0x0] =	vst.idx.add.f32.msk $0xffff, v2  }
0x1a6: {  	s24 =	sadd.s32 $0x40, s24;
	s28 =	sand.u32 $0x380, s28;
	s26 =	sor.u32 s29, s26;
	[tilespmem:v16+s17+$0x0] =	vst.idx.add.f32.msk $0xffff, v2  }
0x1a7: {  	v4 =	vand.u32 $0xFF0, v7;
	s29 =	sand.u32 $0x40, s24;
	s26 =	sor.u32 s28, s26;
	[tilespmem:v17+s18+$0x0] =	vst.idx.add.f32.msk $0xffff, v2  }
0x1a8: {  	v7 =	vor.u32 v0, v4;
	v4 =	vand.u32 $0xFF0, v15;
	s26 =	sor.u32 s29, s26;
	[tilespmem:v12+s15+$0x0] =	vst.idx.add.f32.msk $0xffff, v2  }
0x1a9: {  	v12 =	vor.u32 v0, v4;
	v15 =	vld [tilespmem:s26+$0x2000]  }
0x1aa: {  	v13 =	vor.u32 v0, v5;
	v16 =	vld [tilespmem:s26+$0x2010]  }
0x1ab: {  	v8 =	vor.u32 v0, v8;
	v17 =	vand.u32 $0xFFF, v6;
	v4 =	vld [tilespmem:s26+$0x2020]  }
0x1ac: {  	v9 =	vor.u32 v0, v9;
	v19 =	vor.u32 v0, v19;
	v21 =	vor.u32 v0, v14;
	v20 =	vld [tilespmem:s26+$0x2030]  }
0x1ad: {  	v10 =	vor.u32 v0, v10;
	v11 =	vor.u32 v0, v11;
	v18 =	vand.u32 $0xFFF, v18;
	[tilespmem:v7+s16+$0x0] =	vst.idx.add.f32.msk $0xffff, v2  }
0x1ae: {  	v6 =	vshll.u32 v15, $0x4;
	v7 =	vshrl.u32 v15, $0x4;
	v5 =	vshrl.u32 v15, $0x14;
	[tilespmem:v12+s17+$0x0] =	vst.idx.add.f32.msk $0xffff, v2  }
0x1af: {  	v5 =	vand.u32 $0xFF0, v5;
	v14 =	vshll.u32 v16, $0x4;
	v22 =	vshrl.u32 v16, $0x4;
	[tilespmem:v13+s18+$0x0] =	vst.idx.add.f32.msk $0xffff, v2  }
0x1b0: {  	v12 =	vor.u32 v0, v6;
	v13 =	vshrl.u32 v16, $0xC;
	v6 =	vor.u32 v0, v14;
	[tilespmem:v17+s15+$0x0] =	vst.idx.add.f32.msk $0xffff, v2  }
0x1b1: {  	v14 =	vshll.u32 v20, $0x4;
	v17 =	vshrl.u32 v20, $0x4;
	v23 =	vshrl.u32 v20, $0xC;
	[tilespmem:v9+s16+$0x0] =	vst.idx.add.f32.msk $0xffff, v2  }
.Ltmp6:
0x1b2: {  	v20 =	vshrl.u32 v20, $0x14;
	v14 =	vor.u32 v0, v14;
	v17 =	vand.u32 $0xFF0, v17;
	[tilespmem:v10+s17+$0x0] =	vst.idx.add.f32.msk $0xffff, v2;
	(pc) =	sbr.rel @p0 .LBB2_14-.Ltmp6, $4  }
0x1b3: {  	v9 =	vand.u32 $0xFF0, v22;
	v20 =	vand.u32 $0xFF0, v20;
	v14 =	vand.u32 $0xFFF, v14;
	[tilespmem:v11+s18+$0x0] =	vst.idx.add.f32.msk $0xffff, v2  }
0x1b4: {  	v10 =	vand.u32 $0xFF0, v13;
	v13 =	vor.u32 v0, v17;
	v11 =	vand.u32 $0xFF0, v23;
	[tilespmem:v18+s15+$0x0] =	vst.idx.add.f32.msk $0xffff, v2  }
0x1b5: {  	v17 =	vshrl.u32 v16, $0x14;
	v18 =	vshll.u32 v4, $0x4;
	v16 =	vor.u32 v0, v11;
	[tilespmem:v19+s16+$0x0] =	vst.idx.add.f32.msk $0xffff, v2  }
0x1b6: {  	v15 =	vshrl.u32 v15, $0xC;
	v11 =	vand.u32 $0xFF0, v17;
	v17 =	vor.u32 v0, v20;
	[tilespmem:v21+s17+$0x0] =	vst.idx.add.f32.msk $0xffff, v2  }
0x1b7: {  	_ =	sdelay $0x3  }
0x1b8: {  	v12 =	vand.u32 $0xFFF, v12;
	[tilespmem:v8+s18+$0x0] =	vst.idx.add.f32.msk $0xffff, v2;
	v7 =	vand.u32 $0xFF0, v7  }
0x1b9: {  	[tilespmem:v14+s15+$0x0] =	vst.idx.add.f32.msk $0xffff, v2;
	v7 =	vor.u32 v0, v7  }
0x1ba: {  	v8 =	vand.u32 $0xFF0, v15;
	v6 =	vand.u32 $0xFFF, v6;
	[tilespmem:v13+s16+$0x0] =	vst.idx.add.f32.msk $0xffff, v2  }
0x1bb: {  	v8 =	vor.u32 v0, v8;
	[tilespmem:v16+s17+$0x0] =	vst.idx.add.f32.msk $0xffff, v2  }
0x1bc: {  	v5 =	vor.u32 v0, v5;
	[tilespmem:v17+s18+$0x0] =	vst.idx.add.f32.msk $0xffff, v2  }
0x1bd: {  	v9 =	vor.u32 v0, v9;
	[tilespmem:v12+s15+$0x0] =	vst.idx.add.f32.msk $0xffff, v2  }
0x1be: {  	[tilespmem:v7+s16+$0x0] =	vst.idx.add.f32.msk $0xffff, v2;
	v7 =	vor.u32 v0, v10  }
0x1bf: {  	v11 =	vor.u32 v0, v11;
	v12 =	vshrl.u32 v4, $0x4;
	[tilespmem:v6+s15+$0x0] =	vst.idx.add.f32.msk $0xffff, v2;
	v10 =	vor.u32 v0, v18  }
0x1c0: {  	[tilespmem:v8+s17+$0x0] =	vst.idx.add.f32.msk $0xffff, v2;
	v8 =	vand.u32 $0xFF0, v12;
	v12 =	vshrl.u32 v4, $0xC;
	v10 =	vand.u32 $0xFFF, v10  }
0x1c1: {  	v4 =	vshrl.u32 v4, $0x14;
	[tilespmem:v5+s18+$0x0] =	vst.idx.add.f32.msk $0xffff, v2;
	v5 =	vand.u32 $0xFF0, v12;
	v8 =	vor.u32 v0, v8  }
0x1c2: {  	[tilespmem:v9+s16+$0x0] =	vst.idx.add.f32.msk $0xffff, v2;
	v4 =	vand.u32 $0xFF0, v4;
	v5 =	vor.u32 v0, v5  }
0x1c3: {  	v4 =	vor.u32 v0, v4;
	[tilespmem:v7+s17+$0x0] =	vst.idx.add.f32.msk $0xffff, v2  }
0x1c4: {  	[tilespmem:v11+s18+$0x0] =	vst.idx.add.f32.msk $0xffff, v2  }
0x1c5: {  	[tilespmem:v10+s15+$0x0] =	vst.idx.add.f32.msk $0xffff, v2  }
0x1c6: {  	[tilespmem:v8+s16+$0x0] =	vst.idx.add.f32.msk $0xffff, v2  }
0x1c7: {  	[tilespmem:v5+s17+$0x0] =	vst.idx.add.f32.msk $0xffff, v2  }
0x1c8: {  	s23 =	simm.s32 $0x0;
	[tilespmem:v4+s18+$0x0] =	vst.idx.add.f32.msk $0xffff, v2  }
0x1c9: {  	s24 =	simm.s32 $0x0;
	s25 =	simm.s32 $0x0;
	_ =	swait.ge [sflag:s13], $0x2000  }
0x1ca: {  	s24 =	sand.u32 $0x1000, s24;
	s26 =	sand.u32 $0xC00, s23;
	[sflag:s13] =	ssyncset.done $0x0  }
0x1cb: {  	s25 =	sand.u32 $0x380, s25;
	s24 =	sor.u32 s26, s24;
	[sflag:s13] =	ssyncadd.s32 $0xFFFFE000  }
0x1cc: {  	[tilespmem:s14], [sflag:$0x2] =	stream.linear.gather [hbm4b:s10+s23], $0x2000, $0x38;
	[tilespmem:$0x8100] =	vst v63  }
0x1cd: {  	s24 =	sor.u32 s25, s24;
	s23 =	sand.u32 $0x40, s23  }
0x1ce: {  	s23 =	sor.u32 s23, s24  }
0x1cf: {  	v4 =	vld [tilespmem:s23+$0x30]  }
0x1d0: {  	v5 =	vld [tilespmem:s23+$0x0];
	_ =	sdelay $0x2  }
0x1d1: {  	v8 =	vld [tilespmem:s23+$0x10]  }
0x1d2: {  	v6 =	vshll.u32 v4, $0x4;
	v7 =	vshrl.u32 v4, $0x4;
	v9 =	vshrl.u32 v4, $0xC  }
0x1d3: {  	s29 =	simm.s32 $0x40;
	v10 =	vld [tilespmem:s23+$0x20];
	s23 =	simm.s32 $0x200;
	v4 =	vshrl.u32 v4, $0x14;
	v11 =	vshll.u32 v5, $0x4;
	v6 =	vor.u32 v0, v6  }
0x1d4: {  	s30 =	simm.s32 $0x10;
	s24 =	sand.u32 $0x1000, s29;
	s31 =	sand.u32 $0xC00, s23;
	v12 =	vshrl.u32 v5, $0x14;
	v7 =	vand.u32 $0xFF0, v7;
	v6 =	vand.u32 $0xFFF, v6  }
0x1d5: {  	s25 =	sand.u32 $0x380, s30;
	s26 =	sor.u32 s31, s24;
	s24 =	simm.s32 $0x40;
	v13 =	vshrl.u32 v5, $0x4;
	v9 =	vand.u32 $0xFF0, v9;
	v7 =	vor.u32 v0, v7  }
0x1d6: {  	s28 =	sand.u32 $0x40, s24;
	s25 =	sor.u32 s25, s26;
	v14 =	vshll.u32 v8, $0x4;
	v11 =	vor.u32 v0, v11;
	v9 =	vor.u32 v0, v9  }
0x1d7: {  	s25 =	sor.u32 s28, s25;
	v5 =	vshrl.u32 v5, $0xC;
	v4 =	vand.u32 $0xFF0, v4;
	v11 =	vand.u32 $0xFFF, v11  }
0x1d8: {  	v15 =	vshrl.u32 v8, $0x4;
	v17 =	vld [tilespmem:s25+$0x0];
	v5 =	vand.u32 $0xFF0, v5;
	v4 =	vor.u32 v0, v4  }
0x1d9: {  	v16 =	vshrl.u32 v8, $0xC;
	v12 =	vand.u32 $0xFF0, v12;
	v5 =	vor.u32 v0, v5;
	[tilespmem:v6+s15+$0x0] =	vst.idx.add.f32.msk $0xffff, v2  }
0x1da: {  	v12 =	vor.u32 v0, v12;
	[tilespmem:v7+s16+$0x0] =	vst.idx.add.f32.msk $0xffff, v2;
	v7 =	vshrl.u32 v8, $0x14;
	v8 =	vshll.u32 v10, $0x4  }
0x1db: {  	v6 =	vor.u32 v0, v14;
	[tilespmem:v9+s17+$0x0] =	vst.idx.add.f32.msk $0xffff, v2;
	v9 =	vor.u32 v0, v8;
	v8 =	vand.u32 $0xFF0, v13  }
0x1dc: {  	v14 =	vand.u32 $0xFF0, v15;
	v15 =	vand.u32 $0xFF0, v16;
	[tilespmem:v11+s15+$0x0] =	vst.idx.add.f32.msk $0xffff, v2;
	v11 =	vor.u32 v0, v8  }
0x1dd: {  	v19 =	vand.u32 $0xFFF, v6;
	v14 =	vor.u32 v0, v14;
	[tilespmem:v4+s18+$0x0] =	vst.idx.add.f32.msk $0xffff, v2;
	v4 =	vshrl.u32 v10, $0x4  }
0x1de: {  	v16 =	vld [tilespmem:s25+$0x10];
	v8 =	vshrl.u32 v10, $0xC;
	v13 =	vand.u32 $0xFF0, v4;
	v4 =	vshrl.u32 v10, $0x14  }
0x1df: {  	v7 =	vand.u32 $0xFF0, v7;
	v18 =	vand.u32 $0xFF0, v8;
	v10 =	vand.u32 $0xFF0, v4;
	v4 =	vld [tilespmem:s25+$0x20]  }
0x1e0: {  	v20 =	vor.u32 v0, v13;
	v21 =	vor.u32 v0, v18;
	v8 =	vor.u32 v0, v10;
	v10 =	vld [tilespmem:s25+$0x30]  }
0x1e1: {  	v6 =	vshll.u32 v17, $0x4;
	v13 =	vor.u32 v0, v7;
	[tilespmem:v11+s16+$0x0] =	vst.idx.add.f32.msk $0xffff, v2;
	v11 =	vor.u32 v0, v15  }
0x1e2: {  	v7 =	vshrl.u32 v17, $0x4;
	[tilespmem:v19+s15+$0x0] =	vst.idx.add.f32.msk $0xffff, v2;
	v15 =	vand.u32 $0xFFF, v9;
	v9 =	vshrl.u32 v17, $0x14  }
0x1e3: {  	v18 =	vshrl.u32 v16, $0x4;
	[tilespmem:v5+s17+$0x0] =	vst.idx.add.f32.msk $0xffff, v2;
	v5 =	vand.u32 $0xFF0, v9;
	v9 =	vshll.u32 v16, $0x4  }
0x1e4: {  	v22 =	vshrl.u32 v16, $0xC;
	[tilespmem:v12+s18+$0x0] =	vst.idx.add.f32.msk $0xffff, v2;
	v12 =	vor.u32 v0, v6;
	v6 =	vor.u32 v0, v9  }
0x1e5: {  	[tilespmem:v14+s16+$0x0] =	vst.idx.add.f32.msk $0xffff, v2;
	v9 =	vshll.u32 v10, $0x4;
	v19 =	vshrl.u32 v10, $0x4;
	v23 =	vshrl.u32 v10, $0xC  }
0x1e6: {  	v10 =	vshrl.u32 v10, $0x14;
	v14 =	vor.u32 v0, v9;
	v19 =	vand.u32 $0xFF0, v19;
	[tilespmem:v11+s17+$0x0] =	vst.idx.add.f32.msk $0xffff, v2  }
0x1e7: {  	v9 =	vand.u32 $0xFF0, v18;
	v24 =	vand.u32 $0xFF0, v10;
	v14 =	vand.u32 $0xFFF, v14;
	[tilespmem:v15+s15+$0x0] =	vst.idx.add.f32.msk $0xffff, v2  }
0x1e8: {  	v10 =	vand.u32 $0xFF0, v22;
	v11 =	vand.u32 $0xFF0, v23;
	[tilespmem:v13+s18+$0x0] =	vst.idx.add.f32.msk $0xffff, v2;
	v13 =	vor.u32 v0, v19  }
0x1e9: {  	v18 =	vshll.u32 v4, $0x4;
	v19 =	vshrl.u32 v16, $0x14;
	v16 =	vor.u32 v0, v11;
	[tilespmem:v20+s16+$0x0] =	vst.idx.add.f32.msk $0xffff, v2  }
0x1ea: {  	s25 =	simm.s32 $0x4;
	v15 =	vshrl.u32 v17, $0xC;
	v17 =	vor.u32 v0, v24;
	v11 =	vand.u32 $0xFF0, v19;
	[tilespmem:v21+s17+$0x0] =	vst.idx.add.f32.msk $0xffff, v2  }
.LBB2_16:
0x1eb: {  	s25 =	sadd.s32 $0x4, s25;
	v12 =	vand.u32 $0xFFF, v12;
	v18 =	vor.u32 v0, v18;
	v19 =	vshrl.u32 v4, $0x4;
	[tilespmem:v8+s18+$0x0] =	vst.idx.add.f32.msk $0xffff, v2  }
0x1ec: {  	v8 =	vshrl.u32 v4, $0xC;
	v4 =	vshrl.u32 v4, $0x14;
	s23 =	sadd.s32 $0x200, s23;
	s26 =	sshll.u32 s25, $0x4;
	s28 =	sshll.u32 s25, $0x2;
	v19 =	vand.u32 $0xFF0, v19;
	[tilespmem:v14+s15+$0x0] =	vst.idx.add.f32.msk $0xffff, v2  }
0x1ed: {  	s29 =	sand.u32 $0xC00, s23;
	p0 =	slt.u32 s25, $0x1FC;
	v14 =	vand.u32 $0xFF0, v8;
	v8 =	vand.u32 $0xFF0, v4;
	s26 =	sand.u32 $0x1000, s26;
	[tilespmem:v13+s16+$0x0] =	vst.idx.add.f32.msk $0xffff, v2  }
0x1ee: {  	s24 =	sadd.s32 $0x40, s24;
	s28 =	sand.u32 $0x380, s28;
	s26 =	sor.u32 s29, s26;
	[tilespmem:v16+s17+$0x0] =	vst.idx.add.f32.msk $0xffff, v2  }
0x1ef: {  	v4 =	vand.u32 $0xFF0, v7;
	s29 =	sand.u32 $0x40, s24;
	s26 =	sor.u32 s28, s26;
	[tilespmem:v17+s18+$0x0] =	vst.idx.add.f32.msk $0xffff, v2  }
0x1f0: {  	v7 =	vor.u32 v0, v4;
	v4 =	vand.u32 $0xFF0, v15;
	s26 =	sor.u32 s29, s26;
	[tilespmem:v12+s15+$0x0] =	vst.idx.add.f32.msk $0xffff, v2  }
0x1f1: {  	v12 =	vor.u32 v0, v4;
	v15 =	vld [tilespmem:s26+$0x0]  }
0x1f2: {  	v13 =	vor.u32 v0, v5;
	v16 =	vld [tilespmem:s26+$0x10]  }
0x1f3: {  	v8 =	vor.u32 v0, v8;
	v17 =	vand.u32 $0xFFF, v6;
	v4 =	vld [tilespmem:s26+$0x20]  }
0x1f4: {  	v9 =	vor.u32 v0, v9;
	v19 =	vor.u32 v0, v19;
	v21 =	vor.u32 v0, v14;
	v20 =	vld [tilespmem:s26+$0x30]  }
0x1f5: {  	v10 =	vor.u32 v0, v10;
	v11 =	vor.u32 v0, v11;
	v18 =	vand.u32 $0xFFF, v18;
	[tilespmem:v7+s16+$0x0] =	vst.idx.add.f32.msk $0xffff, v2  }
0x1f6: {  	v6 =	vshll.u32 v15, $0x4;
	v7 =	vshrl.u32 v15, $0x4;
	v5 =	vshrl.u32 v15, $0x14;
	[tilespmem:v12+s17+$0x0] =	vst.idx.add.f32.msk $0xffff, v2  }
0x1f7: {  	v5 =	vand.u32 $0xFF0, v5;
	v14 =	vshll.u32 v16, $0x4;
	v22 =	vshrl.u32 v16, $0x4;
	[tilespmem:v13+s18+$0x0] =	vst.idx.add.f32.msk $0xffff, v2  }
0x1f8: {  	v12 =	vor.u32 v0, v6;
	v13 =	vshrl.u32 v16, $0xC;
	v6 =	vor.u32 v0, v14;
	[tilespmem:v17+s15+$0x0] =	vst.idx.add.f32.msk $0xffff, v2  }
0x1f9: {  	v14 =	vshll.u32 v20, $0x4;
	v17 =	vshrl.u32 v20, $0x4;
	v23 =	vshrl.u32 v20, $0xC;
	[tilespmem:v9+s16+$0x0] =	vst.idx.add.f32.msk $0xffff, v2  }
.Ltmp7:
0x1fa: {  	v20 =	vshrl.u32 v20, $0x14;
	v14 =	vor.u32 v0, v14;
	v17 =	vand.u32 $0xFF0, v17;
	[tilespmem:v10+s17+$0x0] =	vst.idx.add.f32.msk $0xffff, v2;
	(pc) =	sbr.rel @p0 .LBB2_16-.Ltmp7, $4  }
0x1fb: {  	v9 =	vand.u32 $0xFF0, v22;
	v20 =	vand.u32 $0xFF0, v20;
	v14 =	vand.u32 $0xFFF, v14;
	[tilespmem:v11+s18+$0x0] =	vst.idx.add.f32.msk $0xffff, v2  }
0x1fc: {  	v10 =	vand.u32 $0xFF0, v13;
	v13 =	vor.u32 v0, v17;
	v11 =	vand.u32 $0xFF0, v23;
	[tilespmem:v18+s15+$0x0] =	vst.idx.add.f32.msk $0xffff, v2  }
0x1fd: {  	v17 =	vshrl.u32 v16, $0x14;
	v18 =	vshll.u32 v4, $0x4;
	v16 =	vor.u32 v0, v11;
	[tilespmem:v19+s16+$0x0] =	vst.idx.add.f32.msk $0xffff, v2  }
0x1fe: {  	v15 =	vshrl.u32 v15, $0xC;
	v11 =	vand.u32 $0xFF0, v17;
	v17 =	vor.u32 v0, v20;
	[tilespmem:v21+s17+$0x0] =	vst.idx.add.f32.msk $0xffff, v2  }
0x1ff: {  	_ =	sdelay $0x3  }
0x200: {  	v12 =	vand.u32 $0xFFF, v12;
	[tilespmem:v8+s18+$0x0] =	vst.idx.add.f32.msk $0xffff, v2;
	v7 =	vand.u32 $0xFF0, v7  }
0x201: {  	[tilespmem:v14+s15+$0x0] =	vst.idx.add.f32.msk $0xffff, v2;
	v7 =	vor.u32 v0, v7  }
0x202: {  	v8 =	vand.u32 $0xFF0, v15;
	v6 =	vand.u32 $0xFFF, v6;
	[tilespmem:v13+s16+$0x0] =	vst.idx.add.f32.msk $0xffff, v2  }
0x203: {  	v8 =	vor.u32 v0, v8;
	[tilespmem:v16+s17+$0x0] =	vst.idx.add.f32.msk $0xffff, v2  }
0x204: {  	v5 =	vor.u32 v0, v5;
	[tilespmem:v17+s18+$0x0] =	vst.idx.add.f32.msk $0xffff, v2  }
0x205: {  	v9 =	vor.u32 v0, v9;
	[tilespmem:v12+s15+$0x0] =	vst.idx.add.f32.msk $0xffff, v2  }
0x206: {  	[tilespmem:v7+s16+$0x0] =	vst.idx.add.f32.msk $0xffff, v2;
	v7 =	vor.u32 v0, v10  }
0x207: {  	v11 =	vor.u32 v0, v11;
	v12 =	vshrl.u32 v4, $0x4;
	[tilespmem:v6+s15+$0x0] =	vst.idx.add.f32.msk $0xffff, v2;
	v10 =	vor.u32 v0, v18  }
0x208: {  	[tilespmem:v8+s17+$0x0] =	vst.idx.add.f32.msk $0xffff, v2;
	v8 =	vand.u32 $0xFF0, v12;
	v12 =	vshrl.u32 v4, $0xC;
	v10 =	vand.u32 $0xFFF, v10  }
0x209: {  	v4 =	vshrl.u32 v4, $0x14;
	[tilespmem:v5+s18+$0x0] =	vst.idx.add.f32.msk $0xffff, v2;
	v5 =	vand.u32 $0xFF0, v12;
	v8 =	vor.u32 v0, v8  }
0x20a: {  	[tilespmem:v9+s16+$0x0] =	vst.idx.add.f32.msk $0xffff, v2;
	v4 =	vand.u32 $0xFF0, v4;
	v5 =	vor.u32 v0, v5  }
0x20b: {  	v4 =	vor.u32 v0, v4;
	[tilespmem:v7+s17+$0x0] =	vst.idx.add.f32.msk $0xffff, v2  }
0x20c: {  	[tilespmem:v11+s18+$0x0] =	vst.idx.add.f32.msk $0xffff, v2  }
0x20d: {  	[tilespmem:v10+s15+$0x0] =	vst.idx.add.f32.msk $0xffff, v2  }
0x20e: {  	[tilespmem:v8+s16+$0x0] =	vst.idx.add.f32.msk $0xffff, v2  }
0x20f: {  	s23 =	simm.s32 $0x0;
	s24 =	simm.s32 $0x0;
	[tilespmem:v5+s17+$0x0] =	vst.idx.add.f32.msk $0xffff, v2  }
0x210: {  	s25 =	simm.s32 $0x0;
	s24 =	sand.u32 $0x1000, s24;
	s26 =	sand.u32 $0xC00, s23;
	[tilespmem:v4+s18+$0x0] =	vst.idx.add.f32.msk $0xffff, v2  }
0x211: {  	s25 =	sand.u32 $0x380, s25;
	s24 =	sor.u32 s26, s24;
	_ =	swait.ge [sflag:s19], $0x2000  }
0x212: {  	s23 =	sand.u32 $0x40, s23;
	s24 =	sor.u32 s25, s24;
	[sflag:s19] =	ssyncset.done $0x0  }
0x213: {  	s23 =	sor.u32 s23, s24;
	[sflag:s19] =	ssyncadd.s32 $0xFFFFE000  }
0x214: {  	v4 =	vld [tilespmem:s23+$0x2030]  }
0x215: {  	v5 =	vld [tilespmem:s23+$0x2000];
	_ =	sdelay $0x2  }
0x216: {  	v8 =	vld [tilespmem:s23+$0x2010]  }
0x217: {  	v6 =	vshll.u32 v4, $0x4;
	v7 =	vshrl.u32 v4, $0x4;
	v9 =	vshrl.u32 v4, $0xC  }
0x218: {  	s29 =	simm.s32 $0x40;
	v10 =	vld [tilespmem:s23+$0x2020];
	s23 =	simm.s32 $0x200;
	v4 =	vshrl.u32 v4, $0x14;
	v11 =	vshll.u32 v5, $0x4;
	v6 =	vor.u32 v0, v6  }
0x219: {  	s30 =	simm.s32 $0x10;
	s24 =	sand.u32 $0x1000, s29;
	s31 =	sand.u32 $0xC00, s23;
	v12 =	vshrl.u32 v5, $0x14;
	v7 =	vand.u32 $0xFF0, v7;
	v6 =	vand.u32 $0xFFF, v6  }
0x21a: {  	s25 =	sand.u32 $0x380, s30;
	s26 =	sor.u32 s31, s24;
	s24 =	simm.s32 $0x40;
	v13 =	vshrl.u32 v5, $0x4;
	v9 =	vand.u32 $0xFF0, v9;
	v7 =	vor.u32 v0, v7  }
0x21b: {  	s28 =	sand.u32 $0x40, s24;
	s25 =	sor.u32 s25, s26;
	v14 =	vshll.u32 v8, $0x4;
	v11 =	vor.u32 v0, v11;
	v9 =	vor.u32 v0, v9  }
0x21c: {  	s25 =	sor.u32 s28, s25;
	v5 =	vshrl.u32 v5, $0xC;
	v4 =	vand.u32 $0xFF0, v4;
	v11 =	vand.u32 $0xFFF, v11  }
0x21d: {  	v15 =	vshrl.u32 v8, $0x4;
	v17 =	vld [tilespmem:s25+$0x2000];
	v5 =	vand.u32 $0xFF0, v5;
	v4 =	vor.u32 v0, v4  }
0x21e: {  	v16 =	vshrl.u32 v8, $0xC;
	v12 =	vand.u32 $0xFF0, v12;
	v5 =	vor.u32 v0, v5;
	[tilespmem:v6+s15+$0x0] =	vst.idx.add.f32.msk $0xffff, v2  }
0x21f: {  	v12 =	vor.u32 v0, v12;
	[tilespmem:v7+s16+$0x0] =	vst.idx.add.f32.msk $0xffff, v2;
	v7 =	vshrl.u32 v8, $0x14;
	v8 =	vshll.u32 v10, $0x4  }
0x220: {  	v6 =	vor.u32 v0, v14;
	[tilespmem:v9+s17+$0x0] =	vst.idx.add.f32.msk $0xffff, v2;
	v9 =	vor.u32 v0, v8;
	v8 =	vand.u32 $0xFF0, v13  }
0x221: {  	v14 =	vand.u32 $0xFF0, v15;
	v15 =	vand.u32 $0xFF0, v16;
	[tilespmem:v11+s15+$0x0] =	vst.idx.add.f32.msk $0xffff, v2;
	v11 =	vor.u32 v0, v8  }
0x222: {  	v19 =	vand.u32 $0xFFF, v6;
	v14 =	vor.u32 v0, v14;
	[tilespmem:v4+s18+$0x0] =	vst.idx.add.f32.msk $0xffff, v2;
	v4 =	vshrl.u32 v10, $0x4  }
0x223: {  	v16 =	vld [tilespmem:s25+$0x2010];
	v8 =	vshrl.u32 v10, $0xC;
	v13 =	vand.u32 $0xFF0, v4;
	v4 =	vshrl.u32 v10, $0x14  }
0x224: {  	v7 =	vand.u32 $0xFF0, v7;
	v18 =	vand.u32 $0xFF0, v8;
	v10 =	vand.u32 $0xFF0, v4;
	v4 =	vld [tilespmem:s25+$0x2020]  }
0x225: {  	v20 =	vor.u32 v0, v13;
	v21 =	vor.u32 v0, v18;
	v8 =	vor.u32 v0, v10;
	v10 =	vld [tilespmem:s25+$0x2030]  }
0x226: {  	v6 =	vshll.u32 v17, $0x4;
	v13 =	vor.u32 v0, v7;
	[tilespmem:v11+s16+$0x0] =	vst.idx.add.f32.msk $0xffff, v2;
	v11 =	vor.u32 v0, v15  }
0x227: {  	v7 =	vshrl.u32 v17, $0x4;
	[tilespmem:v19+s15+$0x0] =	vst.idx.add.f32.msk $0xffff, v2;
	v15 =	vand.u32 $0xFFF, v9;
	v9 =	vshrl.u32 v17, $0x14  }
0x228: {  	v18 =	vshrl.u32 v16, $0x4;
	[tilespmem:v5+s17+$0x0] =	vst.idx.add.f32.msk $0xffff, v2;
	v5 =	vand.u32 $0xFF0, v9;
	v9 =	vshll.u32 v16, $0x4  }
0x229: {  	v22 =	vshrl.u32 v16, $0xC;
	[tilespmem:v12+s18+$0x0] =	vst.idx.add.f32.msk $0xffff, v2;
	v12 =	vor.u32 v0, v6;
	v6 =	vor.u32 v0, v9  }
0x22a: {  	[tilespmem:v14+s16+$0x0] =	vst.idx.add.f32.msk $0xffff, v2;
	v9 =	vshll.u32 v10, $0x4;
	v19 =	vshrl.u32 v10, $0x4;
	v23 =	vshrl.u32 v10, $0xC  }
0x22b: {  	v10 =	vshrl.u32 v10, $0x14;
	v14 =	vor.u32 v0, v9;
	v19 =	vand.u32 $0xFF0, v19;
	[tilespmem:v11+s17+$0x0] =	vst.idx.add.f32.msk $0xffff, v2  }
0x22c: {  	v9 =	vand.u32 $0xFF0, v18;
	v24 =	vand.u32 $0xFF0, v10;
	v14 =	vand.u32 $0xFFF, v14;
	[tilespmem:v15+s15+$0x0] =	vst.idx.add.f32.msk $0xffff, v2  }
0x22d: {  	v10 =	vand.u32 $0xFF0, v22;
	v11 =	vand.u32 $0xFF0, v23;
	[tilespmem:v13+s18+$0x0] =	vst.idx.add.f32.msk $0xffff, v2;
	v13 =	vor.u32 v0, v19  }
0x22e: {  	v18 =	vshll.u32 v4, $0x4;
	v19 =	vshrl.u32 v16, $0x14;
	v16 =	vor.u32 v0, v11;
	[tilespmem:v20+s16+$0x0] =	vst.idx.add.f32.msk $0xffff, v2  }
0x22f: {  	s25 =	simm.s32 $0x4;
	v15 =	vshrl.u32 v17, $0xC;
	v17 =	vor.u32 v0, v24;
	v11 =	vand.u32 $0xFF0, v19;
	[tilespmem:v21+s17+$0x0] =	vst.idx.add.f32.msk $0xffff, v2  }
.LBB2_18:
0x230: {  	s25 =	sadd.s32 $0x4, s25;
	v12 =	vand.u32 $0xFFF, v12;
	v18 =	vor.u32 v0, v18;
	v19 =	vshrl.u32 v4, $0x4;
	[tilespmem:v8+s18+$0x0] =	vst.idx.add.f32.msk $0xffff, v2  }
0x231: {  	v8 =	vshrl.u32 v4, $0xC;
	v4 =	vshrl.u32 v4, $0x14;
	s23 =	sadd.s32 $0x200, s23;
	s26 =	sshll.u32 s25, $0x4;
	s28 =	sshll.u32 s25, $0x2;
	v19 =	vand.u32 $0xFF0, v19;
	[tilespmem:v14+s15+$0x0] =	vst.idx.add.f32.msk $0xffff, v2  }
0x232: {  	s29 =	sand.u32 $0xC00, s23;
	p0 =	slt.u32 s25, $0x1FC;
	v14 =	vand.u32 $0xFF0, v8;
	v8 =	vand.u32 $0xFF0, v4;
	s26 =	sand.u32 $0x1000, s26;
	[tilespmem:v13+s16+$0x0] =	vst.idx.add.f32.msk $0xffff, v2  }
0x233: {  	s24 =	sadd.s32 $0x40, s24;
	s28 =	sand.u32 $0x380, s28;
	s26 =	sor.u32 s29, s26;
	[tilespmem:v16+s17+$0x0] =	vst.idx.add.f32.msk $0xffff, v2  }
0x234: {  	v4 =	vand.u32 $0xFF0, v7;
	s29 =	sand.u32 $0x40, s24;
	s26 =	sor.u32 s28, s26;
	[tilespmem:v17+s18+$0x0] =	vst.idx.add.f32.msk $0xffff, v2  }
0x235: {  	v7 =	vor.u32 v0, v4;
	v4 =	vand.u32 $0xFF0, v15;
	s26 =	sor.u32 s29, s26;
	[tilespmem:v12+s15+$0x0] =	vst.idx.add.f32.msk $0xffff, v2  }
0x236: {  	v12 =	vor.u32 v0, v4;
	v15 =	vld [tilespmem:s26+$0x2000]  }
0x237: {  	v13 =	vor.u32 v0, v5;
	v16 =	vld [tilespmem:s26+$0x2010]  }
0x238: {  	v8 =	vor.u32 v0, v8;
	v17 =	vand.u32 $0xFFF, v6;
	v4 =	vld [tilespmem:s26+$0x2020]  }
0x239: {  	v9 =	vor.u32 v0, v9;
	v19 =	vor.u32 v0, v19;
	v21 =	vor.u32 v0, v14;
	v20 =	vld [tilespmem:s26+$0x2030]  }
0x23a: {  	v10 =	vor.u32 v0, v10;
	v11 =	vor.u32 v0, v11;
	v18 =	vand.u32 $0xFFF, v18;
	[tilespmem:v7+s16+$0x0] =	vst.idx.add.f32.msk $0xffff, v2  }
0x23b: {  	v6 =	vshll.u32 v15, $0x4;
	v7 =	vshrl.u32 v15, $0x4;
	v5 =	vshrl.u32 v15, $0x14;
	[tilespmem:v12+s17+$0x0] =	vst.idx.add.f32.msk $0xffff, v2  }
0x23c: {  	v5 =	vand.u32 $0xFF0, v5;
	v14 =	vshll.u32 v16, $0x4;
	v22 =	vshrl.u32 v16, $0x4;
	[tilespmem:v13+s18+$0x0] =	vst.idx.add.f32.msk $0xffff, v2  }
0x23d: {  	v12 =	vor.u32 v0, v6;
	v13 =	vshrl.u32 v16, $0xC;
	v6 =	vor.u32 v0, v14;
	[tilespmem:v17+s15+$0x0] =	vst.idx.add.f32.msk $0xffff, v2  }
0x23e: {  	v14 =	vshll.u32 v20, $0x4;
	v17 =	vshrl.u32 v20, $0x4;
	v23 =	vshrl.u32 v20, $0xC;
	[tilespmem:v9+s16+$0x0] =	vst.idx.add.f32.msk $0xffff, v2  }
.Ltmp8:
0x23f: {  	v20 =	vshrl.u32 v20, $0x14;
	v14 =	vor.u32 v0, v14;
	v17 =	vand.u32 $0xFF0, v17;
	[tilespmem:v10+s17+$0x0] =	vst.idx.add.f32.msk $0xffff, v2;
	(pc) =	sbr.rel @p0 .LBB2_18-.Ltmp8, $4  }
0x240: {  	v9 =	vand.u32 $0xFF0, v22;
	v20 =	vand.u32 $0xFF0, v20;
	v14 =	vand.u32 $0xFFF, v14;
	[tilespmem:v11+s18+$0x0] =	vst.idx.add.f32.msk $0xffff, v2  }
0x241: {  	v10 =	vand.u32 $0xFF0, v13;
	v13 =	vor.u32 v0, v17;
	v11 =	vand.u32 $0xFF0, v23;
	[tilespmem:v18+s15+$0x0] =	vst.idx.add.f32.msk $0xffff, v2  }
0x242: {  	v17 =	vshrl.u32 v16, $0x14;
	v18 =	vshll.u32 v4, $0x4;
	v16 =	vor.u32 v0, v11;
	[tilespmem:v19+s16+$0x0] =	vst.idx.add.f32.msk $0xffff, v2  }
0x243: {  	v15 =	vshrl.u32 v15, $0xC;
	v11 =	vand.u32 $0xFF0, v17;
	v17 =	vor.u32 v0, v20;
	[tilespmem:v21+s17+$0x0] =	vst.idx.add.f32.msk $0xffff, v2  }
0x244: {  	_ =	sdelay $0x3  }
0x245: {  	v12 =	vand.u32 $0xFFF, v12;
	[tilespmem:v8+s18+$0x0] =	vst.idx.add.f32.msk $0xffff, v2;
	v7 =	vand.u32 $0xFF0, v7  }
0x246: {  	[tilespmem:v14+s15+$0x0] =	vst.idx.add.f32.msk $0xffff, v2;
	v7 =	vor.u32 v0, v7  }
0x247: {  	v8 =	vand.u32 $0xFF0, v15;
	v6 =	vand.u32 $0xFFF, v6;
	[tilespmem:v13+s16+$0x0] =	vst.idx.add.f32.msk $0xffff, v2  }
0x248: {  	v8 =	vor.u32 v0, v8;
	[tilespmem:v16+s17+$0x0] =	vst.idx.add.f32.msk $0xffff, v2  }
0x249: {  	v5 =	vor.u32 v0, v5;
	[tilespmem:v17+s18+$0x0] =	vst.idx.add.f32.msk $0xffff, v2  }
0x24a: {  	v9 =	vor.u32 v0, v9;
	[tilespmem:v12+s15+$0x0] =	vst.idx.add.f32.msk $0xffff, v2  }
0x24b: {  	v61 =	vor.u32 v0, v18;
	[tilespmem:v7+s16+$0x0] =	vst.idx.add.f32.msk $0xffff, v2;
	v7 =	vor.u32 v0, v10  }
0x24c: {  	v62 =	vshrl.u32 v4, $0x4;
	[tilespmem:v6+s15+$0x0] =	vst.idx.add.f32.msk $0xffff, v2;
	v10 =	vand.u32 $0xFFF, v61  }
0x24d: {  	v11 =	vor.u32 v0, v11;
	v63 =	vshrl.u32 v4, $0xC;
	[tilespmem:v8+s17+$0x0] =	vst.idx.add.f32.msk $0xffff, v2;
	v8 =	vand.u32 $0xFF0, v62  }
0x24e: {  	v4 =	vshrl.u32 v4, $0x14;
	[tilespmem:v5+s18+$0x0] =	vst.idx.add.f32.msk $0xffff, v2;
	v5 =	vand.u32 $0xFF0, v63;
	v8 =	vor.u32 v0, v8  }
0x24f: {  	v4 =	vand.u32 $0xFF0, v4;
	[tilespmem:v9+s16+$0x0] =	vst.idx.add.f32.msk $0xffff, v2;
	v5 =	vor.u32 v0, v5  }
0x250: {  	v4 =	vor.u32 v0, v4;
	[tilespmem:v7+s17+$0x0] =	vst.idx.add.f32.msk $0xffff, v2  }
0x251: {  	[tilespmem:v10+s15+$0x0] =	vst.idx.add.f32.msk $0xffff, v2  }
0x252: {  	[tilespmem:v11+s18+$0x0] =	vst.idx.add.f32.msk $0xffff, v2  }
0x253: {  	[tilespmem:v8+s16+$0x0] =	vst.idx.add.f32.msk $0xffff, v2  }
0x254: {  	[tilespmem:v5+s17+$0x0] =	vst.idx.add.f32.msk $0xffff, v2  }
0x255: {  	s23 =	simm.s32 $0x0;
	[tilespmem:v4+s18+$0x0] =	vst.idx.add.f32.msk $0xffff, v2  }
0x256: {  	v4 =	vld [tilespmem:s23+$0x5000]  }
0x257: {  	v5 =	vld [tilespmem:s23+$0x6000]  }
0x258: {  	s24 =	simm.s32 $0x40;
	v6 =	vld [tilespmem:s23+$0x7000]  }
.LBB2_20:
0x259: {  	p0 =	sne.s32 s24, $0x3FC0;
	v7 =	vld [tilespmem:s23+$0x4000];
	_ =	sdelay $0x4  }
.Ltmp9:
0x25a: {  	v5 =	vadd.f32 v6, v5;
	v7 =	vadd.f32 v4, v7;
	(pc) =	sbr.rel @p0 .LBB2_20-.Ltmp9, $4  }
0x25b: {  	s25 =	sshra.s32 s24, $0x2  }
0x25c: {  	v4 =	vld [tilespmem:s25+$0x5000];
	v7 =	vadd.f32 v5, v7  }
0x25d: {  	v5 =	vld [tilespmem:s25+$0x6000]  }
0x25e: {  	s24 =	sadd.s32 $0x40, s24;
	v6 =	vld [tilespmem:s25+$0x7000];
	[tilespmem:s23+$0x4000] =	vst v7;
	s23 =	smov.u32 s25  }
0x25f: {  	v7 =	vld [tilespmem:s23+$0x4000];
	_ =	sdelay $0x1  }
0x260: {  	s24 =	simm.s32 $0x0  }
0x261: {  	v8 =	vmov s24  }
0x262: {  	v8 =	vshll.u32 v8, $0x4  }
0x263: {  	v5 =	vadd.f32 v6, v5;
	v6 =	vor.u32 v3, v8;
	v4 =	vadd.f32 v4, v7;
	_ =	sdelay $0x1  }
0x264: {  	v4 =	vadd.f32 v5, v4;
	v5 =	vor.u32 $0x1, v6;
	_ =	sdelay $0x1  }
0x265: {  	[tilespmem:s23+$0x4000] =	vst v4;
	v4 =	vor.u32 $0x2, v6  }
0x266: {  	v7 =	vld.idx.msk [tilespmem:v6+s15+$0x0], $0xffff  }
0x267: {  	v8 =	vor.u32 $0x3, v6  }
0x268: {  	v5 =	vld.idx.msk [tilespmem:v5+s15+$0x0], $0xffff  }
0x269: {  	v9 =	vor.u32 $0x4, v6  }
0x26a: {  	v4 =	vld.idx.msk [tilespmem:v4+s15+$0x0], $0xffff  }
0x26b: {  	v10 =	vor.u32 $0x5, v6;
	v7 =	vadd.f32 $0.0e+00, v7  }
0x26c: {  	v8 =	vld.idx.msk [tilespmem:v8+s15+$0x0], $0xffff  }
0x26d: {  	v11 =	vor.u32 $0x6, v6;
	v5 =	vadd.f32 v5, v7  }
0x26e: {  	v7 =	vld.idx.msk [tilespmem:v9+s15+$0x0], $0xffff  }
0x26f: {  	v45 =	vor.u32 $0x7, v6;
	v4 =	vadd.f32 v4, v5  }
0x270: {  	v5 =	vld.idx.msk [tilespmem:v10+s15+$0x0], $0xffff  }
0x271: {  	v46 =	vor.u32 $0x8, v6;
	v4 =	vadd.f32 v8, v4  }
0x272: {  	v8 =	vld.idx.msk [tilespmem:v11+s15+$0x0], $0xffff  }
0x273: {  	v47 =	vor.u32 $0x9, v6;
	v4 =	vadd.f32 v7, v4  }
0x274: {  	v7 =	vld.idx.msk [tilespmem:v45+s15+$0x0], $0xffff  }
0x275: {  	v48 =	vor.u32 $0xA, v6;
	v4 =	vadd.f32 v5, v4  }
0x276: {  	v5 =	vld.idx.msk [tilespmem:v46+s15+$0x0], $0xffff  }
0x277: {  	v49 =	vor.u32 $0xB, v6;
	v4 =	vadd.f32 v8, v4  }
0x278: {  	v8 =	vld.idx.msk [tilespmem:v47+s15+$0x0], $0xffff  }
0x279: {  	v50 =	vor.u32 $0xC, v6;
	v4 =	vadd.f32 v7, v4  }
0x27a: {  	v7 =	vld.idx.msk [tilespmem:v48+s15+$0x0], $0xffff  }
0x27b: {  	v51 =	vor.u32 $0xD, v6;
	v4 =	vadd.f32 v5, v4  }
0x27c: {  	v5 =	vld.idx.msk [tilespmem:v49+s15+$0x0], $0xffff  }
0x27d: {  	v52 =	vor.u32 $0xE, v6;
	v4 =	vadd.f32 v8, v4  }
0x27e: {  	v8 =	vld.idx.msk [tilespmem:v50+s15+$0x0], $0xffff  }
0x27f: {  	v6 =	vor.u32 $0xF, v6;
	v4 =	vadd.f32 v7, v4  }
0x280: {  	v7 =	vld.idx.msk [tilespmem:v51+s15+$0x0], $0xffff  }
0x281: {  	v4 =	vadd.f32 v5, v4  }
0x282: {  	v5 =	vld.idx.msk [tilespmem:v52+s15+$0x0], $0xffff  }
0x283: {  	v4 =	vadd.f32 v8, v4  }
0x284: {  	s30 =	simm.s32 $0x10;
	v6 =	vld.idx.msk [tilespmem:v6+s15+$0x0], $0xffff  }
0x285: {  	v8 =	vmov s30;
	v4 =	vadd.f32 v7, v4  }
0x286: {  	v7 =	vshll.u32 v8, $0x4  }
0x287: {  	v7 =	vor.u32 v3, v7;
	v4 =	vadd.f32 v5, v4;
	_ =	sdelay $0x1  }
0x288: {  	v5 =	vor.u32 $0x1, v7;
	v4 =	vadd.f32 v6, v4  }
0x289: {  	s23 =	simm.s32 $0x8000  }
0x28a: {  	v6 =	vor.u32 $0x2, v7;
	[tilespmem:s23+$0x0] =	vst v4  }
0x28b: {  	v4 =	vld.idx.msk [tilespmem:v7+s15+$0x0], $0xffff  }
0x28c: {  	v8 =	vor.u32 $0x3, v7  }
0x28d: {  	v5 =	vld.idx.msk [tilespmem:v5+s15+$0x0], $0xffff  }
0x28e: {  	v53 =	vor.u32 $0x4, v7  }
0x28f: {  	v6 =	vld.idx.msk [tilespmem:v6+s15+$0x0], $0xffff  }
0x290: {  	v54 =	vor.u32 $0x5, v7;
	v4 =	vadd.f32 $0.0e+00, v4  }
0x291: {  	v8 =	vld.idx.msk [tilespmem:v8+s15+$0x0], $0xffff  }
0x292: {  	v55 =	vor.u32 $0x6, v7;
	v4 =	vadd.f32 v5, v4  }
0x293: {  	v5 =	vld.idx.msk [tilespmem:v53+s15+$0x0], $0xffff  }
0x294: {  	v56 =	vor.u32 $0x7, v7;
	v4 =	vadd.f32 v6, v4  }
0x295: {  	v6 =	vld.idx.msk [tilespmem:v54+s15+$0x0], $0xffff  }
0x296: {  	v57 =	vor.u32 $0x8, v7;
	v4 =	vadd.f32 v8, v4  }
0x297: {  	v8 =	vld.idx.msk [tilespmem:v55+s15+$0x0], $0xffff  }
0x298: {  	v58 =	vor.u32 $0x9, v7;
	v4 =	vadd.f32 v5, v4  }
0x299: {  	v5 =	vld.idx.msk [tilespmem:v56+s15+$0x0], $0xffff  }
0x29a: {  	v59 =	vor.u32 $0xA, v7;
	v4 =	vadd.f32 v6, v4  }
0x29b: {  	v6 =	vld.idx.msk [tilespmem:v57+s15+$0x0], $0xffff  }
0x29c: {  	v60 =	vor.u32 $0xB, v7;
	v4 =	vadd.f32 v8, v4  }
0x29d: {  	v8 =	vld.idx.msk [tilespmem:v58+s15+$0x0], $0xffff  }
0x29e: {  	v61 =	vor.u32 $0xC, v7;
	v4 =	vadd.f32 v5, v4  }
0x29f: {  	v5 =	vld.idx.msk [tilespmem:v59+s15+$0x0], $0xffff  }
0x2a0: {  	v62 =	vor.u32 $0xD, v7;
	v4 =	vadd.f32 v6, v4  }
0x2a1: {  	v6 =	vld.idx.msk [tilespmem:v60+s15+$0x0], $0xffff  }
0x2a2: {  	v63 =	vor.u32 $0xE, v7;
	v4 =	vadd.f32 v8, v4  }
0x2a3: {  	v8 =	vld.idx.msk [tilespmem:v61+s15+$0x0], $0xffff  }
0x2a4: {  	v7 =	vor.u32 $0xF, v7;
	v4 =	vadd.f32 v5, v4  }
0x2a5: {  	v9 =	vld.idx.msk [tilespmem:v62+s15+$0x0], $0xffff  }
0x2a6: {  	v4 =	vadd.f32 v6, v4  }
0x2a7: {  	v5 =	vld.idx.msk [tilespmem:v63+s15+$0x0], $0xffff  }
0x2a8: {  	v6 =	vadd.f32 v8, v4  }
0x2a9: {  	s31 =	simm.s32 $0x20;
	v4 =	vld.idx.msk [tilespmem:v7+s15+$0x0], $0xffff  }
0x2aa: {  	s24 =	simm.s32 $0x30;
	v7 =	vmov s31;
	v6 =	vadd.f32 v9, v6  }
.LBB2_22:
0x2ab: {  	p0 =	sne.s32 s24, $0xF0;
	v7 =	vshll.u32 v7, $0x4  }
0x2ac: {  	v7 =	vor.u32 v3, v7;
	v5 =	vadd.f32 v5, v6;
	_ =	sdelay $0x1  }
0x2ad: {  	v6 =	vor.u32 $0x1, v7;
	v4 =	vadd.f32 v4, v5  }
0x2ae: {  	s23 =	sadd.s32 $0x10, s23  }
0x2af: {  	v5 =	vor.u32 $0x2, v7;
	[tilespmem:s23+$0x0] =	vst v4  }
0x2b0: {  	v4 =	vld.idx.msk [tilespmem:v7+s15+$0x0], $0xffff  }
0x2b1: {  	v8 =	vor.u32 $0x3, v7  }
0x2b2: {  	v6 =	vld.idx.msk [tilespmem:v6+s15+$0x0], $0xffff  }
0x2b3: {  	v9 =	vor.u32 $0x4, v7  }
0x2b4: {  	v5 =	vld.idx.msk [tilespmem:v5+s15+$0x0], $0xffff  }
0x2b5: {  	v10 =	vor.u32 $0x5, v7  }
0x2b6: {  	v4 =	vadd.f32 $0.0e+00, v4;
	v8 =	vld.idx.msk [tilespmem:v8+s15+$0x0], $0xffff  }
0x2b7: {  	v11 =	vor.u32 $0x6, v7  }
0x2b8: {  	v4 =	vadd.f32 v6, v4;
	v6 =	vld.idx.msk [tilespmem:v9+s15+$0x0], $0xffff  }
0x2b9: {  	v9 =	vor.u32 $0x7, v7  }
0x2ba: {  	v4 =	vadd.f32 v5, v4;
	v5 =	vld.idx.msk [tilespmem:v10+s15+$0x0], $0xffff  }
0x2bb: {  	v10 =	vor.u32 $0x8, v7  }
0x2bc: {  	v4 =	vadd.f32 v8, v4;
	v8 =	vld.idx.msk [tilespmem:v11+s15+$0x0], $0xffff  }
0x2bd: {  	v11 =	vor.u32 $0x9, v7  }
0x2be: {  	v4 =	vadd.f32 v6, v4;
	v6 =	vld.idx.msk [tilespmem:v9+s15+$0x0], $0xffff  }
0x2bf: {  	v9 =	vor.u32 $0xA, v7  }
0x2c0: {  	v4 =	vadd.f32 v5, v4;
	v5 =	vld.idx.msk [tilespmem:v10+s15+$0x0], $0xffff  }
0x2c1: {  	v10 =	vor.u32 $0xB, v7  }
0x2c2: {  	v4 =	vadd.f32 v8, v4;
	v8 =	vld.idx.msk [tilespmem:v11+s15+$0x0], $0xffff  }
0x2c3: {  	v11 =	vor.u32 $0xC, v7  }
0x2c4: {  	v4 =	vadd.f32 v6, v4;
	v6 =	vld.idx.msk [tilespmem:v9+s15+$0x0], $0xffff  }
0x2c5: {  	v9 =	vor.u32 $0xD, v7  }
0x2c6: {  	v4 =	vadd.f32 v5, v4;
	v5 =	vld.idx.msk [tilespmem:v10+s15+$0x0], $0xffff  }
0x2c7: {  	v10 =	vor.u32 $0xE, v7  }
0x2c8: {  	v4 =	vadd.f32 v8, v4;
	v8 =	vld.idx.msk [tilespmem:v11+s15+$0x0], $0xffff  }
0x2c9: {  	v7 =	vor.u32 $0xF, v7  }
0x2ca: {  	v4 =	vadd.f32 v6, v4;
	v6 =	vld.idx.msk [tilespmem:v9+s15+$0x0], $0xffff;
	_ =	sdelay $0x1  }
.Ltmp10:
0x2cb: {  	v4 =	vadd.f32 v5, v4;
	v5 =	vld.idx.msk [tilespmem:v10+s15+$0x0], $0xffff;
	(pc) =	sbr.rel @p0 .LBB2_22-.Ltmp10, $3  }
0x2cc: {  	_ = 	snop  }
0x2cd: {  	v8 =	vadd.f32 v8, v4;
	v4 =	vld.idx.msk [tilespmem:v7+s15+$0x0], $0xffff;
	_ =	sdelay $0x1  }
0x2ce: {  	v7 =	vmov s24;
	s24 =	sadd.s32 $0x10, s24;
	v6 =	vadd.f32 v6, v8  }
0x2cf: {  	v7 =	vshll.u32 v7, $0x4  }
0x2d0: {  	v7 =	vor.u32 v3, v7;
	v5 =	vadd.f32 v5, v6;
	_ =	sdelay $0x1  }
0x2d1: {  	v48 =	vor.u32 $0x1, v7;
	v4 =	vadd.f32 v4, v5  }
0x2d2: {  	s23 =	sadd.s32 $0x10, s23  }
0x2d3: {  	v5 =	vor.u32 $0x2, v7;
	[tilespmem:s23+$0x0] =	vst v4  }
0x2d4: {  	v4 =	vld.idx.msk [tilespmem:v7+s15+$0x0], $0xffff  }
0x2d5: {  	v8 =	vor.u32 $0x3, v7  }
0x2d6: {  	v6 =	vld.idx.msk [tilespmem:v48+s15+$0x0], $0xffff  }
0x2d7: {  	v9 =	vor.u32 $0x4, v7  }
0x2d8: {  	v5 =	vld.idx.msk [tilespmem:v5+s15+$0x0], $0xffff  }
0x2d9: {  	v10 =	vor.u32 $0x5, v7;
	v4 =	vadd.f32 $0.0e+00, v4  }
0x2da: {  	v8 =	vld.idx.msk [tilespmem:v8+s15+$0x0], $0xffff  }
0x2db: {  	v11 =	vor.u32 $0x6, v7;
	v4 =	vadd.f32 v6, v4  }
0x2dc: {  	v49 =	vld.idx.msk [tilespmem:v9+s15+$0x0], $0xffff  }
0x2dd: {  	v50 =	vor.u32 $0x7, v7;
	v4 =	vadd.f32 v5, v4  }
0x2de: {  	v5 =	vld.idx.msk [tilespmem:v10+s15+$0x0], $0xffff  }
0x2df: {  	v51 =	vor.u32 $0x8, v7;
	v4 =	vadd.f32 v8, v4  }
0x2e0: {  	v52 =	vld.idx.msk [tilespmem:v11+s15+$0x0], $0xffff  }
0x2e1: {  	v53 =	vor.u32 $0x9, v7;
	v4 =	vadd.f32 v49, v4  }
0x2e2: {  	v54 =	vld.idx.msk [tilespmem:v50+s15+$0x0], $0xffff  }
0x2e3: {  	v55 =	vor.u32 $0xA, v7;
	v4 =	vadd.f32 v5, v4  }
0x2e4: {  	v5 =	vld.idx.msk [tilespmem:v51+s15+$0x0], $0xffff  }
0x2e5: {  	v56 =	vor.u32 $0xB, v7;
	v4 =	vadd.f32 v52, v4  }
0x2e6: {  	v57 =	vld.idx.msk [tilespmem:v53+s15+$0x0], $0xffff  }
0x2e7: {  	v58 =	vor.u32 $0xC, v7;
	v4 =	vadd.f32 v54, v4  }
0x2e8: {  	v59 =	vld.idx.msk [tilespmem:v55+s15+$0x0], $0xffff  }
0x2e9: {  	v60 =	vor.u32 $0xD, v7;
	v4 =	vadd.f32 v5, v4  }
0x2ea: {  	v5 =	vld.idx.msk [tilespmem:v56+s15+$0x0], $0xffff  }
0x2eb: {  	v61 =	vor.u32 $0xE, v7;
	v4 =	vadd.f32 v57, v4  }
0x2ec: {  	v62 =	vld.idx.msk [tilespmem:v58+s15+$0x0], $0xffff  }
0x2ed: {  	v7 =	vor.u32 $0xF, v7;
	v4 =	vadd.f32 v59, v4  }
0x2ee: {  	v63 =	vld.idx.msk [tilespmem:v60+s15+$0x0], $0xffff  }
0x2ef: {  	v4 =	vadd.f32 v5, v4  }
0x2f0: {  	v5 =	vld.idx.msk [tilespmem:v61+s15+$0x0], $0xffff  }
0x2f1: {  	v4 =	vadd.f32 v62, v4  }
0x2f2: {  	v7 =	vld.idx.msk [tilespmem:v7+s15+$0x0], $0xffff  }
0x2f3: {  	v4 =	vadd.f32 v63, v4;
	_ =	sdelay $0x1  }
0x2f4: {  	v4 =	vadd.f32 v5, v4;
	_ =	sdelay $0x1  }
0x2f5: {  	s22 =	sadd.s32 $0x1, s22;
	v4 =	vadd.f32 v7, v4  }
0x2f6: {  	p0 =	sne.s32 s22, s12;
	s23 =	sadd.s32 $0x10, s23  }
.Ltmp11:
0x2f7: {  	[tilespmem:s23+$0x0] =	vst v4;
	(pc) =	sbr.rel @p0 .LBB2_1-.Ltmp11, $4  }
0x2f8: {  	[hbm4b:s11+s2] =	stream.linear.scatter [tilespmem:s20], [sflag:$0x3], $0x100, $0x38;
	[tilespmem:$0x8100] =	vst v63  }
0x2f9: {  	_ =	swait.ge [sflag:s21], $0x100  }
0x2fa: {  	[sflag:s21] =	ssyncset.done $0x0  }
0x2fb: {  	[sflag:s21] =	ssyncadd.s32 $0xFFFFFF00  }
0x2fc: {  	_ =	sfence.sel $0x180000  }
0x2fd: {  	[bflag:$0x0] =	sbarrier.arrive $0xFFFF  }
0x2fe: {  	p0 =	sne.s32 s1, $0x0;
	_ =	strace $0x90000047  }
0x2ff: {  	s0 =	sadd.s32 @!p0 $0x100000, s0;
	[bflag:$0x2] =	sbarrier.arrive $0xFFFF  }
0x300: {  	[sflag:s0] =	ssyncadd.tile.s32 @!p0 $0x1;
	_ =	shalt  }
.Lfunc_end2:
_tile_overlayer_lowered:
.L_overlay_start_2:
0x301: {  	(tag) =	ssettag $0x2  }
0x302: {  	s0 =	rddreg [dreg:$0x0];
	s2 =	stileid.u32  }
0x303: {  	s1 =	rddreg [dreg:$0x1];
	p0 =	sne.s32 s2, $0x0  }
0x304: {  	s3 =	rddreg [dreg:$0x2];
	[bflag:$0x3] =	sbarrier.arrive $0xFFFF;
	s2 =	simm.s32 @!p0 $0x1C03  }
0x305: {  	[timem:s3], [sflag:s2] =	dma.local @!p0 [hbm:s0], s1  }
0x306: {  	s0 =	simm.s32 @!p0 $0x3  }
0x307: {  	_ =	swait.ge @!p0 [sflag:s0], s1  }
0x308: {  	s1 =	ssub.s32 @!p0 $0x0, s1;
	[sflag:s0] =	ssyncset.done @!p0 $0x0  }
0x309: {  	[sflag:s0] =	ssyncadd.s32 @!p0 s1  }
0x30a: {  	[bflag:$0x3] =	sbarrier.arrive $0xFFFF  }
0x30b: {  	_ =	shalt  }

</sc_bundles>
